<compile_context>
chip_gen: v7x
topology: tpu7x:2x2x1
jax: 0.10.2.dev20260603
libtpu: 0.0.44.dev20260713+nightly
codegen_flags: <defaults>
</compile_context>

<pallas_src>
import functools

import jax
import jax.numpy as jnp
from jax import lax
from jax.experimental import pallas as pl
from jax.experimental.pallas import tpu as pltpu
from jax.experimental.pallas import tpu_sc as plsc

N = 10000
E = 320000
D = 128
H = 128

NP = 10240
PAD = N
NC = 2
NS = 16
NW = NC * NS
EB = 128
KB = 80
EP = NW * KB * EB
RPT = NP // NS

_mesh = plsc.VectorSubcoreMesh(
    core_axis_name="c", subcore_axis_name="s", num_cores=NC, num_subcores=NS
)


def _zero_acc(buf, acc, s):
    def zrow(r, carry):
        for u in range(H // 16):
            buf[r, pl.ds(u * 16, 16)] = jnp.zeros((16,), jnp.float32)
        return carry

    lax.fori_loop(0, EB, zrow, 0)
    for q in range(RPT // EB):
        pltpu.sync_copy(buf, acc.at[pl.ds(s * RPT + q * EB, EB)])


@functools.partial(
    pl.kernel,
    out_type=jax.ShapeDtypeStruct((NC, NP, H), jnp.float32),
    mesh=_mesh,
    scratch_types=[
        pltpu.VMEM((KB, EB), jnp.int32),
        pltpu.VMEM((EB, H), jnp.float32),
        pltpu.VMEM((EB, H), jnp.float32),
        pltpu.VMEM_SHARED((NP, H), jnp.float32),
        pltpu.SemaphoreType.DMA,
        pltpu.SemaphoreType.DMA,
    ],
)
def _sc_degrees(edges_hbm, ones_hbm, deg_out,
                idxbuf, ones, zbuf, acc, sems0, sems1):
    c = lax.axis_index("c")
    s = lax.axis_index("s")
    pltpu.sync_copy(ones_hbm, ones)
    _zero_acc(zbuf, acc, s)
    plsc.subcore_barrier()

    for h in range(2):
        pltpu.sync_copy(edges_hbm.at[c].at[pl.ds(s * 2 * KB + h * KB, KB)],
                        idxbuf)

        def body(i, carry):
            for b in range(2):
                j = 2 * i + b
                sem = sems0 if b == 0 else sems1

                @pl.when(j >= 2)
                def _():
                    pltpu.make_async_copy(ones, acc.at[idxbuf.at[0]], sem).wait()

                pltpu.async_copy(ones, acc.at[idxbuf.at[j]], sem, add=True)
            return carry

        lax.fori_loop(0, KB // 2, body, 0)
        pltpu.make_async_copy(ones, acc.at[idxbuf.at[0]], sems0).wait()
        pltpu.make_async_copy(ones, acc.at[idxbuf.at[0]], sems1).wait()

    plsc.subcore_barrier()
    pltpu.sync_copy(acc.at[pl.ds(s * RPT, RPT)],
                    deg_out.at[c].at[pl.ds(s * RPT, RPT)])


@functools.partial(
    pl.kernel,
    out_type=jax.ShapeDtypeStruct((NC, NP, H), jnp.float32),
    mesh=_mesh,
    scratch_types=[
        pltpu.VMEM((KB, EB), jnp.int32),
        pltpu.VMEM((4, EB), jnp.int32),
        pltpu.VMEM((EB, H), jnp.float32),
        pltpu.VMEM((EB, H), jnp.float32),
        pltpu.VMEM_SHARED((NP, H), jnp.float32),
        pltpu.SemaphoreType.DMA,
        pltpu.SemaphoreType.DMA,
        pltpu.SemaphoreType.DMA,
        pltpu.SemaphoreType.DMA,
    ],
)
def _sc_agg(t_hbm, src_hbm, dst_hbm, out_hbm,
            sidx, didx, rows0, rows1, acc, semr, semi, sems0, sems1):
    c = lax.axis_index("c")
    s = lax.axis_index("s")
    w = c * NS + s
    _zero_acc(rows0, acc, s)
    pltpu.sync_copy(src_hbm.at[pl.ds(w * KB, KB)], sidx)
    plsc.subcore_barrier()

    pltpu.async_copy(t_hbm.at[sidx.at[0]], rows0, semr)
    pltpu.async_copy(dst_hbm.at[w * KB], didx.at[pl.ds(0, 1)], semi)

    def body(i, carry):
        for b in range(2):
            j = 2 * i + b
            cur, nxt = (rows0, rows1) if b == 0 else (rows1, rows0)
            scur, snxt = (sems0, sems1) if b == 0 else (sems1, sems0)
            jm = lax.rem(j, 4)
            pltpu.make_async_copy(t_hbm.at[sidx.at[j]], cur, semr).wait()
            pltpu.make_async_copy(dst_hbm.at[w * KB + j],
                                  didx.at[pl.ds(jm, 1)], semi).wait()
            pltpu.async_copy(cur, acc.at[didx.at[jm]], scur, add=True)

            @pl.when(j >= 1)
            def _():
                pltpu.make_async_copy(nxt, acc.at[didx.at[0]], snxt).wait()

            @pl.when(j + 1 < KB)
            def _():
                jn = lax.rem(j + 1, 4)
                pltpu.async_copy(t_hbm.at[sidx.at[j + 1]], nxt, semr)
                pltpu.async_copy(dst_hbm.at[w * KB + j + 1],
                                 didx.at[pl.ds(jn, 1)], semi)

        return carry

    lax.fori_loop(0, KB // 2, body, 0)
    pltpu.make_async_copy(rows1, acc.at[didx.at[0]], sems1).wait()
    plsc.subcore_barrier()
    pltpu.sync_copy(acc.at[pl.ds(s * RPT, RPT)],
                    out_hbm.at[c].at[pl.ds(s * RPT, RPT)])


R = 1024


def _tc1_body(deg_ref, x_ref, w1_ref, nrm_ref, t1_ref):
    dego = deg_ref[0, :, 0]
    degi = deg_ref[1, :, 0]
    deg = jnp.stack([dego, degi])
    nrm = jnp.where(deg > 0, lax.rsqrt(jnp.maximum(deg, 1e-12)), 0.0)
    nrm_ref[...] = nrm
    ns_col = nrm[0, :][:, None]
    t1_ref[...] = (
        jnp.dot(x_ref[...], w1_ref[...], preferred_element_type=jnp.float32) * ns_col
    )


_tc1 = pl.pallas_call(
    _tc1_body,
    grid=(NP // R,),
    in_specs=[
        pl.BlockSpec((NC, R, H), lambda i: (0, i, 0)),
        pl.BlockSpec((R, D), lambda i: (i, 0)),
        pl.BlockSpec((D, H), lambda i: (0, 0)),
    ],
    out_specs=[
        pl.BlockSpec((2, R), lambda i: (0, i)),
        pl.BlockSpec((R, H), lambda i: (i, 0)),
    ],
    out_shape=[
        jax.ShapeDtypeStruct((2, NP), jnp.float32),
        jax.ShapeDtypeStruct((NP, H), jnp.float32),
    ],
)


def _tc_mid_body(aggp_ref, nrm_ref, b_ref, w_ref, t_ref):
    nd_col = nrm_ref[1, :][:, None]
    h = jnp.maximum((aggp_ref[0] + aggp_ref[1]) * nd_col + b_ref[...], 0.0)
    ns_col = nrm_ref[0, :][:, None]
    t_ref[...] = (
        jnp.dot(h, w_ref[...], preferred_element_type=jnp.float32) * ns_col
    )


_tc_mid = pl.pallas_call(
    _tc_mid_body,
    grid=(NP // R,),
    in_specs=[
        pl.BlockSpec((NC, R, H), lambda i: (0, i, 0)),
        pl.BlockSpec((2, R), lambda i: (0, i)),
        pl.BlockSpec((1, H), lambda i: (0, 0)),
        pl.BlockSpec((H, H), lambda i: (0, 0)),
    ],
    out_specs=pl.BlockSpec((R, H), lambda i: (i, 0)),
    out_shape=jax.ShapeDtypeStruct((NP, H), jnp.float32),
)


def _tc3_body(aggp_ref, nrm_ref, b_ref, w3_ref, t3_ref):
    nd_col = nrm_ref[1, :][:, None]
    h = jnp.maximum((aggp_ref[0] + aggp_ref[1]) * nd_col + b_ref[...], 0.0)
    t3 = jnp.sum(h * w3_ref[...], axis=1) * nrm_ref[0, :]
    t3_ref[...] = jnp.broadcast_to(t3[:, None], (R, H))


_tc3 = pl.pallas_call(
    _tc3_body,
    grid=(NP // R,),
    in_specs=[
        pl.BlockSpec((NC, R, H), lambda i: (0, i, 0)),
        pl.BlockSpec((2, R), lambda i: (0, i)),
        pl.BlockSpec((1, H), lambda i: (0, 0)),
        pl.BlockSpec((1, H), lambda i: (0, 0)),
    ],
    out_specs=pl.BlockSpec((R, H), lambda i: (i, 0)),
    out_shape=jax.ShapeDtypeStruct((NP, H), jnp.float32),
)


def _tc4_body(aggs_ref, nrm_ref, b3_ref, y_ref):
    a = aggs_ref[0, :, 0] + aggs_ref[1, :, 0]
    v = a * nrm_ref[1, :] + b3_ref[0, 0]
    y_ref[...] = jnp.maximum(v, 0.0)[:, None]


_tc4 = pl.pallas_call(
    _tc4_body,
    grid=(NP // R,),
    in_specs=[
        pl.BlockSpec((NC, R, H), lambda i: (0, i, 0)),
        pl.BlockSpec((2, R), lambda i: (0, i)),
        pl.BlockSpec((1, 1), lambda i: (0, 0)),
    ],
    out_specs=pl.BlockSpec((R, 1), lambda i: (i, 0)),
    out_shape=jax.ShapeDtypeStruct((NP, 1), jnp.float32),
)


def kernel(features, edge_index, W1, b1, W2, b2, W3, b3):
    x = jnp.zeros((NP, D), jnp.float32).at[:N].set(features)
    padv = PAD + jnp.arange(EP - E, dtype=jnp.int32) % (NP - N)
    srcp = jnp.concatenate([edge_index[0], padv]).reshape(EP // EB, EB)
    dstp = jnp.concatenate([edge_index[1], padv]).reshape(EP // EB, EB)
    edges2 = jnp.stack([srcp, dstp])
    dst3 = dstp.reshape(EP // EB, 1, EB)
    onesH = jnp.ones((EB, H), jnp.float32)

    deg = _sc_degrees(edges2, onesH)
    nrm, t1 = _tc1(deg, x, W1)
    agg1 = _sc_agg(t1, srcp, dst3)
    t2 = _tc_mid(agg1, nrm, b1.reshape(1, H), W2)
    agg2 = _sc_agg(t2, srcp, dst3)
    t3 = _tc3(agg2, nrm, b2.reshape(1, H), W3.reshape(1, H))
    agg3 = _sc_agg(t3, srcp, dst3)
    y = _tc4(agg3, nrm, b3.reshape(1, 1))
    return y[:N]

# --- scband reference (transcript-rebuilt; emitter-appended) ---
"""Pipeline reference for scband-gcn-72894184948293 (READ-ONLY COPY).

The authoritative reference and input builder live on the scoring server;
editing this copy changes nothing except your own understanding.
"""

import jax, jax.numpy as jnp
import numpy as np

N = 10000
E = 320000
D = 128
H = 128

def setup_inputs(seed: int = 0) -> dict:
    key = jax.random.key(seed)
    ks = jax.random.split(key, 8)
    features = jax.random.normal(ks[0], (N, D), dtype=jnp.float32)
    edge_index = jax.random.randint(ks[1], (2, E), 0, N, dtype=jnp.int32)
    W1 = jax.random.normal(ks[2], (D, H), dtype=jnp.float32) * 0.05
    b1 = jnp.zeros((H,), dtype=jnp.float32)
    W2 = jax.random.normal(ks[3], (H, H), dtype=jnp.float32) * 0.05
    b2 = jnp.zeros((H,), dtype=jnp.float32)
    W3 = jax.random.normal(ks[4], (H, 1), dtype=jnp.float32) * 0.05
    b3 = jnp.zeros((1,), dtype=jnp.float32)
    return {"features": features, "edge_index": edge_index, "W1": W1, "b1": b1, "W2": W2, "b2": b2, "W3": W3, "b3": b3}

def reference(features, edge_index, W1, b1, W2, b2, W3, b3):
    # DGL-style GraphConv with norm='both': h' = relu(D_in^{-1/2} A D_out^{-1/2} (h W) + b)
    src = edge_index[0]
    dst = edge_index[1]
    deg_out = jnp.zeros((N,), jnp.float32).at[src].add(1.0)
    deg_in = jnp.zeros((N,), jnp.float32).at[dst].add(1.0)
    norm_src = jnp.where(deg_out > 0, jax.lax.rsqrt(jnp.maximum(deg_out, 1e-12)), 0.0)
    norm_dst = jnp.where(deg_in > 0, jax.lax.rsqrt(jnp.maximum(deg_in, 1e-12)), 0.0)

    def conv(h, W, b):
        h = h @ W
        msg = h[src] * norm_src[src][:, None]          # gather + edge-normalize
        agg = jnp.zeros((N, h.shape[1]), h.dtype).at[dst].add(msg)  # scatter-add
        return jax.nn.relu(agg * norm_dst[:, None] + b)

    h = conv(features, W1, b1)
    # dropout is identity at inference (eval mode)
    h = conv(h, W2, b2)
    h = conv(h, W3, b3)
    return h

if __name__ == "__main__":
    import jax
    _d = setup_inputs()
    print(jax.jit(kernel)(*tuple(_d.values())))

</pallas_src>

<mosaic_0001>
#map = affine_map<(d0, d1) -> (0, 0)>
#map1 = affine_map<(d0, d1) -> (0, 0, 0)>
module attributes {stable_mosaic.version = 14 : i64} {
  func.func @_sc_agg(%arg0: i32, %arg1: i32, %arg2: memref<10240x128xf32, #tpu.memory_space<hbm>>, %arg3: memref<2560x128xi32, #tpu.memory_space<hbm>>, %arg4: memref<2560x1x128xi32, #tpu.memory_space<hbm>>, %arg5: memref<2x10240x128xf32, #tpu.memory_space<hbm>>, %arg6: memref<80x128xi32, #tpu.memory_space<vmem>>, %arg7: memref<4x128xi32, #tpu.memory_space<vmem>>, %arg8: memref<128x128xf32, #tpu.memory_space<vmem>>, %arg9: memref<128x128xf32, #tpu.memory_space<vmem>>, %arg10: memref<10240x128xf32, #tpu.memory_space<vmem_shared>>, %arg11: memref<!tpu.dma_semaphore, #tpu.memory_space<semaphore_mem>>, %arg12: memref<!tpu.dma_semaphore, #tpu.memory_space<semaphore_mem>>, %arg13: memref<!tpu.dma_semaphore, #tpu.memory_space<semaphore_mem>>, %arg14: memref<!tpu.dma_semaphore, #tpu.memory_space<semaphore_mem>>) attributes {dimension_semantics = [#tpu.dimension_semantics<core_parallel>, #tpu.dimension_semantics<subcore_parallel>], iteration_bounds = array<i64: 2, 16>, scalar_prefetch = 0 : i64, scratch_operands = 9 : i64, tpu.core_type = #tpu.core_type<sc_vector_subcore>, window_params = [{transform_indices = #map}, {transform_indices = #map}, {transform_indices = #map1}, {transform_indices = #map1}]} {
    %mul3A = arith.constant 16 : i32
    %mul3A_0 = arith.muli %arg0, %mul3A : i32
    %add3A = arith.addi %mul3A_0, %arg1 : i32
    %scan3A = arith.constant 0 : i32
    %scan3A_1 = arith.constant 0 : i32
    %scan3A_2 = arith.constant 128 : i32
    %scan3A_3 = arith.addi %scan3A_1, %scan3A_2 : i32
    %scan3A_4 = arith.constant 1 : i32
    scf.for %scan3A_67 = %scan3A_1 to %scan3A_3 step %scan3A_4  : i32 {
      %broadcast_in_dim3A = arith.constant 0.000000e+00 : f32
      %broadcast_in_dim3A_68 = vector.broadcast %broadcast_in_dim3A : f32 to vector<16xf32>
      %swap3A = arith.index_cast %scan3A_67 : i32 to index
      %swap3A_69 = arith.constant 0 : index
      %swap3A_70 = tpu.vector_load %arg8[%swap3A, %swap3A_69] {strides = array<i32>} : memref<128x128xf32, #tpu.memory_space<vmem>>, vector<1x16xf32>,
      %swap3A_71 = vector.shape_cast %swap3A_70 : vector<1x16xf32> to vector<16xf32>
      %swap3A_72 = vector.shape_cast %broadcast_in_dim3A_68 : vector<16xf32> to vector<1x16xf32>
      tpu.vector_store %arg8[%swap3A, %swap3A_69], %swap3A_72 {strides = array<i32>} : memref<128x128xf32, #tpu.memory_space<vmem>>, vector<1x16xf32>,
      %broadcast_in_dim3A_73 = arith.constant 0.000000e+00 : f32
      %broadcast_in_dim3A_74 = vector.broadcast %broadcast_in_dim3A_73 : f32 to vector<16xf32>
      %swap3A_75 = arith.index_cast %scan3A_67 : i32 to index
      %swap3A_76 = arith.constant 16 : index
      %swap3A_77 = tpu.vector_load %arg8[%swap3A_75, %swap3A_76] {strides = array<i32>} : memref<128x128xf32, #tpu.memory_space<vmem>>, vector<1x16xf32>,
      %swap3A_78 = vector.shape_cast %swap3A_77 : vector<1x16xf32> to vector<16xf32>
      %swap3A_79 = vector.shape_cast %broadcast_in_dim3A_74 : vector<16xf32> to vector<1x16xf32>
      tpu.vector_store %arg8[%swap3A_75, %swap3A_76], %swap3A_79 {strides = array<i32>} : memref<128x128xf32, #tpu.memory_space<vmem>>, vector<1x16xf32>,
      %broadcast_in_dim3A_80 = arith.constant 0.000000e+00 : f32
      %broadcast_in_dim3A_81 = vector.broadcast %broadcast_in_dim3A_80 : f32 to vector<16xf32>
      %swap3A_82 = arith.index_cast %scan3A_67 : i32 to index
      %swap3A_83 = arith.constant 32 : index
      %swap3A_84 = tpu.vector_load %arg8[%swap3A_82, %swap3A_83] {strides = array<i32>} : memref<128x128xf32, #tpu.memory_space<vmem>>, vector<1x16xf32>,
      %swap3A_85 = vector.shape_cast %swap3A_84 : vector<1x16xf32> to vector<16xf32>
      %swap3A_86 = vector.shape_cast %broadcast_in_dim3A_81 : vector<16xf32> to vector<1x16xf32>
      tpu.vector_store %arg8[%swap3A_82, %swap3A_83], %swap3A_86 {strides = array<i32>} : memref<128x128xf32, #tpu.memory_space<vmem>>, vector<1x16xf32>,
      %broadcast_in_dim3A_87 = arith.constant 0.000000e+00 : f32
      %broadcast_in_dim3A_88 = vector.broadcast %broadcast_in_dim3A_87 : f32 to vector<16xf32>
      %swap3A_89 = arith.index_cast %scan3A_67 : i32 to index
      %swap3A_90 = arith.constant 48 : index
      %swap3A_91 = tpu.vector_load %arg8[%swap3A_89, %swap3A_90] {strides = array<i32>} : memref<128x128xf32, #tpu.memory_space<vmem>>, vector<1x16xf32>,
      %swap3A_92 = vector.shape_cast %swap3A_91 : vector<1x16xf32> to vector<16xf32>
      %swap3A_93 = vector.shape_cast %broadcast_in_dim3A_88 : vector<16xf32> to vector<1x16xf32>
      tpu.vector_store %arg8[%swap3A_89, %swap3A_90], %swap3A_93 {strides = array<i32>} : memref<128x128xf32, #tpu.memory_space<vmem>>, vector<1x16xf32>,
      %broadcast_in_dim3A_94 = arith.constant 0.000000e+00 : f32
      %broadcast_in_dim3A_95 = vector.broadcast %broadcast_in_dim3A_94 : f32 to vector<16xf32>
      %swap3A_96 = arith.index_cast %scan3A_67 : i32 to index
      %swap3A_97 = arith.constant 64 : index
      %swap3A_98 = tpu.vector_load %arg8[%swap3A_96, %swap3A_97] {strides = array<i32>} : memref<128x128xf32, #tpu.memory_space<vmem>>, vector<1x16xf32>,
      %swap3A_99 = vector.shape_cast %swap3A_98 : vector<1x16xf32> to vector<16xf32>
      %swap3A_100 = vector.shape_cast %broadcast_in_dim3A_95 : vector<16xf32> to vector<1x16xf32>
      tpu.vector_store %arg8[%swap3A_96, %swap3A_97], %swap3A_100 {strides = array<i32>} : memref<128x128xf32, #tpu.memory_space<vmem>>, vector<1x16xf32>,
      %broadcast_in_dim3A_101 = arith.constant 0.000000e+00 : f32
      %broadcast_in_dim3A_102 = vector.broadcast %broadcast_in_dim3A_101 : f32 to vector<16xf32>
      %swap3A_103 = arith.index_cast %scan3A_67 : i32 to index
      %swap3A_104 = arith.constant 80 : index
      %swap3A_105 = tpu.vector_load %arg8[%swap3A_103, %swap3A_104] {strides = array<i32>} : memref<128x128xf32, #tpu.memory_space<vmem>>, vector<1x16xf32>,
      %swap3A_106 = vector.shape_cast %swap3A_105 : vector<1x16xf32> to vector<16xf32>
      %swap3A_107 = vector.shape_cast %broadcast_in_dim3A_102 : vector<16xf32> to vector<1x16xf32>
      tpu.vector_store %arg8[%swap3A_103, %swap3A_104], %swap3A_107 {strides = array<i32>} : memref<128x128xf32, #tpu.memory_space<vmem>>, vector<1x16xf32>,
      %broadcast_in_dim3A_108 = arith.constant 0.000000e+00 : f32
      %broadcast_in_dim3A_109 = vector.broadcast %broadcast_in_dim3A_108 : f32 to vector<16xf32>
      %swap3A_110 = arith.index_cast %scan3A_67 : i32 to index
      %swap3A_111 = arith.constant 96 : index
      %swap3A_112 = tpu.vector_load %arg8[%swap3A_110, %swap3A_111] {strides = array<i32>} : memref<128x128xf32, #tpu.memory_space<vmem>>, vector<1x16xf32>,
      %swap3A_113 = vector.shape_cast %swap3A_112 : vector<1x16xf32> to vector<16xf32>
      %swap3A_114 = vector.shape_cast %broadcast_in_dim3A_109 : vector<16xf32> to vector<1x16xf32>
      tpu.vector_store %arg8[%swap3A_110, %swap3A_111], %swap3A_114 {strides = array<i32>} : memref<128x128xf32, #tpu.memory_space<vmem>>, vector<1x16xf32>,
      %broadcast_in_dim3A_115 = arith.constant 0.000000e+00 : f32
      %broadcast_in_dim3A_116 = vector.broadcast %broadcast_in_dim3A_115 : f32 to vector<16xf32>
      %swap3A_117 = arith.index_cast %scan3A_67 : i32 to index
      %swap3A_118 = arith.constant 112 : index
      %swap3A_119 = tpu.vector_load %arg8[%swap3A_117, %swap3A_118] {strides = array<i32>} : memref<128x128xf32, #tpu.memory_space<vmem>>, vector<1x16xf32>,
      %swap3A_120 = vector.shape_cast %swap3A_119 : vector<1x16xf32> to vector<16xf32>
      %swap3A_121 = vector.shape_cast %broadcast_in_dim3A_116 : vector<16xf32> to vector<1x16xf32>
      tpu.vector_store %arg8[%swap3A_117, %swap3A_118], %swap3A_121 {strides = array<i32>} : memref<128x128xf32, #tpu.memory_space<vmem>>, vector<1x16xf32>,
    }
    %scan3A_5 = arith.constant 128 : i32
    %mul3A_6 = arith.constant 640 : i32
    %mul3A_7 = arith.muli %arg1, %mul3A_6 : i32
    %add3A_8 = arith.constant 0 : i32
    %add3A_9 = arith.addi %mul3A_7, %add3A_8 : i32
    "tpu.region"() ({
      %run_scoped3A = tpu.sem_alloc : memref<!tpu.dma_semaphore, #tpu.memory_space<semaphore_mem>>
      %dma_start3A_67 = arith.constant 0 : i32
      %dma_start3A_68 = tpu.memref_slice %arg10[%add3A_9, %dma_start3A_67] : memref<10240x128xf32, #tpu.memory_space<vmem_shared>> -> memref<128x128xf32, #tpu.memory_space<vmem_shared>>
      %dma_start3A_69 = arith.constant 0 : i32
      %dma_start3A_70 = tpu.memref_slice %arg10[%add3A_9, %dma_start3A_69] : memref<10240x128xf32, #tpu.memory_space<vmem_shared>> -> memref<128x128xf32, #tpu.memory_space<vmem_shared>>
      tpu.enqueue_dma source(%arg8 : memref<128x128xf32, #tpu.memory_space<vmem>>) target(%dma_start3A_70 : memref<128x128xf32, #tpu.memory_space<vmem_shared>>) target_semaphore(%run_scoped3A : memref<!tpu.dma_semaphore, #tpu.memory_space<semaphore_mem>>)
      %dma_wait3A_71 = arith.constant 0 : i32
      %dma_wait3A_72 = tpu.memref_slice %arg10[%add3A_9, %dma_wait3A_71] : memref<10240x128xf32, #tpu.memory_space<vmem_shared>> -> memref<128x128xf32, #tpu.memory_space<vmem_shared>>
      %dma_wait3A_73 = arith.constant 0 : i32
      %dma_wait3A_74 = tpu.memref_slice %arg10[%add3A_9, %dma_wait3A_73] : memref<10240x128xf32, #tpu.memory_space<vmem_shared>> -> memref<128x128xf32, #tpu.memory_space<vmem_shared>>
      tpu.wait_dma2 semaphore(%run_scoped3A : memref<!tpu.dma_semaphore, #tpu.memory_space<semaphore_mem>>) src(%arg8 : memref<128x128xf32, #tpu.memory_space<vmem>>) dst(%dma_wait3A_74 : memref<128x128xf32, #tpu.memory_space<vmem_shared>>)
      tpu.yield
    }) : () -> ()
    %mul3A_10 = arith.constant 640 : i32
    %mul3A_11 = arith.muli %arg1, %mul3A_10 : i32
    %add3A_12 = arith.constant 128 : i32
    %add3A_13 = arith.addi %mul3A_11, %add3A_12 : i32
    "tpu.region"() ({
      %run_scoped3A = tpu.sem_alloc : memref<!tpu.dma_semaphore, #tpu.memory_space<semaphore_mem>>
      %dma_start3A_67 = arith.constant 0 : i32
      %dma_start3A_68 = tpu.memref_slice %arg10[%add3A_13, %dma_start3A_67] : memref<10240x128xf32, #tpu.memory_space<vmem_shared>> -> memref<128x128xf32, #tpu.memory_space<vmem_shared>>
      %dma_start3A_69 = arith.constant 0 : i32
      %dma_start3A_70 = tpu.memref_slice %arg10[%add3A_13, %dma_start3A_69] : memref<10240x128xf32, #tpu.memory_space<vmem_shared>> -> memref<128x128xf32, #tpu.memory_space<vmem_shared>>
      tpu.enqueue_dma source(%arg8 : memref<128x128xf32, #tpu.memory_space<vmem>>) target(%dma_start3A_70 : memref<128x128xf32, #tpu.memory_space<vmem_shared>>) target_semaphore(%run_scoped3A : memref<!tpu.dma_semaphore, #tpu.memory_space<semaphore_mem>>)
      %dma_wait3A_71 = arith.constant 0 : i32
      %dma_wait3A_72 = tpu.memref_slice %arg10[%add3A_13, %dma_wait3A_71] : memref<10240x128xf32, #tpu.memory_space<vmem_shared>> -> memref<128x128xf32, #tpu.memory_space<vmem_shared>>
      %dma_wait3A_73 = arith.constant 0 : i32
      %dma_wait3A_74 = tpu.memref_slice %arg10[%add3A_13, %dma_wait3A_73] : memref<10240x128xf32, #tpu.memory_space<vmem_shared>> -> memref<128x128xf32, #tpu.memory_space<vmem_shared>>
      tpu.wait_dma2 semaphore(%run_scoped3A : memref<!tpu.dma_semaphore, #tpu.memory_space<semaphore_mem>>) src(%arg8 : memref<128x128xf32, #tpu.memory_space<vmem>>) dst(%dma_wait3A_74 : memref<128x128xf32, #tpu.memory_space<vmem_shared>>)
      tpu.yield
    }) : () -> ()
    %mul3A_14 = arith.constant 640 : i32
    %mul3A_15 = arith.muli %arg1, %mul3A_14 : i32
    %add3A_16 = arith.constant 256 : i32
    %add3A_17 = arith.addi %mul3A_15, %add3A_16 : i32
    "tpu.region"() ({
      %run_scoped3A = tpu.sem_alloc : memref<!tpu.dma_semaphore, #tpu.memory_space<semaphore_mem>>
      %dma_start3A_67 = arith.constant 0 : i32
      %dma_start3A_68 = tpu.memref_slice %arg10[%add3A_17, %dma_start3A_67] : memref<10240x128xf32, #tpu.memory_space<vmem_shared>> -> memref<128x128xf32, #tpu.memory_space<vmem_shared>>
      %dma_start3A_69 = arith.constant 0 : i32
      %dma_start3A_70 = tpu.memref_slice %arg10[%add3A_17, %dma_start3A_69] : memref<10240x128xf32, #tpu.memory_space<vmem_shared>> -> memref<128x128xf32, #tpu.memory_space<vmem_shared>>
      tpu.enqueue_dma source(%arg8 : memref<128x128xf32, #tpu.memory_space<vmem>>) target(%dma_start3A_70 : memref<128x128xf32, #tpu.memory_space<vmem_shared>>) target_semaphore(%run_scoped3A : memref<!tpu.dma_semaphore, #tpu.memory_space<semaphore_mem>>)
      %dma_wait3A_71 = arith.constant 0 : i32
      %dma_wait3A_72 = tpu.memref_slice %arg10[%add3A_17, %dma_wait3A_71] : memref<10240x128xf32, #tpu.memory_space<vmem_shared>> -> memref<128x128xf32, #tpu.memory_space<vmem_shared>>
      %dma_wait3A_73 = arith.constant 0 : i32
      %dma_wait3A_74 = tpu.memref_slice %arg10[%add3A_17, %dma_wait3A_73] : memref<10240x128xf32, #tpu.memory_space<vmem_shared>> -> memref<128x128xf32, #tpu.memory_space<vmem_shared>>
      tpu.wait_dma2 semaphore(%run_scoped3A : memref<!tpu.dma_semaphore, #tpu.memory_space<semaphore_mem>>) src(%arg8 : memref<128x128xf32, #tpu.memory_space<vmem>>) dst(%dma_wait3A_74 : memref<128x128xf32, #tpu.memory_space<vmem_shared>>)
      tpu.yield
    }) : () -> ()
    %mul3A_18 = arith.constant 640 : i32
    %mul3A_19 = arith.muli %arg1, %mul3A_18 : i32
    %add3A_20 = arith.constant 384 : i32
    %add3A_21 = arith.addi %mul3A_19, %add3A_20 : i32
    "tpu.region"() ({
      %run_scoped3A = tpu.sem_alloc : memref<!tpu.dma_semaphore, #tpu.memory_space<semaphore_mem>>
      %dma_start3A_67 = arith.constant 0 : i32
      %dma_start3A_68 = tpu.memref_slice %arg10[%add3A_21, %dma_start3A_67] : memref<10240x128xf32, #tpu.memory_space<vmem_shared>> -> memref<128x128xf32, #tpu.memory_space<vmem_shared>>
      %dma_start3A_69 = arith.constant 0 : i32
      %dma_start3A_70 = tpu.memref_slice %arg10[%add3A_21, %dma_start3A_69] : memref<10240x128xf32, #tpu.memory_space<vmem_shared>> -> memref<128x128xf32, #tpu.memory_space<vmem_shared>>
      tpu.enqueue_dma source(%arg8 : memref<128x128xf32, #tpu.memory_space<vmem>>) target(%dma_start3A_70 : memref<128x128xf32, #tpu.memory_space<vmem_shared>>) target_semaphore(%run_scoped3A : memref<!tpu.dma_semaphore, #tpu.memory_space<semaphore_mem>>)
      %dma_wait3A_71 = arith.constant 0 : i32
      %dma_wait3A_72 = tpu.memref_slice %arg10[%add3A_21, %dma_wait3A_71] : memref<10240x128xf32, #tpu.memory_space<vmem_shared>> -> memref<128x128xf32, #tpu.memory_space<vmem_shared>>
      %dma_wait3A_73 = arith.constant 0 : i32
      %dma_wait3A_74 = tpu.memref_slice %arg10[%add3A_21, %dma_wait3A_73] : memref<10240x128xf32, #tpu.memory_space<vmem_shared>> -> memref<128x128xf32, #tpu.memory_space<vmem_shared>>
      tpu.wait_dma2 semaphore(%run_scoped3A : memref<!tpu.dma_semaphore, #tpu.memory_space<semaphore_mem>>) src(%arg8 : memref<128x128xf32, #tpu.memory_space<vmem>>) dst(%dma_wait3A_74 : memref<128x128xf32, #tpu.memory_space<vmem_shared>>)
      tpu.yield
    }) : () -> ()
    %mul3A_22 = arith.constant 640 : i32
    %mul3A_23 = arith.muli %arg1, %mul3A_22 : i32
    %add3A_24 = arith.constant 512 : i32
    %add3A_25 = arith.addi %mul3A_23, %add3A_24 : i32
    "tpu.region"() ({
      %run_scoped3A = tpu.sem_alloc : memref<!tpu.dma_semaphore, #tpu.memory_space<semaphore_mem>>
      %dma_start3A_67 = arith.constant 0 : i32
      %dma_start3A_68 = tpu.memref_slice %arg10[%add3A_25, %dma_start3A_67] : memref<10240x128xf32, #tpu.memory_space<vmem_shared>> -> memref<128x128xf32, #tpu.memory_space<vmem_shared>>
      %dma_start3A_69 = arith.constant 0 : i32
      %dma_start3A_70 = tpu.memref_slice %arg10[%add3A_25, %dma_start3A_69] : memref<10240x128xf32, #tpu.memory_space<vmem_shared>> -> memref<128x128xf32, #tpu.memory_space<vmem_shared>>
      tpu.enqueue_dma source(%arg8 : memref<128x128xf32, #tpu.memory_space<vmem>>) target(%dma_start3A_70 : memref<128x128xf32, #tpu.memory_space<vmem_shared>>) target_semaphore(%run_scoped3A : memref<!tpu.dma_semaphore, #tpu.memory_space<semaphore_mem>>)
      %dma_wait3A_71 = arith.constant 0 : i32
      %dma_wait3A_72 = tpu.memref_slice %arg10[%add3A_25, %dma_wait3A_71] : memref<10240x128xf32, #tpu.memory_space<vmem_shared>> -> memref<128x128xf32, #tpu.memory_space<vmem_shared>>
      %dma_wait3A_73 = arith.constant 0 : i32
      %dma_wait3A_74 = tpu.memref_slice %arg10[%add3A_25, %dma_wait3A_73] : memref<10240x128xf32, #tpu.memory_space<vmem_shared>> -> memref<128x128xf32, #tpu.memory_space<vmem_shared>>
      tpu.wait_dma2 semaphore(%run_scoped3A : memref<!tpu.dma_semaphore, #tpu.memory_space<semaphore_mem>>) src(%arg8 : memref<128x128xf32, #tpu.memory_space<vmem>>) dst(%dma_wait3A_74 : memref<128x128xf32, #tpu.memory_space<vmem_shared>>)
      tpu.yield
    }) : () -> ()
    %mul3A_26 = arith.constant 80 : i32
    %mul3A_27 = arith.muli %add3A, %mul3A_26 : i32
    "tpu.region"() ({
      %run_scoped3A = tpu.sem_alloc : memref<!tpu.dma_semaphore, #tpu.memory_space<semaphore_mem>>
      %dma_start3A_67 = arith.constant 0 : i32
      %dma_start3A_68 = tpu.memref_slice %arg3[%mul3A_27, %dma_start3A_67] : memref<2560x128xi32, #tpu.memory_space<hbm>> -> memref<80x128xi32, #tpu.memory_space<hbm>>
      %dma_start3A_69 = arith.constant 0 : i32
      %dma_start3A_70 = tpu.memref_slice %arg3[%mul3A_27, %dma_start3A_69] : memref<2560x128xi32, #tpu.memory_space<hbm>> -> memref<80x128xi32, #tpu.memory_space<hbm>>
      tpu.enqueue_dma source(%dma_start3A_70 : memref<80x128xi32, #tpu.memory_space<hbm>>) target(%arg6 : memref<80x128xi32, #tpu.memory_space<vmem>>) target_semaphore(%run_scoped3A : memref<!tpu.dma_semaphore, #tpu.memory_space<semaphore_mem>>)
      %dma_wait3A_71 = arith.constant 0 : i32
      %dma_wait3A_72 = tpu.memref_slice %arg3[%mul3A_27, %dma_wait3A_71] : memref<2560x128xi32, #tpu.memory_space<hbm>> -> memref<80x128xi32, #tpu.memory_space<hbm>>
      %dma_wait3A_73 = arith.constant 0 : i32
      %dma_wait3A_74 = tpu.memref_slice %arg3[%mul3A_27, %dma_wait3A_73] : memref<2560x128xi32, #tpu.memory_space<hbm>> -> memref<80x128xi32, #tpu.memory_space<hbm>>
      tpu.wait_dma2 semaphore(%run_scoped3A : memref<!tpu.dma_semaphore, #tpu.memory_space<semaphore_mem>>) src(%dma_wait3A_74 : memref<80x128xi32, #tpu.memory_space<hbm>>) dst(%arg6 : memref<80x128xi32, #tpu.memory_space<vmem>>)
      tpu.yield
    }) : () -> ()
    %barrier3A = arith.constant 0 : index
    tpu.barrier barrier_id(%barrier3A)
    %dma_start3A = arith.constant 0 : i32
    %dma_start3A_28 = arith.constant 0 : i32
    %dma_start3A_29 = tpu.memref_slice %arg6[%dma_start3A, %dma_start3A_28] : memref<80x128xi32, #tpu.memory_space<vmem>> -> memref<1x128xi32, #tpu.memory_space<vmem>>
    %dma_start3A_30 = tpu.memref_squeeze %dma_start3A_29 : memref<1x128xi32, #tpu.memory_space<vmem>> -> memref<128xi32, #tpu.memory_space<vmem>>
    %dma_start3A_31 = arith.constant 0 : i32
    %dma_start3A_32 = arith.constant 0 : i32
    %dma_start3A_33 = tpu.memref_slice %arg2[%dma_start3A_31, %dma_start3A_32] : memref<10240x128xf32, #tpu.memory_space<hbm>> -> memref<10240x128xf32, #tpu.memory_space<hbm>>
    tpu.enqueue_indirect_dma source(%dma_start3A_33 : memref<10240x128xf32, #tpu.memory_space<hbm>>) target(%arg8 : memref<128x128xf32, #tpu.memory_space<vmem>>) offsets(%dma_start3A_30 : memref<128xi32, #tpu.memory_space<vmem>>) semaphore(%arg11 : memref<!tpu.dma_semaphore, #tpu.memory_space<semaphore_mem>>)
    %mul3A_34 = arith.constant 80 : i32
    %mul3A_35 = arith.muli %add3A, %mul3A_34 : i32
    %dma_start3A_36 = arith.constant 0 : i32
    %dma_start3A_37 = arith.constant 0 : i32
    %dma_start3A_38 = tpu.memref_slice %arg7[%dma_start3A_36, %dma_start3A_37] : memref<4x128xi32, #tpu.memory_space<vmem>> -> memref<1x128xi32, #tpu.memory_space<vmem>>
    %dma_start3A_39 = arith.constant 0 : i32
    %dma_start3A_40 = arith.constant 0 : i32
    %dma_start3A_41 = tpu.memref_slice %arg4[%mul3A_35, %dma_start3A_39, %dma_start3A_40] : memref<2560x1x128xi32, #tpu.memory_space<hbm>> -> memref<1x1x128xi32, #tpu.memory_space<hbm>>
    %dma_start3A_42 = tpu.memref_squeeze %dma_start3A_41 : memref<1x1x128xi32, #tpu.memory_space<hbm>> -> memref<1x128xi32, #tpu.memory_space<hbm>>
    %dma_start3A_43 = arith.constant 0 : i32
    %dma_start3A_44 = arith.constant 0 : i32
    %dma_start3A_45 = tpu.memref_slice %arg7[%dma_start3A_43, %dma_start3A_44] : memref<4x128xi32, #tpu.memory_space<vmem>> -> memref<1x128xi32, #tpu.memory_space<vmem>>
    %dma_start3A_46 = arith.constant 0 : i32
    %dma_start3A_47 = arith.constant 0 : i32
    %dma_start3A_48 = tpu.memref_slice %arg4[%mul3A_35, %dma_start3A_46, %dma_start3A_47] : memref<2560x1x128xi32, #tpu.memory_space<hbm>> -> memref<1x1x128xi32, #tpu.memory_space<hbm>>
    %dma_start3A_49 = tpu.memref_squeeze %dma_start3A_48 : memref<1x1x128xi32, #tpu.memory_space<hbm>> -> memref<1x128xi32, #tpu.memory_space<hbm>>
    tpu.enqueue_dma source(%dma_start3A_49 : memref<1x128xi32, #tpu.memory_space<hbm>>) target(%dma_start3A_45 : memref<1x128xi32, #tpu.memory_space<vmem>>) target_semaphore(%arg12 : memref<!tpu.dma_semaphore, #tpu.memory_space<semaphore_mem>>)
    %scan3A_50 = arith.constant 0 : i32
    %scan3A_51 = arith.constant 0 : i32
    %scan3A_52 = arith.constant 40 : i32
    %scan3A_53 = arith.addi %scan3A_51, %scan3A_52 : i32
    %scan3A_54 = arith.constant 1 : i32
    scf.for %scan3A_67 = %scan3A_51 to %scan3A_53 step %scan3A_54  : i32 {
      %mul3A_68 = arith.constant 2 : i32
      %mul3A_69 = arith.muli %mul3A_68, %scan3A_67 : i32
      %add3A_70 = arith.constant 0 : i32
      %add3A_71 = arith.addi %mul3A_69, %add3A_70 : i32
      %rem3A = arith.constant 4 : i32
      %rem3A_72 = arith.remsi %add3A_71, %rem3A : i32
      %dma_wait3A_73 = arith.constant 0 : i32
      %dma_wait3A_74 = tpu.memref_slice %arg6[%add3A_71, %dma_wait3A_73] : memref<80x128xi32, #tpu.memory_space<vmem>> -> memref<1x128xi32, #tpu.memory_space<vmem>>
      %dma_wait3A_75 = tpu.memref_squeeze %dma_wait3A_74 : memref<1x128xi32, #tpu.memory_space<vmem>> -> memref<128xi32, #tpu.memory_space<vmem>>
      %dma_wait3A_76 = arith.constant 0 : i32
      %dma_wait3A_77 = arith.constant 0 : i32
      %dma_wait3A_78 = tpu.memref_slice %arg2[%dma_wait3A_76, %dma_wait3A_77] : memref<10240x128xf32, #tpu.memory_space<hbm>> -> memref<10240x128xf32, #tpu.memory_space<hbm>>
      tpu.wait_indirect_dma semaphore(%arg11 : memref<!tpu.dma_semaphore, #tpu.memory_space<semaphore_mem>>) src(%dma_wait3A_78 : memref<10240x128xf32, #tpu.memory_space<hbm>>) dst(%arg8 : memref<128x128xf32, #tpu.memory_space<vmem>>)
      %mul3A_79 = arith.constant 80 : i32
      %mul3A_80 = arith.muli %add3A, %mul3A_79 : i32
      %add3A_81 = arith.addi %mul3A_80, %add3A_71 : i32
      %dma_wait3A_82 = arith.constant 0 : i32
      %dma_wait3A_83 = tpu.memref_slice %arg7[%rem3A_72, %dma_wait3A_82] : memref<4x128xi32, #tpu.memory_space<vmem>> -> memref<1x128xi32, #tpu.memory_space<vmem>>
      %dma_wait3A_84 = arith.constant 0 : i32
      %dma_wait3A_85 = arith.constant 0 : i32
      %dma_wait3A_86 = tpu.memref_slice %arg4[%add3A_81, %dma_wait3A_84, %dma_wait3A_85] : memref<2560x1x128xi32, #tpu.memory_space<hbm>> -> memref<1x1x128xi32, #tpu.memory_space<hbm>>
      %dma_wait3A_87 = tpu.memref_squeeze %dma_wait3A_86 : memref<1x1x128xi32, #tpu.memory_space<hbm>> -> memref<1x128xi32, #tpu.memory_space<hbm>>
      %dma_wait3A_88 = arith.constant 0 : i32
      %dma_wait3A_89 = tpu.memref_slice %arg7[%rem3A_72, %dma_wait3A_88] : memref<4x128xi32, #tpu.memory_space<vmem>> -> memref<1x128xi32, #tpu.memory_space<vmem>>
      %dma_wait3A_90 = arith.constant 0 : i32
      %dma_wait3A_91 = arith.constant 0 : i32
      %dma_wait3A_92 = tpu.memref_slice %arg4[%add3A_81, %dma_wait3A_90, %dma_wait3A_91] : memref<2560x1x128xi32, #tpu.memory_space<hbm>> -> memref<1x1x128xi32, #tpu.memory_space<hbm>>
      %dma_wait3A_93 = tpu.memref_squeeze %dma_wait3A_92 : memref<1x1x128xi32, #tpu.memory_space<hbm>> -> memref<1x128xi32, #tpu.memory_space<hbm>>
      tpu.wait_dma2 semaphore(%arg12 : memref<!tpu.dma_semaphore, #tpu.memory_space<semaphore_mem>>) src(%dma_wait3A_93 : memref<1x128xi32, #tpu.memory_space<hbm>>) dst(%dma_wait3A_89 : memref<1x128xi32, #tpu.memory_space<vmem>>)
      %dma_start3A_94 = arith.constant 0 : i32
      %dma_start3A_95 = tpu.memref_slice %arg7[%rem3A_72, %dma_start3A_94] : memref<4x128xi32, #tpu.memory_space<vmem>> -> memref<1x128xi32, #tpu.memory_space<vmem>>
      %dma_start3A_96 = tpu.memref_squeeze %dma_start3A_95 : memref<1x128xi32, #tpu.memory_space<vmem>> -> memref<128xi32, #tpu.memory_space<vmem>>
      %dma_start3A_97 = arith.constant 0 : i32
      %dma_start3A_98 = arith.constant 0 : i32
      %dma_start3A_99 = tpu.memref_slice %arg10[%dma_start3A_97, %dma_start3A_98] : memref<10240x128xf32, #tpu.memory_space<vmem_shared>> -> memref<10240x128xf32, #tpu.memory_space<vmem_shared>>
      tpu.enqueue_indirect_dma source(%arg8 : memref<128x128xf32, #tpu.memory_space<vmem>>) target(%dma_start3A_99 : memref<10240x128xf32, #tpu.memory_space<vmem_shared>>) offsets(%dma_start3A_96 : memref<128xi32, #tpu.memory_space<vmem>>) semaphore(%arg13 : memref<!tpu.dma_semaphore, #tpu.memory_space<semaphore_mem>>) {add = true}
      %ge3A = arith.constant 1 : i32
      %ge3A_100 = arith.cmpi sge, %add3A_71, %ge3A : i32
      %convert_element_type3A = arith.extui %ge3A_100 : i1 to i32
      %cond3A = arith.constant 0 : i32
      %cond3A_101 = arith.cmpi ne, %convert_element_type3A, %cond3A : i32
      scf.if %cond3A_101 {
        %dma_wait3A_153 = arith.constant 0 : i32
        %dma_wait3A_154 = arith.constant 0 : i32
        %dma_wait3A_155 = tpu.memref_slice %arg7[%dma_wait3A_153, %dma_wait3A_154] : memref<4x128xi32, #tpu.memory_space<vmem>> -> memref<1x128xi32, #tpu.memory_space<vmem>>
        %dma_wait3A_156 = tpu.memref_squeeze %dma_wait3A_155 : memref<1x128xi32, #tpu.memory_space<vmem>> -> memref<128xi32, #tpu.memory_space<vmem>>
        %dma_wait3A_157 = arith.constant 0 : i32
        %dma_wait3A_158 = arith.constant 0 : i32
        %dma_wait3A_159 = tpu.memref_slice %arg10[%dma_wait3A_157, %dma_wait3A_158] : memref<10240x128xf32, #tpu.memory_space<vmem_shared>> -> memref<10240x128xf32, #tpu.memory_space<vmem_shared>>
        tpu.wait_indirect_dma semaphore(%arg14 : memref<!tpu.dma_semaphore, #tpu.memory_space<semaphore_mem>>) src(%arg9 : memref<128x128xf32, #tpu.memory_space<vmem>>) dst(%dma_wait3A_159 : memref<10240x128xf32, #tpu.memory_space<vmem_shared>>)
      } else {
      }
      %add3A_102 = arith.constant 1 : i32
      %add3A_103 = arith.addi %add3A_71, %add3A_102 : i32
      %lt3A = arith.constant 80 : i32
      %lt3A_104 = arith.cmpi slt, %add3A_103, %lt3A : i32
      %convert_element_type3A_105 = arith.extui %lt3A_104 : i1 to i32
      %cond3A_106 = arith.constant 0 : i32
      %cond3A_107 = arith.cmpi ne, %convert_element_type3A_105, %cond3A_106 : i32
      scf.if %cond3A_107 {
        %add3A_153 = arith.constant 1 : i32
        %add3A_154 = arith.addi %add3A_71, %add3A_153 : i32
        %rem3A_155 = arith.constant 4 : i32
        %rem3A_156 = arith.remsi %add3A_154, %rem3A_155 : i32
        %add3A_157 = arith.constant 1 : i32
        %add3A_158 = arith.addi %add3A_71, %add3A_157 : i32
        %dma_start3A_159 = arith.constant 0 : i32
        %dma_start3A_160 = tpu.memref_slice %arg6[%add3A_158, %dma_start3A_159] : memref<80x128xi32, #tpu.memory_space<vmem>> -> memref<1x128xi32, #tpu.memory_space<vmem>>
        %dma_start3A_161 = tpu.memref_squeeze %dma_start3A_160 : memref<1x128xi32, #tpu.memory_space<vmem>> -> memref<128xi32, #tpu.memory_space<vmem>>
        %dma_start3A_162 = arith.constant 0 : i32
        %dma_start3A_163 = arith.constant 0 : i32
        %dma_start3A_164 = tpu.memref_slice %arg2[%dma_start3A_162, %dma_start3A_163] : memref<10240x128xf32, #tpu.memory_space<hbm>> -> memref<10240x128xf32, #tpu.memory_space<hbm>>
        tpu.enqueue_indirect_dma source(%dma_start3A_164 : memref<10240x128xf32, #tpu.memory_space<hbm>>) target(%arg9 : memref<128x128xf32, #tpu.memory_space<vmem>>) offsets(%dma_start3A_161 : memref<128xi32, #tpu.memory_space<vmem>>) semaphore(%arg11 : memref<!tpu.dma_semaphore, #tpu.memory_space<semaphore_mem>>)
        %mul3A_165 = arith.constant 80 : i32
        %mul3A_166 = arith.muli %add3A, %mul3A_165 : i32
        %add3A_167 = arith.addi %mul3A_166, %add3A_71 : i32
        %add3A_168 = arith.constant 1 : i32
        %add3A_169 = arith.addi %add3A_167, %add3A_168 : i32
        %dma_start3A_170 = arith.constant 0 : i32
        %dma_start3A_171 = tpu.memref_slice %arg7[%rem3A_156, %dma_start3A_170] : memref<4x128xi32, #tpu.memory_space<vmem>> -> memref<1x128xi32, #tpu.memory_space<vmem>>
        %dma_start3A_172 = arith.constant 0 : i32
        %dma_start3A_173 = arith.constant 0 : i32
        %dma_start3A_174 = tpu.memref_slice %arg4[%add3A_169, %dma_start3A_172, %dma_start3A_173] : memref<2560x1x128xi32, #tpu.memory_space<hbm>> -> memref<1x1x128xi32, #tpu.memory_space<hbm>>
        %dma_start3A_175 = tpu.memref_squeeze %dma_start3A_174 : memref<1x1x128xi32, #tpu.memory_space<hbm>> -> memref<1x128xi32, #tpu.memory_space<hbm>>
        %dma_start3A_176 = arith.constant 0 : i32
        %dma_start3A_177 = tpu.memref_slice %arg7[%rem3A_156, %dma_start3A_176] : memref<4x128xi32, #tpu.memory_space<vmem>> -> memref<1x128xi32, #tpu.memory_space<vmem>>
        %dma_start3A_178 = arith.constant 0 : i32
        %dma_start3A_179 = arith.constant 0 : i32
        %dma_start3A_180 = tpu.memref_slice %arg4[%add3A_169, %dma_start3A_178, %dma_start3A_179] : memref<2560x1x128xi32, #tpu.memory_space<hbm>> -> memref<1x1x128xi32, #tpu.memory_space<hbm>>
        %dma_start3A_181 = tpu.memref_squeeze %dma_start3A_180 : memref<1x1x128xi32, #tpu.memory_space<hbm>> -> memref<1x128xi32, #tpu.memory_space<hbm>>
        tpu.enqueue_dma source(%dma_start3A_181 : memref<1x128xi32, #tpu.memory_space<hbm>>) target(%dma_start3A_177 : memref<1x128xi32, #tpu.memory_space<vmem>>) target_semaphore(%arg12 : memref<!tpu.dma_semaphore, #tpu.memory_space<semaphore_mem>>)
      } else {
      }
      %mul3A_108 = arith.constant 2 : i32
      %mul3A_109 = arith.muli %mul3A_108, %scan3A_67 : i32
      %add3A_110 = arith.constant 1 : i32
      %add3A_111 = arith.addi %mul3A_109, %add3A_110 : i32
      %rem3A_112 = arith.constant 4 : i32
      %rem3A_113 = arith.remsi %add3A_111, %rem3A_112 : i32
      %dma_wait3A_114 = arith.constant 0 : i32
      %dma_wait3A_115 = tpu.memref_slice %arg6[%add3A_111, %dma_wait3A_114] : memref<80x128xi32, #tpu.memory_space<vmem>> -> memref<1x128xi32, #tpu.memory_space<vmem>>
      %dma_wait3A_116 = tpu.memref_squeeze %dma_wait3A_115 : memref<1x128xi32, #tpu.memory_space<vmem>> -> memref<128xi32, #tpu.memory_space<vmem>>
      %dma_wait3A_117 = arith.constant 0 : i32
      %dma_wait3A_118 = arith.constant 0 : i32
      %dma_wait3A_119 = tpu.memref_slice %arg2[%dma_wait3A_117, %dma_wait3A_118] : memref<10240x128xf32, #tpu.memory_space<hbm>> -> memref<10240x128xf32, #tpu.memory_space<hbm>>
      tpu.wait_indirect_dma semaphore(%arg11 : memref<!tpu.dma_semaphore, #tpu.memory_space<semaphore_mem>>) src(%dma_wait3A_119 : memref<10240x128xf32, #tpu.memory_space<hbm>>) dst(%arg9 : memref<128x128xf32, #tpu.memory_space<vmem>>)
      %mul3A_120 = arith.constant 80 : i32
      %mul3A_121 = arith.muli %add3A, %mul3A_120 : i32
      %add3A_122 = arith.addi %mul3A_121, %add3A_111 : i32
      %dma_wait3A_123 = arith.constant 0 : i32
      %dma_wait3A_124 = tpu.memref_slice %arg7[%rem3A_113, %dma_wait3A_123] : memref<4x128xi32, #tpu.memory_space<vmem>> -> memref<1x128xi32, #tpu.memory_space<vmem>>
      %dma_wait3A_125 = arith.constant 0 : i32
      %dma_wait3A_126 = arith.constant 0 : i32
      %dma_wait3A_127 = tpu.memref_slice %arg4[%add3A_122, %dma_wait3A_125, %dma_wait3A_126] : memref<2560x1x128xi32, #tpu.memory_space<hbm>> -> memref<1x1x128xi32, #tpu.memory_space<hbm>>
      %dma_wait3A_128 = tpu.memref_squeeze %dma_wait3A_127 : memref<1x1x128xi32, #tpu.memory_space<hbm>> -> memref<1x128xi32, #tpu.memory_space<hbm>>
      %dma_wait3A_129 = arith.constant 0 : i32
      %dma_wait3A_130 = tpu.memref_slice %arg7[%rem3A_113, %dma_wait3A_129] : memref<4x128xi32, #tpu.memory_space<vmem>> -> memref<1x128xi32, #tpu.memory_space<vmem>>
      %dma_wait3A_131 = arith.constant 0 : i32
      %dma_wait3A_132 = arith.constant 0 : i32
      %dma_wait3A_133 = tpu.memref_slice %arg4[%add3A_122, %dma_wait3A_131, %dma_wait3A_132] : memref<2560x1x128xi32, #tpu.memory_space<hbm>> -> memref<1x1x128xi32, #tpu.memory_space<hbm>>
      %dma_wait3A_134 = tpu.memref_squeeze %dma_wait3A_133 : memref<1x1x128xi32, #tpu.memory_space<hbm>> -> memref<1x128xi32, #tpu.memory_space<hbm>>
      tpu.wait_dma2 semaphore(%arg12 : memref<!tpu.dma_semaphore, #tpu.memory_space<semaphore_mem>>) src(%dma_wait3A_134 : memref<1x128xi32, #tpu.memory_space<hbm>>) dst(%dma_wait3A_130 : memref<1x128xi32, #tpu.memory_space<vmem>>)
      %dma_start3A_135 = arith.constant 0 : i32
      %dma_start3A_136 = tpu.memref_slice %arg7[%rem3A_113, %dma_start3A_135] : memref<4x128xi32, #tpu.memory_space<vmem>> -> memref<1x128xi32, #tpu.memory_space<vmem>>
      %dma_start3A_137 = tpu.memref_squeeze %dma_start3A_136 : memref<1x128xi32, #tpu.memory_space<vmem>> -> memref<128xi32, #tpu.memory_space<vmem>>
      %dma_start3A_138 = arith.constant 0 : i32
      %dma_start3A_139 = arith.constant 0 : i32
      %dma_start3A_140 = tpu.memref_slice %arg10[%dma_start3A_138, %dma_start3A_139] : memref<10240x128xf32, #tpu.memory_space<vmem_shared>> -> memref<10240x128xf32, #tpu.memory_space<vmem_shared>>
      tpu.enqueue_indirect_dma source(%arg9 : memref<128x128xf32, #tpu.memory_space<vmem>>) target(%dma_start3A_140 : memref<10240x128xf32, #tpu.memory_space<vmem_shared>>) offsets(%dma_start3A_137 : memref<128xi32, #tpu.memory_space<vmem>>) semaphore(%arg14 : memref<!tpu.dma_semaphore, #tpu.memory_space<semaphore_mem>>) {add = true}
      %ge3A_141 = arith.constant 1 : i32
      %ge3A_142 = arith.cmpi sge, %add3A_111, %ge3A_141 : i32
      %convert_element_type3A_143 = arith.extui %ge3A_142 : i1 to i32
      %cond3A_144 = arith.constant 0 : i32
      %cond3A_145 = arith.cmpi ne, %convert_element_type3A_143, %cond3A_144 : i32
      scf.if %cond3A_145 {
        %dma_wait3A_153 = arith.constant 0 : i32
        %dma_wait3A_154 = arith.constant 0 : i32
        %dma_wait3A_155 = tpu.memref_slice %arg7[%dma_wait3A_153, %dma_wait3A_154] : memref<4x128xi32, #tpu.memory_space<vmem>> -> memref<1x128xi32, #tpu.memory_space<vmem>>
        %dma_wait3A_156 = tpu.memref_squeeze %dma_wait3A_155 : memref<1x128xi32, #tpu.memory_space<vmem>> -> memref<128xi32, #tpu.memory_space<vmem>>
        %dma_wait3A_157 = arith.constant 0 : i32
        %dma_wait3A_158 = arith.constant 0 : i32
        %dma_wait3A_159 = tpu.memref_slice %arg10[%dma_wait3A_157, %dma_wait3A_158] : memref<10240x128xf32, #tpu.memory_space<vmem_shared>> -> memref<10240x128xf32, #tpu.memory_space<vmem_shared>>
        tpu.wait_indirect_dma semaphore(%arg13 : memref<!tpu.dma_semaphore, #tpu.memory_space<semaphore_mem>>) src(%arg8 : memref<128x128xf32, #tpu.memory_space<vmem>>) dst(%dma_wait3A_159 : memref<10240x128xf32, #tpu.memory_space<vmem_shared>>)
      } else {
      }
      %add3A_146 = arith.constant 1 : i32
      %add3A_147 = arith.addi %add3A_111, %add3A_146 : i32
      %lt3A_148 = arith.constant 80 : i32
      %lt3A_149 = arith.cmpi slt, %add3A_147, %lt3A_148 : i32
      %convert_element_type3A_150 = arith.extui %lt3A_149 : i1 to i32
      %cond3A_151 = arith.constant 0 : i32
      %cond3A_152 = arith.cmpi ne, %convert_element_type3A_150, %cond3A_151 : i32
      scf.if %cond3A_152 {
        %add3A_153 = arith.constant 1 : i32
        %add3A_154 = arith.addi %add3A_111, %add3A_153 : i32
        %rem3A_155 = arith.constant 4 : i32
        %rem3A_156 = arith.remsi %add3A_154, %rem3A_155 : i32
        %add3A_157 = arith.constant 1 : i32
        %add3A_158 = arith.addi %add3A_111, %add3A_157 : i32
        %dma_start3A_159 = arith.constant 0 : i32
        %dma_start3A_160 = tpu.memref_slice %arg6[%add3A_158, %dma_start3A_159] : memref<80x128xi32, #tpu.memory_space<vmem>> -> memref<1x128xi32, #tpu.memory_space<vmem>>
        %dma_start3A_161 = tpu.memref_squeeze %dma_start3A_160 : memref<1x128xi32, #tpu.memory_space<vmem>> -> memref<128xi32, #tpu.memory_space<vmem>>
        %dma_start3A_162 = arith.constant 0 : i32
        %dma_start3A_163 = arith.constant 0 : i32
        %dma_start3A_164 = tpu.memref_slice %arg2[%dma_start3A_162, %dma_start3A_163] : memref<10240x128xf32, #tpu.memory_space<hbm>> -> memref<10240x128xf32, #tpu.memory_space<hbm>>
        tpu.enqueue_indirect_dma source(%dma_start3A_164 : memref<10240x128xf32, #tpu.memory_space<hbm>>) target(%arg8 : memref<128x128xf32, #tpu.memory_space<vmem>>) offsets(%dma_start3A_161 : memref<128xi32, #tpu.memory_space<vmem>>) semaphore(%arg11 : memref<!tpu.dma_semaphore, #tpu.memory_space<semaphore_mem>>)
        %mul3A_165 = arith.constant 80 : i32
        %mul3A_166 = arith.muli %add3A, %mul3A_165 : i32
        %add3A_167 = arith.addi %mul3A_166, %add3A_111 : i32
        %add3A_168 = arith.constant 1 : i32
        %add3A_169 = arith.addi %add3A_167, %add3A_168 : i32
        %dma_start3A_170 = arith.constant 0 : i32
        %dma_start3A_171 = tpu.memref_slice %arg7[%rem3A_156, %dma_start3A_170] : memref<4x128xi32, #tpu.memory_space<vmem>> -> memref<1x128xi32, #tpu.memory_space<vmem>>
        %dma_start3A_172 = arith.constant 0 : i32
        %dma_start3A_173 = arith.constant 0 : i32
        %dma_start3A_174 = tpu.memref_slice %arg4[%add3A_169, %dma_start3A_172, %dma_start3A_173] : memref<2560x1x128xi32, #tpu.memory_space<hbm>> -> memref<1x1x128xi32, #tpu.memory_space<hbm>>
        %dma_start3A_175 = tpu.memref_squeeze %dma_start3A_174 : memref<1x1x128xi32, #tpu.memory_space<hbm>> -> memref<1x128xi32, #tpu.memory_space<hbm>>
        %dma_start3A_176 = arith.constant 0 : i32
        %dma_start3A_177 = tpu.memref_slice %arg7[%rem3A_156, %dma_start3A_176] : memref<4x128xi32, #tpu.memory_space<vmem>> -> memref<1x128xi32, #tpu.memory_space<vmem>>
        %dma_start3A_178 = arith.constant 0 : i32
        %dma_start3A_179 = arith.constant 0 : i32
        %dma_start3A_180 = tpu.memref_slice %arg4[%add3A_169, %dma_start3A_178, %dma_start3A_179] : memref<2560x1x128xi32, #tpu.memory_space<hbm>> -> memref<1x1x128xi32, #tpu.memory_space<hbm>>
        %dma_start3A_181 = tpu.memref_squeeze %dma_start3A_180 : memref<1x1x128xi32, #tpu.memory_space<hbm>> -> memref<1x128xi32, #tpu.memory_space<hbm>>
        tpu.enqueue_dma source(%dma_start3A_181 : memref<1x128xi32, #tpu.memory_space<hbm>>) target(%dma_start3A_177 : memref<1x128xi32, #tpu.memory_space<vmem>>) target_semaphore(%arg12 : memref<!tpu.dma_semaphore, #tpu.memory_space<semaphore_mem>>)
      } else {
      }
    }
    %scan3A_55 = arith.constant 40 : i32
    %dma_wait3A = arith.constant 0 : i32
    %dma_wait3A_56 = arith.constant 0 : i32
    %dma_wait3A_57 = tpu.memref_slice %arg7[%dma_wait3A, %dma_wait3A_56] : memref<4x128xi32, #tpu.memory_space<vmem>> -> memref<1x128xi32, #tpu.memory_space<vmem>>
    %dma_wait3A_58 = tpu.memref_squeeze %dma_wait3A_57 : memref<1x128xi32, #tpu.memory_space<vmem>> -> memref<128xi32, #tpu.memory_space<vmem>>
    %dma_wait3A_59 = arith.constant 0 : i32
    %dma_wait3A_60 = arith.constant 0 : i32
    %dma_wait3A_61 = tpu.memref_slice %arg10[%dma_wait3A_59, %dma_wait3A_60] : memref<10240x128xf32, #tpu.memory_space<vmem_shared>> -> memref<10240x128xf32, #tpu.memory_space<vmem_shared>>
    tpu.wait_indirect_dma semaphore(%arg14 : memref<!tpu.dma_semaphore, #tpu.memory_space<semaphore_mem>>) src(%arg9 : memref<128x128xf32, #tpu.memory_space<vmem>>) dst(%dma_wait3A_61 : memref<10240x128xf32, #tpu.memory_space<vmem_shared>>)
    %barrier3A_62 = arith.constant 0 : index
    tpu.barrier barrier_id(%barrier3A_62)
    %mul3A_63 = arith.constant 640 : i32
    %mul3A_64 = arith.muli %arg1, %mul3A_63 : i32
    %mul3A_65 = arith.constant 640 : i32
    %mul3A_66 = arith.muli %arg1, %mul3A_65 : i32
    "tpu.region"() ({
      %run_scoped3A = tpu.sem_alloc : memref<!tpu.dma_semaphore, #tpu.memory_space<semaphore_mem>>
      %dma_start3A_67 = arith.constant 0 : i32
      %dma_start3A_68 = arith.constant 0 : i32
      %dma_start3A_69 = tpu.memref_slice %arg5[%arg0, %dma_start3A_67, %dma_start3A_68] : memref<2x10240x128xf32, #tpu.memory_space<hbm>> -> memref<1x10240x128xf32, #tpu.memory_space<hbm>>
      %dma_start3A_70 = tpu.memref_squeeze %dma_start3A_69 : memref<1x10240x128xf32, #tpu.memory_space<hbm>> -> memref<10240x128xf32, #tpu.memory_space<hbm>>
      %dma_start3A_71 = arith.constant 0 : i32
      %dma_start3A_72 = tpu.memref_slice %dma_start3A_70[%mul3A_66, %dma_start3A_71] : memref<10240x128xf32, #tpu.memory_space<hbm>> -> memref<640x128xf32, #tpu.memory_space<hbm>>
      %dma_start3A_73 = arith.constant 0 : i32
      %dma_start3A_74 = tpu.memref_slice %arg10[%mul3A_64, %dma_start3A_73] : memref<10240x128xf32, #tpu.memory_space<vmem_shared>> -> memref<640x128xf32, #tpu.memory_space<vmem_shared>>
      tpu.enqueue_dma source(%dma_start3A_74 : memref<640x128xf32, #tpu.memory_space<vmem_shared>>) target(%dma_start3A_72 : memref<640x128xf32, #tpu.memory_space<hbm>>) target_semaphore(%run_scoped3A : memref<!tpu.dma_semaphore, #tpu.memory_space<semaphore_mem>>)
      %dma_wait3A_75 = arith.constant 0 : i32
      %dma_wait3A_76 = arith.constant 0 : i32
      %dma_wait3A_77 = tpu.memref_slice %arg5[%arg0, %dma_wait3A_75, %dma_wait3A_76] : memref<2x10240x128xf32, #tpu.memory_space<hbm>> -> memref<1x10240x128xf32, #tpu.memory_space<hbm>>
      %dma_wait3A_78 = tpu.memref_squeeze %dma_wait3A_77 : memref<1x10240x128xf32, #tpu.memory_space<hbm>> -> memref<10240x128xf32, #tpu.memory_space<hbm>>
      %dma_wait3A_79 = arith.constant 0 : i32
      %dma_wait3A_80 = tpu.memref_slice %dma_wait3A_78[%mul3A_66, %dma_wait3A_79] : memref<10240x128xf32, #tpu.memory_space<hbm>> -> memref<640x128xf32, #tpu.memory_space<hbm>>
      %dma_wait3A_81 = arith.constant 0 : i32
      %dma_wait3A_82 = tpu.memref_slice %arg10[%mul3A_64, %dma_wait3A_81] : memref<10240x128xf32, #tpu.memory_space<vmem_shared>> -> memref<640x128xf32, #tpu.memory_space<vmem_shared>>
      tpu.wait_dma2 semaphore(%run_scoped3A : memref<!tpu.dma_semaphore, #tpu.memory_space<semaphore_mem>>) src(%dma_wait3A_82 : memref<640x128xf32, #tpu.memory_space<vmem_shared>>) dst(%dma_wait3A_80 : memref<640x128xf32, #tpu.memory_space<hbm>>)
      tpu.yield
    }) : () -> ()
    return
  }
}

#map = affine_map<(d0, d1) -> (0, 0)>
#map1 = affine_map<(d0, d1) -> (0, 0, 0)>
module attributes {stable_mosaic.version = 14 : i64} {
  func.func @_sc_agg(%arg0: i32, %arg1: i32, %arg2: memref<10240x128xf32, #tpu.memory_space<hbm>>, %arg3: memref<2560x128xi32, #tpu.memory_space<hbm>>, %arg4: memref<2560x1x128xi32, #tpu.memory_space<hbm>>, %arg5: memref<2x10240x128xf32, #tpu.memory_space<hbm>>, %arg6: memref<80x128xi32, #tpu.memory_space<vmem>>, %arg7: memref<4x128xi32, #tpu.memory_space<vmem>>, %arg8: memref<128x128xf32, #tpu.memory_space<vmem>>, %arg9: memref<128x128xf32, #tpu.memory_space<vmem>>, %arg10: memref<10240x128xf32, #tpu.memory_space<vmem_shared>>, %arg11: memref<!tpu.dma_semaphore, #tpu.memory_space<semaphore_mem>>, %arg12: memref<!tpu.dma_semaphore, #tpu.memory_space<semaphore_mem>>, %arg13: memref<!tpu.dma_semaphore, #tpu.memory_space<semaphore_mem>>, %arg14: memref<!tpu.dma_semaphore, #tpu.memory_space<semaphore_mem>>) attributes {dimension_semantics = [#tpu.dimension_semantics<core_parallel>, #tpu.dimension_semantics<subcore_parallel>], iteration_bounds = array<i64: 2, 16>, scalar_prefetch = 0 : i64, scratch_operands = 9 : i64, tpu.core_type = #tpu.core_type<sc_vector_subcore>, window_params = [{transform_indices = #map}, {transform_indices = #map}, {transform_indices = #map1}, {transform_indices = #map1}]} {
    %mul3A = arith.constant 16 : i32
    %mul3A_0 = arith.muli %arg0, %mul3A : i32
    %add3A = arith.addi %mul3A_0, %arg1 : i32
    %scan3A = arith.constant 0 : i32
    %scan3A_1 = arith.constant 0 : i32
    %scan3A_2 = arith.constant 128 : i32
    %scan3A_3 = arith.addi %scan3A_1, %scan3A_2 : i32
    %scan3A_4 = arith.constant 1 : i32
    scf.for %scan3A_67 = %scan3A_1 to %scan3A_3 step %scan3A_4  : i32 {
      %broadcast_in_dim3A = arith.constant 0.000000e+00 : f32
      %broadcast_in_dim3A_68 = vector.broadcast %broadcast_in_dim3A : f32 to vector<16xf32>
      %swap3A = arith.index_cast %scan3A_67 : i32 to index
      %swap3A_69 = arith.constant 0 : index
      %swap3A_70 = tpu.vector_load %arg8[%swap3A, %swap3A_69] {strides = array<i32>} : memref<128x128xf32, #tpu.memory_space<vmem>>, vector<1x16xf32>,
      %swap3A_71 = vector.shape_cast %swap3A_70 : vector<1x16xf32> to vector<16xf32>
      %swap3A_72 = vector.shape_cast %broadcast_in_dim3A_68 : vector<16xf32> to vector<1x16xf32>
      tpu.vector_store %arg8[%swap3A, %swap3A_69], %swap3A_72 {strides = array<i32>} : memref<128x128xf32, #tpu.memory_space<vmem>>, vector<1x16xf32>,
      %broadcast_in_dim3A_73 = arith.constant 0.000000e+00 : f32
      %broadcast_in_dim3A_74 = vector.broadcast %broadcast_in_dim3A_73 : f32 to vector<16xf32>
      %swap3A_75 = arith.index_cast %scan3A_67 : i32 to index
      %swap3A_76 = arith.constant 16 : index
      %swap3A_77 = tpu.vector_load %arg8[%swap3A_75, %swap3A_76] {strides = array<i32>} : memref<128x128xf32, #tpu.memory_space<vmem>>, vector<1x16xf32>,
      %swap3A_78 = vector.shape_cast %swap3A_77 : vector<1x16xf32> to vector<16xf32>
      %swap3A_79 = vector.shape_cast %broadcast_in_dim3A_74 : vector<16xf32> to vector<1x16xf32>
      tpu.vector_store %arg8[%swap3A_75, %swap3A_76], %swap3A_79 {strides = array<i32>} : memref<128x128xf32, #tpu.memory_space<vmem>>, vector<1x16xf32>,
      %broadcast_in_dim3A_80 = arith.constant 0.000000e+00 : f32
      %broadcast_in_dim3A_81 = vector.broadcast %broadcast_in_dim3A_80 : f32 to vector<16xf32>
      %swap3A_82 = arith.index_cast %scan3A_67 : i32 to index
      %swap3A_83 = arith.constant 32 : index
      %swap3A_84 = tpu.vector_load %arg8[%swap3A_82, %swap3A_83] {strides = array<i32>} : memref<128x128xf32, #tpu.memory_space<vmem>>, vector<1x16xf32>,
      %swap3A_85 = vector.shape_cast %swap3A_84 : vector<1x16xf32> to vector<16xf32>
      %swap3A_86 = vector.shape_cast %broadcast_in_dim3A_81 : vector<16xf32> to vector<1x16xf32>
      tpu.vector_store %arg8[%swap3A_82, %swap3A_83], %swap3A_86 {strides = array<i32>} : memref<128x128xf32, #tpu.memory_space<vmem>>, vector<1x16xf32>,
      %broadcast_in_dim3A_87 = arith.constant 0.000000e+00 : f32
      %broadcast_in_dim3A_88 = vector.broadcast %broadcast_in_dim3A_87 : f32 to vector<16xf32>
      %swap3A_89 = arith.index_cast %scan3A_67 : i32 to index
      %swap3A_90 = arith.constant 48 : index
      %swap3A_91 = tpu.vector_load %arg8[%swap3A_89, %swap3A_90] {strides = array<i32>} : memref<128x128xf32, #tpu.memory_space<vmem>>, vector<1x16xf32>,
      %swap3A_92 = vector.shape_cast %swap3A_91 : vector<1x16xf32> to vector<16xf32>
      %swap3A_93 = vector.shape_cast %broadcast_in_dim3A_88 : vector<16xf32> to vector<1x16xf32>
      tpu.vector_store %arg8[%swap3A_89, %swap3A_90], %swap3A_93 {strides = array<i32>} : memref<128x128xf32, #tpu.memory_space<vmem>>, vector<1x16xf32>,
      %broadcast_in_dim3A_94 = arith.constant 0.000000e+00 : f32
      %broadcast_in_dim3A_95 = vector.broadcast %broadcast_in_dim3A_94 : f32 to vector<16xf32>
      %swap3A_96 = arith.index_cast %scan3A_67 : i32 to index
      %swap3A_97 = arith.constant 64 : index
      %swap3A_98 = tpu.vector_load %arg8[%swap3A_96, %swap3A_97] {strides = array<i32>} : memref<128x128xf32, #tpu.memory_space<vmem>>, vector<1x16xf32>,
      %swap3A_99 = vector.shape_cast %swap3A_98 : vector<1x16xf32> to vector<16xf32>
      %swap3A_100 = vector.shape_cast %broadcast_in_dim3A_95 : vector<16xf32> to vector<1x16xf32>
      tpu.vector_store %arg8[%swap3A_96, %swap3A_97], %swap3A_100 {strides = array<i32>} : memref<128x128xf32, #tpu.memory_space<vmem>>, vector<1x16xf32>,
      %broadcast_in_dim3A_101 = arith.constant 0.000000e+00 : f32
      %broadcast_in_dim3A_102 = vector.broadcast %broadcast_in_dim3A_101 : f32 to vector<16xf32>
      %swap3A_103 = arith.index_cast %scan3A_67 : i32 to index
      %swap3A_104 = arith.constant 80 : index
      %swap3A_105 = tpu.vector_load %arg8[%swap3A_103, %swap3A_104] {strides = array<i32>} : memref<128x128xf32, #tpu.memory_space<vmem>>, vector<1x16xf32>,
      %swap3A_106 = vector.shape_cast %swap3A_105 : vector<1x16xf32> to vector<16xf32>
      %swap3A_107 = vector.shape_cast %broadcast_in_dim3A_102 : vector<16xf32> to vector<1x16xf32>
      tpu.vector_store %arg8[%swap3A_103, %swap3A_104], %swap3A_107 {strides = array<i32>} : memref<128x128xf32, #tpu.memory_space<vmem>>, vector<1x16xf32>,
      %broadcast_in_dim3A_108 = arith.constant 0.000000e+00 : f32
      %broadcast_in_dim3A_109 = vector.broadcast %broadcast_in_dim3A_108 : f32 to vector<16xf32>
      %swap3A_110 = arith.index_cast %scan3A_67 : i32 to index
      %swap3A_111 = arith.constant 96 : index
      %swap3A_112 = tpu.vector_load %arg8[%swap3A_110, %swap3A_111] {strides = array<i32>} : memref<128x128xf32, #tpu.memory_space<vmem>>, vector<1x16xf32>,
      %swap3A_113 = vector.shape_cast %swap3A_112 : vector<1x16xf32> to vector<16xf32>
      %swap3A_114 = vector.shape_cast %broadcast_in_dim3A_109 : vector<16xf32> to vector<1x16xf32>
      tpu.vector_store %arg8[%swap3A_110, %swap3A_111], %swap3A_114 {strides = array<i32>} : memref<128x128xf32, #tpu.memory_space<vmem>>, vector<1x16xf32>,
      %broadcast_in_dim3A_115 = arith.constant 0.000000e+00 : f32
      %broadcast_in_dim3A_116 = vector.broadcast %broadcast_in_dim3A_115 : f32 to vector<16xf32>
      %swap3A_117 = arith.index_cast %scan3A_67 : i32 to index
      %swap3A_118 = arith.constant 112 : index
      %swap3A_119 = tpu.vector_load %arg8[%swap3A_117, %swap3A_118] {strides = array<i32>} : memref<128x128xf32, #tpu.memory_space<vmem>>, vector<1x16xf32>,
      %swap3A_120 = vector.shape_cast %swap3A_119 : vector<1x16xf32> to vector<16xf32>
      %swap3A_121 = vector.shape_cast %broadcast_in_dim3A_116 : vector<16xf32> to vector<1x16xf32>
      tpu.vector_store %arg8[%swap3A_117, %swap3A_118], %swap3A_121 {strides = array<i32>} : memref<128x128xf32, #tpu.memory_space<vmem>>, vector<1x16xf32>,
    }
    %scan3A_5 = arith.constant 128 : i32
    %mul3A_6 = arith.constant 640 : i32
    %mul3A_7 = arith.muli %arg1, %mul3A_6 : i32
    %add3A_8 = arith.constant 0 : i32
    %add3A_9 = arith.addi %mul3A_7, %add3A_8 : i32
    "tpu.region"() ({
      %run_scoped3A = tpu.sem_alloc : memref<!tpu.dma_semaphore, #tpu.memory_space<semaphore_mem>>
      %dma_start3A_67 = arith.constant 0 : i32
      %dma_start3A_68 = tpu.memref_slice %arg10[%add3A_9, %dma_start3A_67] : memref<10240x128xf32, #tpu.memory_space<vmem_shared>> -> memref<128x128xf32, #tpu.memory_space<vmem_shared>>
      %dma_start3A_69 = arith.constant 0 : i32
      %dma_start3A_70 = tpu.memref_slice %arg10[%add3A_9, %dma_start3A_69] : memref<10240x128xf32, #tpu.memory_space<vmem_shared>> -> memref<128x128xf32, #tpu.memory_space<vmem_shared>>
      tpu.enqueue_dma source(%arg8 : memref<128x128xf32, #tpu.memory_space<vmem>>) target(%dma_start3A_70 : memref<128x128xf32, #tpu.memory_space<vmem_shared>>) target_semaphore(%run_scoped3A : memref<!tpu.dma_semaphore, #tpu.memory_space<semaphore_mem>>)
      %dma_wait3A_71 = arith.constant 0 : i32
      %dma_wait3A_72 = tpu.memref_slice %arg10[%add3A_9, %dma_wait3A_71] : memref<10240x128xf32, #tpu.memory_space<vmem_shared>> -> memref<128x128xf32, #tpu.memory_space<vmem_shared>>
      %dma_wait3A_73 = arith.constant 0 : i32
      %dma_wait3A_74 = tpu.memref_slice %arg10[%add3A_9, %dma_wait3A_73] : memref<10240x128xf32, #tpu.memory_space<vmem_shared>> -> memref<128x128xf32, #tpu.memory_space<vmem_shared>>
      tpu.wait_dma2 semaphore(%run_scoped3A : memref<!tpu.dma_semaphore, #tpu.memory_space<semaphore_mem>>) src(%arg8 : memref<128x128xf32, #tpu.memory_space<vmem>>) dst(%dma_wait3A_74 : memref<128x128xf32, #tpu.memory_space<vmem_shared>>)
      tpu.yield
    }) : () -> ()
    %mul3A_10 = arith.constant 640 : i32
    %mul3A_11 = arith.muli %arg1, %mul3A_10 : i32
    %add3A_12 = arith.constant 128 : i32
    %add3A_13 = arith.addi %mul3A_11, %add3A_12 : i32
    "tpu.region"() ({
      %run_scoped3A = tpu.sem_alloc : memref<!tpu.dma_semaphore, #tpu.memory_space<semaphore_mem>>
      %dma_start3A_67 = arith.constant 0 : i32
      %dma_start3A_68 = tpu.memref_slice %arg10[%add3A_13, %dma_start3A_67] : memref<10240x128xf32, #tpu.memory_space<vmem_shared>> -> memref<128x128xf32, #tpu.memory_space<vmem_shared>>
      %dma_start3A_69 = arith.constant 0 : i32
      %dma_start3A_70 = tpu.memref_slice %arg10[%add3A_13, %dma_start3A_69] : memref<10240x128xf32, #tpu.memory_space<vmem_shared>> -> memref<128x128xf32, #tpu.memory_space<vmem_shared>>
      tpu.enqueue_dma source(%arg8 : memref<128x128xf32, #tpu.memory_space<vmem>>) target(%dma_start3A_70 : memref<128x128xf32, #tpu.memory_space<vmem_shared>>) target_semaphore(%run_scoped3A : memref<!tpu.dma_semaphore, #tpu.memory_space<semaphore_mem>>)
      %dma_wait3A_71 = arith.constant 0 : i32
      %dma_wait3A_72 = tpu.memref_slice %arg10[%add3A_13, %dma_wait3A_71] : memref<10240x128xf32, #tpu.memory_space<vmem_shared>> -> memref<128x128xf32, #tpu.memory_space<vmem_shared>>
      %dma_wait3A_73 = arith.constant 0 : i32
      %dma_wait3A_74 = tpu.memref_slice %arg10[%add3A_13, %dma_wait3A_73] : memref<10240x128xf32, #tpu.memory_space<vmem_shared>> -> memref<128x128xf32, #tpu.memory_space<vmem_shared>>
      tpu.wait_dma2 semaphore(%run_scoped3A : memref<!tpu.dma_semaphore, #tpu.memory_space<semaphore_mem>>) src(%arg8 : memref<128x128xf32, #tpu.memory_space<vmem>>) dst(%dma_wait3A_74 : memref<128x128xf32, #tpu.memory_space<vmem_shared>>)
      tpu.yield
    }) : () -> ()
    %mul3A_14 = arith.constant 640 : i32
    %mul3A_15 = arith.muli %arg1, %mul3A_14 : i32
    %add3A_16 = arith.constant 256 : i32
    %add3A_17 = arith.addi %mul3A_15, %add3A_16 : i32
    "tpu.region"() ({
      %run_scoped3A = tpu.sem_alloc : memref<!tpu.dma_semaphore, #tpu.memory_space<semaphore_mem>>
      %dma_start3A_67 = arith.constant 0 : i32
      %dma_start3A_68 = tpu.memref_slice %arg10[%add3A_17, %dma_start3A_67] : memref<10240x128xf32, #tpu.memory_space<vmem_shared>> -> memref<128x128xf32, #tpu.memory_space<vmem_shared>>
      %dma_start3A_69 = arith.constant 0 : i32
      %dma_start3A_70 = tpu.memref_slice %arg10[%add3A_17, %dma_start3A_69] : memref<10240x128xf32, #tpu.memory_space<vmem_shared>> -> memref<128x128xf32, #tpu.memory_space<vmem_shared>>
      tpu.enqueue_dma source(%arg8 : memref<128x128xf32, #tpu.memory_space<vmem>>) target(%dma_start3A_70 : memref<128x128xf32, #tpu.memory_space<vmem_shared>>) target_semaphore(%run_scoped3A : memref<!tpu.dma_semaphore, #tpu.memory_space<semaphore_mem>>)
      %dma_wait3A_71 = arith.constant 0 : i32
      %dma_wait3A_72 = tpu.memref_slice %arg10[%add3A_17, %dma_wait3A_71] : memref<10240x128xf32, #tpu.memory_space<vmem_shared>> -> memref<128x128xf32, #tpu.memory_space<vmem_shared>>
      %dma_wait3A_73 = arith.constant 0 : i32
      %dma_wait3A_74 = tpu.memref_slice %arg10[%add3A_17, %dma_wait3A_73] : memref<10240x128xf32, #tpu.memory_space<vmem_shared>> -> memref<128x128xf32, #tpu.memory_space<vmem_shared>>
      tpu.wait_dma2 semaphore(%run_scoped3A : memref<!tpu.dma_semaphore, #tpu.memory_space<semaphore_mem>>) src(%arg8 : memref<128x128xf32, #tpu.memory_space<vmem>>) dst(%dma_wait3A_74 : memref<128x128xf32, #tpu.memory_space<vmem_shared>>)
      tpu.yield
    }) : () -> ()
    %mul3A_18 = arith.constant 640 : i32
    %mul3A_19 = arith.muli %arg1, %mul3A_18 : i32
    %add3A_20 = arith.constant 384 : i32
    %add3A_21 = arith.addi %mul3A_19, %add3A_20 : i32
    "tpu.region"() ({
      %run_scoped3A = tpu.sem_alloc : memref<!tpu.dma_semaphore, #tpu.memory_space<semaphore_mem>>
      %dma_start3A_67 = arith.constant 0 : i32
      %dma_start3A_68 = tpu.memref_slice %arg10[%add3A_21, %dma_start3A_67] : memref<10240x128xf32, #tpu.memory_space<vmem_shared>> -> memref<128x128xf32, #tpu.memory_space<vmem_shared>>
      %dma_start3A_69 = arith.constant 0 : i32
      %dma_start3A_70 = tpu.memref_slice %arg10[%add3A_21, %dma_start3A_69] : memref<10240x128xf32, #tpu.memory_space<vmem_shared>> -> memref<128x128xf32, #tpu.memory_space<vmem_shared>>
      tpu.enqueue_dma source(%arg8 : memref<128x128xf32, #tpu.memory_space<vmem>>) target(%dma_start3A_70 : memref<128x128xf32, #tpu.memory_space<vmem_shared>>) target_semaphore(%run_scoped3A : memref<!tpu.dma_semaphore, #tpu.memory_space<semaphore_mem>>)
      %dma_wait3A_71 = arith.constant 0 : i32
      %dma_wait3A_72 = tpu.memref_slice %arg10[%add3A_21, %dma_wait3A_71] : memref<10240x128xf32, #tpu.memory_space<vmem_shared>> -> memref<128x128xf32, #tpu.memory_space<vmem_shared>>
      %dma_wait3A_73 = arith.constant 0 : i32
      %dma_wait3A_74 = tpu.memref_slice %arg10[%add3A_21, %dma_wait3A_73] : memref<10240x128xf32, #tpu.memory_space<vmem_shared>> -> memref<128x128xf32, #tpu.memory_space<vmem_shared>>
      tpu.wait_dma2 semaphore(%run_scoped3A : memref<!tpu.dma_semaphore, #tpu.memory_space<semaphore_mem>>) src(%arg8 : memref<128x128xf32, #tpu.memory_space<vmem>>) dst(%dma_wait3A_74 : memref<128x128xf32, #tpu.memory_space<vmem_shared>>)
      tpu.yield
    }) : () -> ()
    %mul3A_22 = arith.constant 640 : i32
    %mul3A_23 = arith.muli %arg1, %mul3A_22 : i32
    %add3A_24 = arith.constant 512 : i32
    %add3A_25 = arith.addi %mul3A_23, %add3A_24 : i32
    "tpu.region"() ({
      %run_scoped3A = tpu.sem_alloc : memref<!tpu.dma_semaphore, #tpu.memory_space<semaphore_mem>>
      %dma_start3A_67 = arith.constant 0 : i32
      %dma_start3A_68 = tpu.memref_slice %arg10[%add3A_25, %dma_start3A_67] : memref<10240x128xf32, #tpu.memory_space<vmem_shared>> -> memref<128x128xf32, #tpu.memory_space<vmem_shared>>
      %dma_start3A_69 = arith.constant 0 : i32
      %dma_start3A_70 = tpu.memref_slice %arg10[%add3A_25, %dma_start3A_69] : memref<10240x128xf32, #tpu.memory_space<vmem_shared>> -> memref<128x128xf32, #tpu.memory_space<vmem_shared>>
      tpu.enqueue_dma source(%arg8 : memref<128x128xf32, #tpu.memory_space<vmem>>) target(%dma_start3A_70 : memref<128x128xf32, #tpu.memory_space<vmem_shared>>) target_semaphore(%run_scoped3A : memref<!tpu.dma_semaphore, #tpu.memory_space<semaphore_mem>>)
      %dma_wait3A_71 = arith.constant 0 : i32
      %dma_wait3A_72 = tpu.memref_slice %arg10[%add3A_25, %dma_wait3A_71] : memref<10240x128xf32, #tpu.memory_space<vmem_shared>> -> memref<128x128xf32, #tpu.memory_space<vmem_shared>>
      %dma_wait3A_73 = arith.constant 0 : i32
      %dma_wait3A_74 = tpu.memref_slice %arg10[%add3A_25, %dma_wait3A_73] : memref<10240x128xf32, #tpu.memory_space<vmem_shared>> -> memref<128x128xf32, #tpu.memory_space<vmem_shared>>
      tpu.wait_dma2 semaphore(%run_scoped3A : memref<!tpu.dma_semaphore, #tpu.memory_space<semaphore_mem>>) src(%arg8 : memref<128x128xf32, #tpu.memory_space<vmem>>) dst(%dma_wait3A_74 : memref<128x128xf32, #tpu.memory_space<vmem_shared>>)
      tpu.yield
    }) : () -> ()
    %mul3A_26 = arith.constant 80 : i32
    %mul3A_27 = arith.muli %add3A, %mul3A_26 : i32
    "tpu.region"() ({
      %run_scoped3A = tpu.sem_alloc : memref<!tpu.dma_semaphore, #tpu.memory_space<semaphore_mem>>
      %dma_start3A_67 = arith.constant 0 : i32
      %dma_start3A_68 = tpu.memref_slice %arg3[%mul3A_27, %dma_start3A_67] : memref<2560x128xi32, #tpu.memory_space<hbm>> -> memref<80x128xi32, #tpu.memory_space<hbm>>
      %dma_start3A_69 = arith.constant 0 : i32
      %dma_start3A_70 = tpu.memref_slice %arg3[%mul3A_27, %dma_start3A_69] : memref<2560x128xi32, #tpu.memory_space<hbm>> -> memref<80x128xi32, #tpu.memory_space<hbm>>
      tpu.enqueue_dma source(%dma_start3A_70 : memref<80x128xi32, #tpu.memory_space<hbm>>) target(%arg6 : memref<80x128xi32, #tpu.memory_space<vmem>>) target_semaphore(%run_scoped3A : memref<!tpu.dma_semaphore, #tpu.memory_space<semaphore_mem>>)
      %dma_wait3A_71 = arith.constant 0 : i32
      %dma_wait3A_72 = tpu.memref_slice %arg3[%mul3A_27, %dma_wait3A_71] : memref<2560x128xi32, #tpu.memory_space<hbm>> -> memref<80x128xi32, #tpu.memory_space<hbm>>
      %dma_wait3A_73 = arith.constant 0 : i32
      %dma_wait3A_74 = tpu.memref_slice %arg3[%mul3A_27, %dma_wait3A_73] : memref<2560x128xi32, #tpu.memory_space<hbm>> -> memref<80x128xi32, #tpu.memory_space<hbm>>
      tpu.wait_dma2 semaphore(%run_scoped3A : memref<!tpu.dma_semaphore, #tpu.memory_space<semaphore_mem>>) src(%dma_wait3A_74 : memref<80x128xi32, #tpu.memory_space<hbm>>) dst(%arg6 : memref<80x128xi32, #tpu.memory_space<vmem>>)
      tpu.yield
    }) : () -> ()
    %barrier3A = arith.constant 0 : index
    tpu.barrier barrier_id(%barrier3A)
    %dma_start3A = arith.constant 0 : i32
    %dma_start3A_28 = arith.constant 0 : i32
    %dma_start3A_29 = tpu.memref_slice %arg6[%dma_start3A, %dma_start3A_28] : memref<80x128xi32, #tpu.memory_space<vmem>> -> memref<1x128xi32, #tpu.memory_space<vmem>>
    %dma_start3A_30 = tpu.memref_squeeze %dma_start3A_29 : memref<1x128xi32, #tpu.memory_space<vmem>> -> memref<128xi32, #tpu.memory_space<vmem>>
    %dma_start3A_31 = arith.constant 0 : i32
    %dma_start3A_32 = arith.constant 0 : i32
    %dma_start3A_33 = tpu.memref_slice %arg2[%dma_start3A_31, %dma_start3A_32] : memref<10240x128xf32, #tpu.memory_space<hbm>> -> memref<10240x128xf32, #tpu.memory_space<hbm>>
    tpu.enqueue_indirect_dma source(%dma_start3A_33 : memref<10240x128xf32, #tpu.memory_space<hbm>>) target(%arg8 : memref<128x128xf32, #tpu.memory_space<vmem>>) offsets(%dma_start3A_30 : memref<128xi32, #tpu.memory_space<vmem>>) semaphore(%arg11 : memref<!tpu.dma_semaphore, #tpu.memory_space<semaphore_mem>>)
    %mul3A_34 = arith.constant 80 : i32
    %mul3A_35 = arith.muli %add3A, %mul3A_34 : i32
    %dma_start3A_36 = arith.constant 0 : i32
    %dma_start3A_37 = arith.constant 0 : i32
    %dma_start3A_38 = tpu.memref_slice %arg7[%dma_start3A_36, %dma_start3A_37] : memref<4x128xi32, #tpu.memory_space<vmem>> -> memref<1x128xi32, #tpu.memory_space<vmem>>
    %dma_start3A_39 = arith.constant 0 : i32
    %dma_start3A_40 = arith.constant 0 : i32
    %dma_start3A_41 = tpu.memref_slice %arg4[%mul3A_35, %dma_start3A_39, %dma_start3A_40] : memref<2560x1x128xi32, #tpu.memory_space<hbm>> -> memref<1x1x128xi32, #tpu.memory_space<hbm>>
    %dma_start3A_42 = tpu.memref_squeeze %dma_start3A_41 : memref<1x1x128xi32, #tpu.memory_space<hbm>> -> memref<1x128xi32, #tpu.memory_space<hbm>>
    %dma_start3A_43 = arith.constant 0 : i32
    %dma_start3A_44 = arith.constant 0 : i32
    %dma_start3A_45 = tpu.memref_slice %arg7[%dma_start3A_43, %dma_start3A_44] : memref<4x128xi32, #tpu.memory_space<vmem>> -> memref<1x128xi32, #tpu.memory_space<vmem>>
    %dma_start3A_46 = arith.constant 0 : i32
    %dma_start3A_47 = arith.constant 0 : i32
    %dma_start3A_48 = tpu.memref_slice %arg4[%mul3A_35, %dma_start3A_46, %dma_start3A_47] : memref<2560x1x128xi32, #tpu.memory_space<hbm>> -> memref<1x1x128xi32, #tpu.memory_space<hbm>>
    %dma_start3A_49 = tpu.memref_squeeze %dma_start3A_48 : memref<1x1x128xi32, #tpu.memory_space<hbm>> -> memref<1x128xi32, #tpu.memory_space<hbm>>
    tpu.enqueue_dma source(%dma_start3A_49 : memref<1x128xi32, #tpu.memory_space<hbm>>) target(%dma_start3A_45 : memref<1x128xi32, #tpu.memory_space<vmem>>) target_semaphore(%arg12 : memref<!tpu.dma_semaphore, #tpu.memory_space<semaphore_mem>>)
    %scan3A_50 = arith.constant 0 : i32
    %scan3A_51 = arith.constant 0 : i32
    %scan3A_52 = arith.constant 40 : i32
    %scan3A_53 = arith.addi %scan3A_51, %scan3A_52 : i32
    %scan3A_54 = arith.constant 1 : i32
    scf.for %scan3A_67 = %scan3A_51 to %scan3A_53 step %scan3A_54  : i32 {
      %mul3A_68 = arith.constant 2 : i32
      %mul3A_69 = arith.muli %mul3A_68, %scan3A_67 : i32
      %add3A_70 = arith.constant 0 : i32
      %add3A_71 = arith.addi %mul3A_69, %add3A_70 : i32
      %rem3A = arith.constant 4 : i32
      %rem3A_72 = arith.remsi %add3A_71, %rem3A : i32
      %dma_wait3A_73 = arith.constant 0 : i32
      %dma_wait3A_74 = tpu.memref_slice %arg6[%add3A_71, %dma_wait3A_73] : memref<80x128xi32, #tpu.memory_space<vmem>> -> memref<1x128xi32, #tpu.memory_space<vmem>>
      %dma_wait3A_75 = tpu.memref_squeeze %dma_wait3A_74 : memref<1x128xi32, #tpu.memory_space<vmem>> -> memref<128xi32, #tpu.memory_space<vmem>>
      %dma_wait3A_76 = arith.constant 0 : i32
      %dma_wait3A_77 = arith.constant 0 : i32
      %dma_wait3A_78 = tpu.memref_slice %arg2[%dma_wait3A_76, %dma_wait3A_77] : memref<10240x128xf32, #tpu.memory_space<hbm>> -> memref<10240x128xf32, #tpu.memory_space<hbm>>
      tpu.wait_indirect_dma semaphore(%arg11 : memref<!tpu.dma_semaphore, #tpu.memory_space<semaphore_mem>>) src(%dma_wait3A_78 : memref<10240x128xf32, #tpu.memory_space<hbm>>) dst(%arg8 : memref<128x128xf32, #tpu.memory_space<vmem>>)
      %mul3A_79 = arith.constant 80 : i32
      %mul3A_80 = arith.muli %add3A, %mul3A_79 : i32
      %add3A_81 = arith.addi %mul3A_80, %add3A_71 : i32
      %dma_wait3A_82 = arith.constant 0 : i32
      %dma_wait3A_83 = tpu.memref_slice %arg7[%rem3A_72, %dma_wait3A_82] : memref<4x128xi32, #tpu.memory_space<vmem>> -> memref<1x128xi32, #tpu.memory_space<vmem>>
      %dma_wait3A_84 = arith.constant 0 : i32
      %dma_wait3A_85 = arith.constant 0 : i32
      %dma_wait3A_86 = tpu.memref_slice %arg4[%add3A_81, %dma_wait3A_84, %dma_wait3A_85] : memref<2560x1x128xi32, #tpu.memory_space<hbm>> -> memref<1x1x128xi32, #tpu.memory_space<hbm>>
      %dma_wait3A_87 = tpu.memref_squeeze %dma_wait3A_86 : memref<1x1x128xi32, #tpu.memory_space<hbm>> -> memref<1x128xi32, #tpu.memory_space<hbm>>
      %dma_wait3A_88 = arith.constant 0 : i32
      %dma_wait3A_89 = tpu.memref_slice %arg7[%rem3A_72, %dma_wait3A_88] : memref<4x128xi32, #tpu.memory_space<vmem>> -> memref<1x128xi32, #tpu.memory_space<vmem>>
      %dma_wait3A_90 = arith.constant 0 : i32
      %dma_wait3A_91 = arith.constant 0 : i32
      %dma_wait3A_92 = tpu.memref_slice %arg4[%add3A_81, %dma_wait3A_90, %dma_wait3A_91] : memref<2560x1x128xi32, #tpu.memory_space<hbm>> -> memref<1x1x128xi32, #tpu.memory_space<hbm>>
      %dma_wait3A_93 = tpu.memref_squeeze %dma_wait3A_92 : memref<1x1x128xi32, #tpu.memory_space<hbm>> -> memref<1x128xi32, #tpu.memory_space<hbm>>
      tpu.wait_dma2 semaphore(%arg12 : memref<!tpu.dma_semaphore, #tpu.memory_space<semaphore_mem>>) src(%dma_wait3A_93 : memref<1x128xi32, #tpu.memory_space<hbm>>) dst(%dma_wait3A_89 : memref<1x128xi32, #tpu.memory_space<vmem>>)
      %dma_start3A_94 = arith.constant 0 : i32
      %dma_start3A_95 = tpu.memref_slice %arg7[%rem3A_72, %dma_start3A_94] : memref<4x128xi32, #tpu.memory_space<vmem>> -> memref<1x128xi32, #tpu.memory_space<vmem>>
      %dma_start3A_96 = tpu.memref_squeeze %dma_start3A_95 : memref<1x128xi32, #tpu.memory_space<vmem>> -> memref<128xi32, #tpu.memory_space<vmem>>
      %dma_start3A_97 = arith.constant 0 : i32
      %dma_start3A_98 = arith.constant 0 : i32
      %dma_start3A_99 = tpu.memref_slice %arg10[%dma_start3A_97, %dma_start3A_98] : memref<10240x128xf32, #tpu.memory_space<vmem_shared>> -> memref<10240x128xf32, #tpu.memory_space<vmem_shared>>
      tpu.enqueue_indirect_dma source(%arg8 : memref<128x128xf32, #tpu.memory_space<vmem>>) target(%dma_start3A_99 : memref<10240x128xf32, #tpu.memory_space<vmem_shared>>) offsets(%dma_start3A_96 : memref<128xi32, #tpu.memory_space<vmem>>) semaphore(%arg13 : memref<!tpu.dma_semaphore, #tpu.memory_space<semaphore_mem>>) {add = true}
      %ge3A = arith.constant 1 : i32
      %ge3A_100 = arith.cmpi sge, %add3A_71, %ge3A : i32
      %convert_element_type3A = arith.extui %ge3A_100 : i1 to i32
      %cond3A = arith.constant 0 : i32
      %cond3A_101 = arith.cmpi ne, %convert_element_type3A, %cond3A : i32
      scf.if %cond3A_101 {
        %dma_wait3A_153 = arith.constant 0 : i32
        %dma_wait3A_154 = arith.constant 0 : i32
        %dma_wait3A_155 = tpu.memref_slice %arg7[%dma_wait3A_153, %dma_wait3A_154] : memref<4x128xi32, #tpu.memory_space<vmem>> -> memref<1x128xi32, #tpu.memory_space<vmem>>
        %dma_wait3A_156 = tpu.memref_squeeze %dma_wait3A_155 : memref<1x128xi32, #tpu.memory_space<vmem>> -> memref<128xi32, #tpu.memory_space<vmem>>
        %dma_wait3A_157 = arith.constant 0 : i32
        %dma_wait3A_158 = arith.constant 0 : i32
        %dma_wait3A_159 = tpu.memref_slice %arg10[%dma_wait3A_157, %dma_wait3A_158] : memref<10240x128xf32, #tpu.memory_space<vmem_shared>> -> memref<10240x128xf32, #tpu.memory_space<vmem_shared>>
        tpu.wait_indirect_dma semaphore(%arg14 : memref<!tpu.dma_semaphore, #tpu.memory_space<semaphore_mem>>) src(%arg9 : memref<128x128xf32, #tpu.memory_space<vmem>>) dst(%dma_wait3A_159 : memref<10240x128xf32, #tpu.memory_space<vmem_shared>>)
      } else {
      }
      %add3A_102 = arith.constant 1 : i32
      %add3A_103 = arith.addi %add3A_71, %add3A_102 : i32
      %lt3A = arith.constant 80 : i32
      %lt3A_104 = arith.cmpi slt, %add3A_103, %lt3A : i32
      %convert_element_type3A_105 = arith.extui %lt3A_104 : i1 to i32
      %cond3A_106 = arith.constant 0 : i32
      %cond3A_107 = arith.cmpi ne, %convert_element_type3A_105, %cond3A_106 : i32
      scf.if %cond3A_107 {
        %add3A_153 = arith.constant 1 : i32
        %add3A_154 = arith.addi %add3A_71, %add3A_153 : i32
        %rem3A_155 = arith.constant 4 : i32
        %rem3A_156 = arith.remsi %add3A_154, %rem3A_155 : i32
        %add3A_157 = arith.constant 1 : i32
        %add3A_158 = arith.addi %add3A_71, %add3A_157 : i32
        %dma_start3A_159 = arith.constant 0 : i32
        %dma_start3A_160 = tpu.memref_slice %arg6[%add3A_158, %dma_start3A_159] : memref<80x128xi32, #tpu.memory_space<vmem>> -> memref<1x128xi32, #tpu.memory_space<vmem>>
        %dma_start3A_161 = tpu.memref_squeeze %dma_start3A_160 : memref<1x128xi32, #tpu.memory_space<vmem>> -> memref<128xi32, #tpu.memory_space<vmem>>
        %dma_start3A_162 = arith.constant 0 : i32
        %dma_start3A_163 = arith.constant 0 : i32
        %dma_start3A_164 = tpu.memref_slice %arg2[%dma_start3A_162, %dma_start3A_163] : memref<10240x128xf32, #tpu.memory_space<hbm>> -> memref<10240x128xf32, #tpu.memory_space<hbm>>
        tpu.enqueue_indirect_dma source(%dma_start3A_164 : memref<10240x128xf32, #tpu.memory_space<hbm>>) target(%arg9 : memref<128x128xf32, #tpu.memory_space<vmem>>) offsets(%dma_start3A_161 : memref<128xi32, #tpu.memory_space<vmem>>) semaphore(%arg11 : memref<!tpu.dma_semaphore, #tpu.memory_space<semaphore_mem>>)
        %mul3A_165 = arith.constant 80 : i32
        %mul3A_166 = arith.muli %add3A, %mul3A_165 : i32
        %add3A_167 = arith.addi %mul3A_166, %add3A_71 : i32
        %add3A_168 = arith.constant 1 : i32
        %add3A_169 = arith.addi %add3A_167, %add3A_168 : i32
        %dma_start3A_170 = arith.constant 0 : i32
        %dma_start3A_171 = tpu.memref_slice %arg7[%rem3A_156, %dma_start3A_170] : memref<4x128xi32, #tpu.memory_space<vmem>> -> memref<1x128xi32, #tpu.memory_space<vmem>>
        %dma_start3A_172 = arith.constant 0 : i32
        %dma_start3A_173 = arith.constant 0 : i32
        %dma_start3A_174 = tpu.memref_slice %arg4[%add3A_169, %dma_start3A_172, %dma_start3A_173] : memref<2560x1x128xi32, #tpu.memory_space<hbm>> -> memref<1x1x128xi32, #tpu.memory_space<hbm>>
        %dma_start3A_175 = tpu.memref_squeeze %dma_start3A_174 : memref<1x1x128xi32, #tpu.memory_space<hbm>> -> memref<1x128xi32, #tpu.memory_space<hbm>>
        %dma_start3A_176 = arith.constant 0 : i32
        %dma_start3A_177 = tpu.memref_slice %arg7[%rem3A_156, %dma_start3A_176] : memref<4x128xi32, #tpu.memory_space<vmem>> -> memref<1x128xi32, #tpu.memory_space<vmem>>
        %dma_start3A_178 = arith.constant 0 : i32
        %dma_start3A_179 = arith.constant 0 : i32
        %dma_start3A_180 = tpu.memref_slice %arg4[%add3A_169, %dma_start3A_178, %dma_start3A_179] : memref<2560x1x128xi32, #tpu.memory_space<hbm>> -> memref<1x1x128xi32, #tpu.memory_space<hbm>>
        %dma_start3A_181 = tpu.memref_squeeze %dma_start3A_180 : memref<1x1x128xi32, #tpu.memory_space<hbm>> -> memref<1x128xi32, #tpu.memory_space<hbm>>
        tpu.enqueue_dma source(%dma_start3A_181 : memref<1x128xi32, #tpu.memory_space<hbm>>) target(%dma_start3A_177 : memref<1x128xi32, #tpu.memory_space<vmem>>) target_semaphore(%arg12 : memref<!tpu.dma_semaphore, #tpu.memory_space<semaphore_mem>>)
      } else {
      }
      %mul3A_108 = arith.constant 2 : i32
      %mul3A_109 = arith.muli %mul3A_108, %scan3A_67 : i32
      %add3A_110 = arith.constant 1 : i32
      %add3A_111 = arith.addi %mul3A_109, %add3A_110 : i32
      %rem3A_112 = arith.constant 4 : i32
      %rem3A_113 = arith.remsi %add3A_111, %rem3A_112 : i32
      %dma_wait3A_114 = arith.constant 0 : i32
      %dma_wait3A_115 = tpu.memref_slice %arg6[%add3A_111, %dma_wait3A_114] : memref<80x128xi32, #tpu.memory_space<vmem>> -> memref<1x128xi32, #tpu.memory_space<vmem>>
      %dma_wait3A_116 = tpu.memref_squeeze %dma_wait3A_115 : memref<1x128xi32, #tpu.memory_space<vmem>> -> memref<128xi32, #tpu.memory_space<vmem>>
      %dma_wait3A_117 = arith.constant 0 : i32
      %dma_wait3A_118 = arith.constant 0 : i32
      %dma_wait3A_119 = tpu.memref_slice %arg2[%dma_wait3A_117, %dma_wait3A_118] : memref<10240x128xf32, #tpu.memory_space<hbm>> -> memref<10240x128xf32, #tpu.memory_space<hbm>>
      tpu.wait_indirect_dma semaphore(%arg11 : memref<!tpu.dma_semaphore, #tpu.memory_space<semaphore_mem>>) src(%dma_wait3A_119 : memref<10240x128xf32, #tpu.memory_space<hbm>>) dst(%arg9 : memref<128x128xf32, #tpu.memory_space<vmem>>)
      %mul3A_120 = arith.constant 80 : i32
      %mul3A_121 = arith.muli %add3A, %mul3A_120 : i32
      %add3A_122 = arith.addi %mul3A_121, %add3A_111 : i32
      %dma_wait3A_123 = arith.constant 0 : i32
      %dma_wait3A_124 = tpu.memref_slice %arg7[%rem3A_113, %dma_wait3A_123] : memref<4x128xi32, #tpu.memory_space<vmem>> -> memref<1x128xi32, #tpu.memory_space<vmem>>
      %dma_wait3A_125 = arith.constant 0 : i32
      %dma_wait3A_126 = arith.constant 0 : i32
      %dma_wait3A_127 = tpu.memref_slice %arg4[%add3A_122, %dma_wait3A_125, %dma_wait3A_126] : memref<2560x1x128xi32, #tpu.memory_space<hbm>> -> memref<1x1x128xi32, #tpu.memory_space<hbm>>
      %dma_wait3A_128 = tpu.memref_squeeze %dma_wait3A_127 : memref<1x1x128xi32, #tpu.memory_space<hbm>> -> memref<1x128xi32, #tpu.memory_space<hbm>>
      %dma_wait3A_129 = arith.constant 0 : i32
      %dma_wait3A_130 = tpu.memref_slice %arg7[%rem3A_113, %dma_wait3A_129] : memref<4x128xi32, #tpu.memory_space<vmem>> -> memref<1x128xi32, #tpu.memory_space<vmem>>
      %dma_wait3A_131 = arith.constant 0 : i32
      %dma_wait3A_132 = arith.constant 0 : i32
      %dma_wait3A_133 = tpu.memref_slice %arg4[%add3A_122, %dma_wait3A_131, %dma_wait3A_132] : memref<2560x1x128xi32, #tpu.memory_space<hbm>> -> memref<1x1x128xi32, #tpu.memory_space<hbm>>
      %dma_wait3A_134 = tpu.memref_squeeze %dma_wait3A_133 : memref<1x1x128xi32, #tpu.memory_space<hbm>> -> memref<1x128xi32, #tpu.memory_space<hbm>>
      tpu.wait_dma2 semaphore(%arg12 : memref<!tpu.dma_semaphore, #tpu.memory_space<semaphore_mem>>) src(%dma_wait3A_134 : memref<1x128xi32, #tpu.memory_space<hbm>>) dst(%dma_wait3A_130 : memref<1x128xi32, #tpu.memory_space<vmem>>)
      %dma_start3A_135 = arith.constant 0 : i32
      %dma_start3A_136 = tpu.memref_slice %arg7[%rem3A_113, %dma_start3A_135] : memref<4x128xi32, #tpu.memory_space<vmem>> -> memref<1x128xi32, #tpu.memory_space<vmem>>
      %dma_start3A_137 = tpu.memref_squeeze %dma_start3A_136 : memref<1x128xi32, #tpu.memory_space<vmem>> -> memref<128xi32, #tpu.memory_space<vmem>>
      %dma_start3A_138 = arith.constant 0 : i32
      %dma_start3A_139 = arith.constant 0 : i32
      %dma_start3A_140 = tpu.memref_slice %arg10[%dma_start3A_138, %dma_start3A_139] : memref<10240x128xf32, #tpu.memory_space<vmem_shared>> -> memref<10240x128xf32, #tpu.memory_space<vmem_shared>>
      tpu.enqueue_indirect_dma source(%arg9 : memref<128x128xf32, #tpu.memory_space<vmem>>) target(%dma_start3A_140 : memref<10240x128xf32, #tpu.memory_space<vmem_shared>>) offsets(%dma_start3A_137 : memref<128xi32, #tpu.memory_space<vmem>>) semaphore(%arg14 : memref<!tpu.dma_semaphore, #tpu.memory_space<semaphore_mem>>) {add = true}
      %ge3A_141 = arith.constant 1 : i32
      %ge3A_142 = arith.cmpi sge, %add3A_111, %ge3A_141 : i32
      %convert_element_type3A_143 = arith.extui %ge3A_142 : i1 to i32
      %cond3A_144 = arith.constant 0 : i32
      %cond3A_145 = arith.cmpi ne, %convert_element_type3A_143, %cond3A_144 : i32
      scf.if %cond3A_145 {
        %dma_wait3A_153 = arith.constant 0 : i32
        %dma_wait3A_154 = arith.constant 0 : i32
        %dma_wait3A_155 = tpu.memref_slice %arg7[%dma_wait3A_153, %dma_wait3A_154] : memref<4x128xi32, #tpu.memory_space<vmem>> -> memref<1x128xi32, #tpu.memory_space<vmem>>
        %dma_wait3A_156 = tpu.memref_squeeze %dma_wait3A_155 : memref<1x128xi32, #tpu.memory_space<vmem>> -> memref<128xi32, #tpu.memory_space<vmem>>
        %dma_wait3A_157 = arith.constant 0 : i32
        %dma_wait3A_158 = arith.constant 0 : i32
        %dma_wait3A_159 = tpu.memref_slice %arg10[%dma_wait3A_157, %dma_wait3A_158] : memref<10240x128xf32, #tpu.memory_space<vmem_shared>> -> memref<10240x128xf32, #tpu.memory_space<vmem_shared>>
        tpu.wait_indirect_dma semaphore(%arg13 : memref<!tpu.dma_semaphore, #tpu.memory_space<semaphore_mem>>) src(%arg8 : memref<128x128xf32, #tpu.memory_space<vmem>>) dst(%dma_wait3A_159 : memref<10240x128xf32, #tpu.memory_space<vmem_shared>>)
      } else {
      }
      %add3A_146 = arith.constant 1 : i32
      %add3A_147 = arith.addi %add3A_111, %add3A_146 : i32
      %lt3A_148 = arith.constant 80 : i32
      %lt3A_149 = arith.cmpi slt, %add3A_147, %lt3A_148 : i32
      %convert_element_type3A_150 = arith.extui %lt3A_149 : i1 to i32
      %cond3A_151 = arith.constant 0 : i32
      %cond3A_152 = arith.cmpi ne, %convert_element_type3A_150, %cond3A_151 : i32
      scf.if %cond3A_152 {
        %add3A_153 = arith.constant 1 : i32
        %add3A_154 = arith.addi %add3A_111, %add3A_153 : i32
        %rem3A_155 = arith.constant 4 : i32
        %rem3A_156 = arith.remsi %add3A_154, %rem3A_155 : i32
        %add3A_157 = arith.constant 1 : i32
        %add3A_158 = arith.addi %add3A_111, %add3A_157 : i32
        %dma_start3A_159 = arith.constant 0 : i32
        %dma_start3A_160 = tpu.memref_slice %arg6[%add3A_158, %dma_start3A_159] : memref<80x128xi32, #tpu.memory_space<vmem>> -> memref<1x128xi32, #tpu.memory_space<vmem>>
        %dma_start3A_161 = tpu.memref_squeeze %dma_start3A_160 : memref<1x128xi32, #tpu.memory_space<vmem>> -> memref<128xi32, #tpu.memory_space<vmem>>
        %dma_start3A_162 = arith.constant 0 : i32
        %dma_start3A_163 = arith.constant 0 : i32
        %dma_start3A_164 = tpu.memref_slice %arg2[%dma_start3A_162, %dma_start3A_163] : memref<10240x128xf32, #tpu.memory_space<hbm>> -> memref<10240x128xf32, #tpu.memory_space<hbm>>
        tpu.enqueue_indirect_dma source(%dma_start3A_164 : memref<10240x128xf32, #tpu.memory_space<hbm>>) target(%arg8 : memref<128x128xf32, #tpu.memory_space<vmem>>) offsets(%dma_start3A_161 : memref<128xi32, #tpu.memory_space<vmem>>) semaphore(%arg11 : memref<!tpu.dma_semaphore, #tpu.memory_space<semaphore_mem>>)
        %mul3A_165 = arith.constant 80 : i32
        %mul3A_166 = arith.muli %add3A, %mul3A_165 : i32
        %add3A_167 = arith.addi %mul3A_166, %add3A_111 : i32
        %add3A_168 = arith.constant 1 : i32
        %add3A_169 = arith.addi %add3A_167, %add3A_168 : i32
        %dma_start3A_170 = arith.constant 0 : i32
        %dma_start3A_171 = tpu.memref_slice %arg7[%rem3A_156, %dma_start3A_170] : memref<4x128xi32, #tpu.memory_space<vmem>> -> memref<1x128xi32, #tpu.memory_space<vmem>>
        %dma_start3A_172 = arith.constant 0 : i32
        %dma_start3A_173 = arith.constant 0 : i32
        %dma_start3A_174 = tpu.memref_slice %arg4[%add3A_169, %dma_start3A_172, %dma_start3A_173] : memref<2560x1x128xi32, #tpu.memory_space<hbm>> -> memref<1x1x128xi32, #tpu.memory_space<hbm>>
        %dma_start3A_175 = tpu.memref_squeeze %dma_start3A_174 : memref<1x1x128xi32, #tpu.memory_space<hbm>> -> memref<1x128xi32, #tpu.memory_space<hbm>>
        %dma_start3A_176 = arith.constant 0 : i32
        %dma_start3A_177 = tpu.memref_slice %arg7[%rem3A_156, %dma_start3A_176] : memref<4x128xi32, #tpu.memory_space<vmem>> -> memref<1x128xi32, #tpu.memory_space<vmem>>
        %dma_start3A_178 = arith.constant 0 : i32
        %dma_start3A_179 = arith.constant 0 : i32
        %dma_start3A_180 = tpu.memref_slice %arg4[%add3A_169, %dma_start3A_178, %dma_start3A_179] : memref<2560x1x128xi32, #tpu.memory_space<hbm>> -> memref<1x1x128xi32, #tpu.memory_space<hbm>>
        %dma_start3A_181 = tpu.memref_squeeze %dma_start3A_180 : memref<1x1x128xi32, #tpu.memory_space<hbm>> -> memref<1x128xi32, #tpu.memory_space<hbm>>
        tpu.enqueue_dma source(%dma_start3A_181 : memref<1x128xi32, #tpu.memory_space<hbm>>) target(%dma_start3A_177 : memref<1x128xi32, #tpu.memory_space<vmem>>) target_semaphore(%arg12 : memref<!tpu.dma_semaphore, #tpu.memory_space<semaphore_mem>>)
      } else {
      }
    }
    %scan3A_55 = arith.constant 40 : i32
    %dma_wait3A = arith.constant 0 : i32
    %dma_wait3A_56 = arith.constant 0 : i32
    %dma_wait3A_57 = tpu.memref_slice %arg7[%dma_wait3A, %dma_wait3A_56] : memref<4x128xi32, #tpu.memory_space<vmem>> -> memref<1x128xi32, #tpu.memory_space<vmem>>
    %dma_wait3A_58 = tpu.memref_squeeze %dma_wait3A_57 : memref<1x128xi32, #tpu.memory_space<vmem>> -> memref<128xi32, #tpu.memory_space<vmem>>
    %dma_wait3A_59 = arith.constant 0 : i32
    %dma_wait3A_60 = arith.constant 0 : i32
    %dma_wait3A_61 = tpu.memref_slice %arg10[%dma_wait3A_59, %dma_wait3A_60] : memref<10240x128xf32, #tpu.memory_space<vmem_shared>> -> memref<10240x128xf32, #tpu.memory_space<vmem_shared>>
    tpu.wait_indirect_dma semaphore(%arg14 : memref<!tpu.dma_semaphore, #tpu.memory_space<semaphore_mem>>) src(%arg9 : memref<128x128xf32, #tpu.memory_space<vmem>>) dst(%dma_wait3A_61 : memref<10240x128xf32, #tpu.memory_space<vmem_shared>>)
    %barrier3A_62 = arith.constant 0 : index
    tpu.barrier barrier_id(%barrier3A_62)
    %mul3A_63 = arith.constant 640 : i32
    %mul3A_64 = arith.muli %arg1, %mul3A_63 : i32
    %mul3A_65 = arith.constant 640 : i32
    %mul3A_66 = arith.muli %arg1, %mul3A_65 : i32
    "tpu.region"() ({
      %run_scoped3A = tpu.sem_alloc : memref<!tpu.dma_semaphore, #tpu.memory_space<semaphore_mem>>
      %dma_start3A_67 = arith.constant 0 : i32
      %dma_start3A_68 = arith.constant 0 : i32
      %dma_start3A_69 = tpu.memref_slice %arg5[%arg0, %dma_start3A_67, %dma_start3A_68] : memref<2x10240x128xf32, #tpu.memory_space<hbm>> -> memref<1x10240x128xf32, #tpu.memory_space<hbm>>
      %dma_start3A_70 = tpu.memref_squeeze %dma_start3A_69 : memref<1x10240x128xf32, #tpu.memory_space<hbm>> -> memref<10240x128xf32, #tpu.memory_space<hbm>>
      %dma_start3A_71 = arith.constant 0 : i32
      %dma_start3A_72 = tpu.memref_slice %dma_start3A_70[%mul3A_66, %dma_start3A_71] : memref<10240x128xf32, #tpu.memory_space<hbm>> -> memref<640x128xf32, #tpu.memory_space<hbm>>
      %dma_start3A_73 = arith.constant 0 : i32
      %dma_start3A_74 = tpu.memref_slice %arg10[%mul3A_64, %dma_start3A_73] : memref<10240x128xf32, #tpu.memory_space<vmem_shared>> -> memref<640x128xf32, #tpu.memory_space<vmem_shared>>
      tpu.enqueue_dma source(%dma_start3A_74 : memref<640x128xf32, #tpu.memory_space<vmem_shared>>) target(%dma_start3A_72 : memref<640x128xf32, #tpu.memory_space<hbm>>) target_semaphore(%run_scoped3A : memref<!tpu.dma_semaphore, #tpu.memory_space<semaphore_mem>>)
      %dma_wait3A_75 = arith.constant 0 : i32
      %dma_wait3A_76 = arith.constant 0 : i32
      %dma_wait3A_77 = tpu.memref_slice %arg5[%arg0, %dma_wait3A_75, %dma_wait3A_76] : memref<2x10240x128xf32, #tpu.memory_space<hbm>> -> memref<1x10240x128xf32, #tpu.memory_space<hbm>>
      %dma_wait3A_78 = tpu.memref_squeeze %dma_wait3A_77 : memref<1x10240x128xf32, #tpu.memory_space<hbm>> -> memref<10240x128xf32, #tpu.memory_space<hbm>>
      %dma_wait3A_79 = arith.constant 0 : i32
      %dma_wait3A_80 = tpu.memref_slice %dma_wait3A_78[%mul3A_66, %dma_wait3A_79] : memref<10240x128xf32, #tpu.memory_space<hbm>> -> memref<640x128xf32, #tpu.memory_space<hbm>>
      %dma_wait3A_81 = arith.constant 0 : i32
      %dma_wait3A_82 = tpu.memref_slice %arg10[%mul3A_64, %dma_wait3A_81] : memref<10240x128xf32, #tpu.memory_space<vmem_shared>> -> memref<640x128xf32, #tpu.memory_space<vmem_shared>>
      tpu.wait_dma2 semaphore(%run_scoped3A : memref<!tpu.dma_semaphore, #tpu.memory_space<semaphore_mem>>) src(%dma_wait3A_82 : memref<640x128xf32, #tpu.memory_space<vmem_shared>>) dst(%dma_wait3A_80 : memref<640x128xf32, #tpu.memory_space<hbm>>)
      tpu.yield
    }) : () -> ()
    return
  }
}

#map = affine_map<(d0, d1) -> (0, 0, 0)>
#map1 = affine_map<(d0, d1) -> (0, 0)>
module attributes {stable_mosaic.version = 14 : i64} {
  func.func @_sc_degrees(%arg0: i32, %arg1: i32, %arg2: memref<2x2560x128xi32, #tpu.memory_space<hbm>>, %arg3: memref<128x128xf32, #tpu.memory_space<hbm>>, %arg4: memref<2x10240x128xf32, #tpu.memory_space<hbm>>, %arg5: memref<80x128xi32, #tpu.memory_space<vmem>>, %arg6: memref<128x128xf32, #tpu.memory_space<vmem>>, %arg7: memref<128x128xf32, #tpu.memory_space<vmem>>, %arg8: memref<10240x128xf32, #tpu.memory_space<vmem_shared>>, %arg9: memref<!tpu.dma_semaphore, #tpu.memory_space<semaphore_mem>>, %arg10: memref<!tpu.dma_semaphore, #tpu.memory_space<semaphore_mem>>) attributes {dimension_semantics = [#tpu.dimension_semantics<core_parallel>, #tpu.dimension_semantics<subcore_parallel>], iteration_bounds = array<i64: 2, 16>, scalar_prefetch = 0 : i64, scratch_operands = 6 : i64, tpu.core_type = #tpu.core_type<sc_vector_subcore>, window_params = [{transform_indices = #map}, {transform_indices = #map1}, {transform_indices = #map}]} {
    "tpu.region"() ({
      %run_scoped3A = tpu.sem_alloc : memref<!tpu.dma_semaphore, #tpu.memory_space<semaphore_mem>>
      tpu.enqueue_dma source(%arg3 : memref<128x128xf32, #tpu.memory_space<hbm>>) target(%arg6 : memref<128x128xf32, #tpu.memory_space<vmem>>) target_semaphore(%run_scoped3A : memref<!tpu.dma_semaphore, #tpu.memory_space<semaphore_mem>>)
      tpu.wait_dma2 semaphore(%run_scoped3A : memref<!tpu.dma_semaphore, #tpu.memory_space<semaphore_mem>>) src(%arg3 : memref<128x128xf32, #tpu.memory_space<hbm>>) dst(%arg6 : memref<128x128xf32, #tpu.memory_space<vmem>>)
      tpu.yield
    }) : () -> ()
    %scan3A = arith.constant 0 : i32
    %scan3A_0 = arith.constant 0 : i32
    %scan3A_1 = arith.constant 128 : i32
    %scan3A_2 = arith.addi %scan3A_0, %scan3A_1 : i32
    %scan3A_3 = arith.constant 1 : i32
    scf.for %scan3A_79 = %scan3A_0 to %scan3A_2 step %scan3A_3  : i32 {
      %broadcast_in_dim3A = arith.constant 0.000000e+00 : f32
      %broadcast_in_dim3A_80 = vector.broadcast %broadcast_in_dim3A : f32 to vector<16xf32>
      %swap3A = arith.index_cast %scan3A_79 : i32 to index
      %swap3A_81 = arith.constant 0 : index
      %swap3A_82 = tpu.vector_load %arg7[%swap3A, %swap3A_81] {strides = array<i32>} : memref<128x128xf32, #tpu.memory_space<vmem>>, vector<1x16xf32>,
      %swap3A_83 = vector.shape_cast %swap3A_82 : vector<1x16xf32> to vector<16xf32>
      %swap3A_84 = vector.shape_cast %broadcast_in_dim3A_80 : vector<16xf32> to vector<1x16xf32>
      tpu.vector_store %arg7[%swap3A, %swap3A_81], %swap3A_84 {strides = array<i32>} : memref<128x128xf32, #tpu.memory_space<vmem>>, vector<1x16xf32>,
      %broadcast_in_dim3A_85 = arith.constant 0.000000e+00 : f32
      %broadcast_in_dim3A_86 = vector.broadcast %broadcast_in_dim3A_85 : f32 to vector<16xf32>
      %swap3A_87 = arith.index_cast %scan3A_79 : i32 to index
      %swap3A_88 = arith.constant 16 : index
      %swap3A_89 = tpu.vector_load %arg7[%swap3A_87, %swap3A_88] {strides = array<i32>} : memref<128x128xf32, #tpu.memory_space<vmem>>, vector<1x16xf32>,
      %swap3A_90 = vector.shape_cast %swap3A_89 : vector<1x16xf32> to vector<16xf32>
      %swap3A_91 = vector.shape_cast %broadcast_in_dim3A_86 : vector<16xf32> to vector<1x16xf32>
      tpu.vector_store %arg7[%swap3A_87, %swap3A_88], %swap3A_91 {strides = array<i32>} : memref<128x128xf32, #tpu.memory_space<vmem>>, vector<1x16xf32>,
      %broadcast_in_dim3A_92 = arith.constant 0.000000e+00 : f32
      %broadcast_in_dim3A_93 = vector.broadcast %broadcast_in_dim3A_92 : f32 to vector<16xf32>
      %swap3A_94 = arith.index_cast %scan3A_79 : i32 to index
      %swap3A_95 = arith.constant 32 : index
      %swap3A_96 = tpu.vector_load %arg7[%swap3A_94, %swap3A_95] {strides = array<i32>} : memref<128x128xf32, #tpu.memory_space<vmem>>, vector<1x16xf32>,
      %swap3A_97 = vector.shape_cast %swap3A_96 : vector<1x16xf32> to vector<16xf32>
      %swap3A_98 = vector.shape_cast %broadcast_in_dim3A_93 : vector<16xf32> to vector<1x16xf32>
      tpu.vector_store %arg7[%swap3A_94, %swap3A_95], %swap3A_98 {strides = array<i32>} : memref<128x128xf32, #tpu.memory_space<vmem>>, vector<1x16xf32>,
      %broadcast_in_dim3A_99 = arith.constant 0.000000e+00 : f32
      %broadcast_in_dim3A_100 = vector.broadcast %broadcast_in_dim3A_99 : f32 to vector<16xf32>
      %swap3A_101 = arith.index_cast %scan3A_79 : i32 to index
      %swap3A_102 = arith.constant 48 : index
      %swap3A_103 = tpu.vector_load %arg7[%swap3A_101, %swap3A_102] {strides = array<i32>} : memref<128x128xf32, #tpu.memory_space<vmem>>, vector<1x16xf32>,
      %swap3A_104 = vector.shape_cast %swap3A_103 : vector<1x16xf32> to vector<16xf32>
      %swap3A_105 = vector.shape_cast %broadcast_in_dim3A_100 : vector<16xf32> to vector<1x16xf32>
      tpu.vector_store %arg7[%swap3A_101, %swap3A_102], %swap3A_105 {strides = array<i32>} : memref<128x128xf32, #tpu.memory_space<vmem>>, vector<1x16xf32>,
      %broadcast_in_dim3A_106 = arith.constant 0.000000e+00 : f32
      %broadcast_in_dim3A_107 = vector.broadcast %broadcast_in_dim3A_106 : f32 to vector<16xf32>
      %swap3A_108 = arith.index_cast %scan3A_79 : i32 to index
      %swap3A_109 = arith.constant 64 : index
      %swap3A_110 = tpu.vector_load %arg7[%swap3A_108, %swap3A_109] {strides = array<i32>} : memref<128x128xf32, #tpu.memory_space<vmem>>, vector<1x16xf32>,
      %swap3A_111 = vector.shape_cast %swap3A_110 : vector<1x16xf32> to vector<16xf32>
      %swap3A_112 = vector.shape_cast %broadcast_in_dim3A_107 : vector<16xf32> to vector<1x16xf32>
      tpu.vector_store %arg7[%swap3A_108, %swap3A_109], %swap3A_112 {strides = array<i32>} : memref<128x128xf32, #tpu.memory_space<vmem>>, vector<1x16xf32>,
      %broadcast_in_dim3A_113 = arith.constant 0.000000e+00 : f32
      %broadcast_in_dim3A_114 = vector.broadcast %broadcast_in_dim3A_113 : f32 to vector<16xf32>
      %swap3A_115 = arith.index_cast %scan3A_79 : i32 to index
      %swap3A_116 = arith.constant 80 : index
      %swap3A_117 = tpu.vector_load %arg7[%swap3A_115, %swap3A_116] {strides = array<i32>} : memref<128x128xf32, #tpu.memory_space<vmem>>, vector<1x16xf32>,
      %swap3A_118 = vector.shape_cast %swap3A_117 : vector<1x16xf32> to vector<16xf32>
      %swap3A_119 = vector.shape_cast %broadcast_in_dim3A_114 : vector<16xf32> to vector<1x16xf32>
      tpu.vector_store %arg7[%swap3A_115, %swap3A_116], %swap3A_119 {strides = array<i32>} : memref<128x128xf32, #tpu.memory_space<vmem>>, vector<1x16xf32>,
      %broadcast_in_dim3A_120 = arith.constant 0.000000e+00 : f32
      %broadcast_in_dim3A_121 = vector.broadcast %broadcast_in_dim3A_120 : f32 to vector<16xf32>
      %swap3A_122 = arith.index_cast %scan3A_79 : i32 to index
      %swap3A_123 = arith.constant 96 : index
      %swap3A_124 = tpu.vector_load %arg7[%swap3A_122, %swap3A_123] {strides = array<i32>} : memref<128x128xf32, #tpu.memory_space<vmem>>, vector<1x16xf32>,
      %swap3A_125 = vector.shape_cast %swap3A_124 : vector<1x16xf32> to vector<16xf32>
      %swap3A_126 = vector.shape_cast %broadcast_in_dim3A_121 : vector<16xf32> to vector<1x16xf32>
      tpu.vector_store %arg7[%swap3A_122, %swap3A_123], %swap3A_126 {strides = array<i32>} : memref<128x128xf32, #tpu.memory_space<vmem>>, vector<1x16xf32>,
      %broadcast_in_dim3A_127 = arith.constant 0.000000e+00 : f32
      %broadcast_in_dim3A_128 = vector.broadcast %broadcast_in_dim3A_127 : f32 to vector<16xf32>
      %swap3A_129 = arith.index_cast %scan3A_79 : i32 to index
      %swap3A_130 = arith.constant 112 : index
      %swap3A_131 = tpu.vector_load %arg7[%swap3A_129, %swap3A_130] {strides = array<i32>} : memref<128x128xf32, #tpu.memory_space<vmem>>, vector<1x16xf32>,
      %swap3A_132 = vector.shape_cast %swap3A_131 : vector<1x16xf32> to vector<16xf32>
      %swap3A_133 = vector.shape_cast %broadcast_in_dim3A_128 : vector<16xf32> to vector<1x16xf32>
      tpu.vector_store %arg7[%swap3A_129, %swap3A_130], %swap3A_133 {strides = array<i32>} : memref<128x128xf32, #tpu.memory_space<vmem>>, vector<1x16xf32>,
    }
    %scan3A_4 = arith.constant 128 : i32
    %mul3A = arith.constant 640 : i32
    %mul3A_5 = arith.muli %arg1, %mul3A : i32
    %add3A = arith.constant 0 : i32
    %add3A_6 = arith.addi %mul3A_5, %add3A : i32
    "tpu.region"() ({
      %run_scoped3A = tpu.sem_alloc : memref<!tpu.dma_semaphore, #tpu.memory_space<semaphore_mem>>
      %dma_start3A = arith.constant 0 : i32
      %dma_start3A_79 = tpu.memref_slice %arg8[%add3A_6, %dma_start3A] : memref<10240x128xf32, #tpu.memory_space<vmem_shared>> -> memref<128x128xf32, #tpu.memory_space<vmem_shared>>
      %dma_start3A_80 = arith.constant 0 : i32
      %dma_start3A_81 = tpu.memref_slice %arg8[%add3A_6, %dma_start3A_80] : memref<10240x128xf32, #tpu.memory_space<vmem_shared>> -> memref<128x128xf32, #tpu.memory_space<vmem_shared>>
      tpu.enqueue_dma source(%arg7 : memref<128x128xf32, #tpu.memory_space<vmem>>) target(%dma_start3A_81 : memref<128x128xf32, #tpu.memory_space<vmem_shared>>) target_semaphore(%run_scoped3A : memref<!tpu.dma_semaphore, #tpu.memory_space<semaphore_mem>>)
      %dma_wait3A_82 = arith.constant 0 : i32
      %dma_wait3A_83 = tpu.memref_slice %arg8[%add3A_6, %dma_wait3A_82] : memref<10240x128xf32, #tpu.memory_space<vmem_shared>> -> memref<128x128xf32, #tpu.memory_space<vmem_shared>>
      %dma_wait3A_84 = arith.constant 0 : i32
      %dma_wait3A_85 = tpu.memref_slice %arg8[%add3A_6, %dma_wait3A_84] : memref<10240x128xf32, #tpu.memory_space<vmem_shared>> -> memref<128x128xf32, #tpu.memory_space<vmem_shared>>
      tpu.wait_dma2 semaphore(%run_scoped3A : memref<!tpu.dma_semaphore, #tpu.memory_space<semaphore_mem>>) src(%arg7 : memref<128x128xf32, #tpu.memory_space<vmem>>) dst(%dma_wait3A_85 : memref<128x128xf32, #tpu.memory_space<vmem_shared>>)
      tpu.yield
    }) : () -> ()
    %mul3A_7 = arith.constant 640 : i32
    %mul3A_8 = arith.muli %arg1, %mul3A_7 : i32
    %add3A_9 = arith.constant 128 : i32
    %add3A_10 = arith.addi %mul3A_8, %add3A_9 : i32
    "tpu.region"() ({
      %run_scoped3A = tpu.sem_alloc : memref<!tpu.dma_semaphore, #tpu.memory_space<semaphore_mem>>
      %dma_start3A = arith.constant 0 : i32
      %dma_start3A_79 = tpu.memref_slice %arg8[%add3A_10, %dma_start3A] : memref<10240x128xf32, #tpu.memory_space<vmem_shared>> -> memref<128x128xf32, #tpu.memory_space<vmem_shared>>
      %dma_start3A_80 = arith.constant 0 : i32
      %dma_start3A_81 = tpu.memref_slice %arg8[%add3A_10, %dma_start3A_80] : memref<10240x128xf32, #tpu.memory_space<vmem_shared>> -> memref<128x128xf32, #tpu.memory_space<vmem_shared>>
      tpu.enqueue_dma source(%arg7 : memref<128x128xf32, #tpu.memory_space<vmem>>) target(%dma_start3A_81 : memref<128x128xf32, #tpu.memory_space<vmem_shared>>) target_semaphore(%run_scoped3A : memref<!tpu.dma_semaphore, #tpu.memory_space<semaphore_mem>>)
      %dma_wait3A_82 = arith.constant 0 : i32
      %dma_wait3A_83 = tpu.memref_slice %arg8[%add3A_10, %dma_wait3A_82] : memref<10240x128xf32, #tpu.memory_space<vmem_shared>> -> memref<128x128xf32, #tpu.memory_space<vmem_shared>>
      %dma_wait3A_84 = arith.constant 0 : i32
      %dma_wait3A_85 = tpu.memref_slice %arg8[%add3A_10, %dma_wait3A_84] : memref<10240x128xf32, #tpu.memory_space<vmem_shared>> -> memref<128x128xf32, #tpu.memory_space<vmem_shared>>
      tpu.wait_dma2 semaphore(%run_scoped3A : memref<!tpu.dma_semaphore, #tpu.memory_space<semaphore_mem>>) src(%arg7 : memref<128x128xf32, #tpu.memory_space<vmem>>) dst(%dma_wait3A_85 : memref<128x128xf32, #tpu.memory_space<vmem_shared>>)
      tpu.yield
    }) : () -> ()
    %mul3A_11 = arith.constant 640 : i32
    %mul3A_12 = arith.muli %arg1, %mul3A_11 : i32
    %add3A_13 = arith.constant 256 : i32
    %add3A_14 = arith.addi %mul3A_12, %add3A_13 : i32
    "tpu.region"() ({
      %run_scoped3A = tpu.sem_alloc : memref<!tpu.dma_semaphore, #tpu.memory_space<semaphore_mem>>
      %dma_start3A = arith.constant 0 : i32
      %dma_start3A_79 = tpu.memref_slice %arg8[%add3A_14, %dma_start3A] : memref<10240x128xf32, #tpu.memory_space<vmem_shared>> -> memref<128x128xf32, #tpu.memory_space<vmem_shared>>
      %dma_start3A_80 = arith.constant 0 : i32
      %dma_start3A_81 = tpu.memref_slice %arg8[%add3A_14, %dma_start3A_80] : memref<10240x128xf32, #tpu.memory_space<vmem_shared>> -> memref<128x128xf32, #tpu.memory_space<vmem_shared>>
      tpu.enqueue_dma source(%arg7 : memref<128x128xf32, #tpu.memory_space<vmem>>) target(%dma_start3A_81 : memref<128x128xf32, #tpu.memory_space<vmem_shared>>) target_semaphore(%run_scoped3A : memref<!tpu.dma_semaphore, #tpu.memory_space<semaphore_mem>>)
      %dma_wait3A_82 = arith.constant 0 : i32
      %dma_wait3A_83 = tpu.memref_slice %arg8[%add3A_14, %dma_wait3A_82] : memref<10240x128xf32, #tpu.memory_space<vmem_shared>> -> memref<128x128xf32, #tpu.memory_space<vmem_shared>>
      %dma_wait3A_84 = arith.constant 0 : i32
      %dma_wait3A_85 = tpu.memref_slice %arg8[%add3A_14, %dma_wait3A_84] : memref<10240x128xf32, #tpu.memory_space<vmem_shared>> -> memref<128x128xf32, #tpu.memory_space<vmem_shared>>
      tpu.wait_dma2 semaphore(%run_scoped3A : memref<!tpu.dma_semaphore, #tpu.memory_space<semaphore_mem>>) src(%arg7 : memref<128x128xf32, #tpu.memory_space<vmem>>) dst(%dma_wait3A_85 : memref<128x128xf32, #tpu.memory_space<vmem_shared>>)
      tpu.yield
    }) : () -> ()
    %mul3A_15 = arith.constant 640 : i32
    %mul3A_16 = arith.muli %arg1, %mul3A_15 : i32
    %add3A_17 = arith.constant 384 : i32
    %add3A_18 = arith.addi %mul3A_16, %add3A_17 : i32
    "tpu.region"() ({
      %run_scoped3A = tpu.sem_alloc : memref<!tpu.dma_semaphore, #tpu.memory_space<semaphore_mem>>
      %dma_start3A = arith.constant 0 : i32
      %dma_start3A_79 = tpu.memref_slice %arg8[%add3A_18, %dma_start3A] : memref<10240x128xf32, #tpu.memory_space<vmem_shared>> -> memref<128x128xf32, #tpu.memory_space<vmem_shared>>
      %dma_start3A_80 = arith.constant 0 : i32
      %dma_start3A_81 = tpu.memref_slice %arg8[%add3A_18, %dma_start3A_80] : memref<10240x128xf32, #tpu.memory_space<vmem_shared>> -> memref<128x128xf32, #tpu.memory_space<vmem_shared>>
      tpu.enqueue_dma source(%arg7 : memref<128x128xf32, #tpu.memory_space<vmem>>) target(%dma_start3A_81 : memref<128x128xf32, #tpu.memory_space<vmem_shared>>) target_semaphore(%run_scoped3A : memref<!tpu.dma_semaphore, #tpu.memory_space<semaphore_mem>>)
      %dma_wait3A_82 = arith.constant 0 : i32
      %dma_wait3A_83 = tpu.memref_slice %arg8[%add3A_18, %dma_wait3A_82] : memref<10240x128xf32, #tpu.memory_space<vmem_shared>> -> memref<128x128xf32, #tpu.memory_space<vmem_shared>>
      %dma_wait3A_84 = arith.constant 0 : i32
      %dma_wait3A_85 = tpu.memref_slice %arg8[%add3A_18, %dma_wait3A_84] : memref<10240x128xf32, #tpu.memory_space<vmem_shared>> -> memref<128x128xf32, #tpu.memory_space<vmem_shared>>
      tpu.wait_dma2 semaphore(%run_scoped3A : memref<!tpu.dma_semaphore, #tpu.memory_space<semaphore_mem>>) src(%arg7 : memref<128x128xf32, #tpu.memory_space<vmem>>) dst(%dma_wait3A_85 : memref<128x128xf32, #tpu.memory_space<vmem_shared>>)
      tpu.yield
    }) : () -> ()
    %mul3A_19 = arith.constant 640 : i32
    %mul3A_20 = arith.muli %arg1, %mul3A_19 : i32
    %add3A_21 = arith.constant 512 : i32
    %add3A_22 = arith.addi %mul3A_20, %add3A_21 : i32
    "tpu.region"() ({
      %run_scoped3A = tpu.sem_alloc : memref<!tpu.dma_semaphore, #tpu.memory_space<semaphore_mem>>
      %dma_start3A = arith.constant 0 : i32
      %dma_start3A_79 = tpu.memref_slice %arg8[%add3A_22, %dma_start3A] : memref<10240x128xf32, #tpu.memory_space<vmem_shared>> -> memref<128x128xf32, #tpu.memory_space<vmem_shared>>
      %dma_start3A_80 = arith.constant 0 : i32
      %dma_start3A_81 = tpu.memref_slice %arg8[%add3A_22, %dma_start3A_80] : memref<10240x128xf32, #tpu.memory_space<vmem_shared>> -> memref<128x128xf32, #tpu.memory_space<vmem_shared>>
      tpu.enqueue_dma source(%arg7 : memref<128x128xf32, #tpu.memory_space<vmem>>) target(%dma_start3A_81 : memref<128x128xf32, #tpu.memory_space<vmem_shared>>) target_semaphore(%run_scoped3A : memref<!tpu.dma_semaphore, #tpu.memory_space<semaphore_mem>>)
      %dma_wait3A_82 = arith.constant 0 : i32
      %dma_wait3A_83 = tpu.memref_slice %arg8[%add3A_22, %dma_wait3A_82] : memref<10240x128xf32, #tpu.memory_space<vmem_shared>> -> memref<128x128xf32, #tpu.memory_space<vmem_shared>>
      %dma_wait3A_84 = arith.constant 0 : i32
      %dma_wait3A_85 = tpu.memref_slice %arg8[%add3A_22, %dma_wait3A_84] : memref<10240x128xf32, #tpu.memory_space<vmem_shared>> -> memref<128x128xf32, #tpu.memory_space<vmem_shared>>
      tpu.wait_dma2 semaphore(%run_scoped3A : memref<!tpu.dma_semaphore, #tpu.memory_space<semaphore_mem>>) src(%arg7 : memref<128x128xf32, #tpu.memory_space<vmem>>) dst(%dma_wait3A_85 : memref<128x128xf32, #tpu.memory_space<vmem_shared>>)
      tpu.yield
    }) : () -> ()
    %barrier3A = arith.constant 0 : index
    tpu.barrier barrier_id(%barrier3A)
    %mul3A_23 = arith.constant 2 : i32
    %mul3A_24 = arith.muli %arg1, %mul3A_23 : i32
    %mul3A_25 = arith.constant 80 : i32
    %mul3A_26 = arith.muli %mul3A_24, %mul3A_25 : i32
    %add3A_27 = arith.constant 0 : i32
    %add3A_28 = arith.addi %mul3A_26, %add3A_27 : i32
    "tpu.region"() ({
      %run_scoped3A = tpu.sem_alloc : memref<!tpu.dma_semaphore, #tpu.memory_space<semaphore_mem>>
      %dma_start3A = arith.constant 0 : i32
      %dma_start3A_79 = arith.constant 0 : i32
      %dma_start3A_80 = tpu.memref_slice %arg2[%arg0, %dma_start3A, %dma_start3A_79] : memref<2x2560x128xi32, #tpu.memory_space<hbm>> -> memref<1x2560x128xi32, #tpu.memory_space<hbm>>
      %dma_start3A_81 = tpu.memref_squeeze %dma_start3A_80 : memref<1x2560x128xi32, #tpu.memory_space<hbm>> -> memref<2560x128xi32, #tpu.memory_space<hbm>>
      %dma_start3A_82 = arith.constant 0 : i32
      %dma_start3A_83 = tpu.memref_slice %dma_start3A_81[%add3A_28, %dma_start3A_82] : memref<2560x128xi32, #tpu.memory_space<hbm>> -> memref<80x128xi32, #tpu.memory_space<hbm>>
      %dma_start3A_84 = arith.constant 0 : i32
      %dma_start3A_85 = arith.constant 0 : i32
      %dma_start3A_86 = tpu.memref_slice %arg2[%arg0, %dma_start3A_84, %dma_start3A_85] : memref<2x2560x128xi32, #tpu.memory_space<hbm>> -> memref<1x2560x128xi32, #tpu.memory_space<hbm>>
      %dma_start3A_87 = tpu.memref_squeeze %dma_start3A_86 : memref<1x2560x128xi32, #tpu.memory_space<hbm>> -> memref<2560x128xi32, #tpu.memory_space<hbm>>
      %dma_start3A_88 = arith.constant 0 : i32
      %dma_start3A_89 = tpu.memref_slice %dma_start3A_87[%add3A_28, %dma_start3A_88] : memref<2560x128xi32, #tpu.memory_space<hbm>> -> memref<80x128xi32, #tpu.memory_space<hbm>>
      tpu.enqueue_dma source(%dma_start3A_89 : memref<80x128xi32, #tpu.memory_space<hbm>>) target(%arg5 : memref<80x128xi32, #tpu.memory_space<vmem>>) target_semaphore(%run_scoped3A : memref<!tpu.dma_semaphore, #tpu.memory_space<semaphore_mem>>)
      %dma_wait3A_90 = arith.constant 0 : i32
      %dma_wait3A_91 = arith.constant 0 : i32
      %dma_wait3A_92 = tpu.memref_slice %arg2[%arg0, %dma_wait3A_90, %dma_wait3A_91] : memref<2x2560x128xi32, #tpu.memory_space<hbm>> -> memref<1x2560x128xi32, #tpu.memory_space<hbm>>
      %dma_wait3A_93 = tpu.memref_squeeze %dma_wait3A_92 : memref<1x2560x128xi32, #tpu.memory_space<hbm>> -> memref<2560x128xi32, #tpu.memory_space<hbm>>
      %dma_wait3A_94 = arith.constant 0 : i32
      %dma_wait3A_95 = tpu.memref_slice %dma_wait3A_93[%add3A_28, %dma_wait3A_94] : memref<2560x128xi32, #tpu.memory_space<hbm>> -> memref<80x128xi32, #tpu.memory_space<hbm>>
      %dma_wait3A_96 = arith.constant 0 : i32
      %dma_wait3A_97 = arith.constant 0 : i32
      %dma_wait3A_98 = tpu.memref_slice %arg2[%arg0, %dma_wait3A_96, %dma_wait3A_97] : memref<2x2560x128xi32, #tpu.memory_space<hbm>> -> memref<1x2560x128xi32, #tpu.memory_space<hbm>>
      %dma_wait3A_99 = tpu.memref_squeeze %dma_wait3A_98 : memref<1x2560x128xi32, #tpu.memory_space<hbm>> -> memref<2560x128xi32, #tpu.memory_space<hbm>>
      %dma_wait3A_100 = arith.constant 0 : i32
      %dma_wait3A_101 = tpu.memref_slice %dma_wait3A_99[%add3A_28, %dma_wait3A_100] : memref<2560x128xi32, #tpu.memory_space<hbm>> -> memref<80x128xi32, #tpu.memory_space<hbm>>
      tpu.wait_dma2 semaphore(%run_scoped3A : memref<!tpu.dma_semaphore, #tpu.memory_space<semaphore_mem>>) src(%dma_wait3A_101 : memref<80x128xi32, #tpu.memory_space<hbm>>) dst(%arg5 : memref<80x128xi32, #tpu.memory_space<vmem>>)
      tpu.yield
    }) : () -> ()
    %scan3A_29 = arith.constant 0 : i32
    %scan3A_30 = arith.constant 0 : i32
    %scan3A_31 = arith.constant 40 : i32
    %scan3A_32 = arith.addi %scan3A_30, %scan3A_31 : i32
    %scan3A_33 = arith.constant 1 : i32
    scf.for %scan3A_79 = %scan3A_30 to %scan3A_32 step %scan3A_33  : i32 {
      %mul3A_80 = arith.constant 2 : i32
      %mul3A_81 = arith.muli %mul3A_80, %scan3A_79 : i32
      %add3A_82 = arith.constant 0 : i32
      %add3A_83 = arith.addi %mul3A_81, %add3A_82 : i32
      %ge3A = arith.constant 2 : i32
      %ge3A_84 = arith.cmpi sge, %add3A_83, %ge3A : i32
      %convert_element_type3A = arith.extui %ge3A_84 : i1 to i32
      %cond3A = arith.constant 0 : i32
      %cond3A_85 = arith.cmpi ne, %convert_element_type3A, %cond3A : i32
      scf.if %cond3A_85 {
        %dma_wait3A_106 = arith.constant 0 : i32
        %dma_wait3A_107 = arith.constant 0 : i32
        %dma_wait3A_108 = tpu.memref_slice %arg5[%dma_wait3A_106, %dma_wait3A_107] : memref<80x128xi32, #tpu.memory_space<vmem>> -> memref<1x128xi32, #tpu.memory_space<vmem>>
        %dma_wait3A_109 = tpu.memref_squeeze %dma_wait3A_108 : memref<1x128xi32, #tpu.memory_space<vmem>> -> memref<128xi32, #tpu.memory_space<vmem>>
        %dma_wait3A_110 = arith.constant 0 : i32
        %dma_wait3A_111 = arith.constant 0 : i32
        %dma_wait3A_112 = tpu.memref_slice %arg8[%dma_wait3A_110, %dma_wait3A_111] : memref<10240x128xf32, #tpu.memory_space<vmem_shared>> -> memref<10240x128xf32, #tpu.memory_space<vmem_shared>>
        tpu.wait_indirect_dma semaphore(%arg9 : memref<!tpu.dma_semaphore, #tpu.memory_space<semaphore_mem>>) src(%arg6 : memref<128x128xf32, #tpu.memory_space<vmem>>) dst(%dma_wait3A_112 : memref<10240x128xf32, #tpu.memory_space<vmem_shared>>)
      } else {
      }
      %dma_start3A = arith.constant 0 : i32
      %dma_start3A_86 = tpu.memref_slice %arg5[%add3A_83, %dma_start3A] : memref<80x128xi32, #tpu.memory_space<vmem>> -> memref<1x128xi32, #tpu.memory_space<vmem>>
      %dma_start3A_87 = tpu.memref_squeeze %dma_start3A_86 : memref<1x128xi32, #tpu.memory_space<vmem>> -> memref<128xi32, #tpu.memory_space<vmem>>
      %dma_start3A_88 = arith.constant 0 : i32
      %dma_start3A_89 = arith.constant 0 : i32
      %dma_start3A_90 = tpu.memref_slice %arg8[%dma_start3A_88, %dma_start3A_89] : memref<10240x128xf32, #tpu.memory_space<vmem_shared>> -> memref<10240x128xf32, #tpu.memory_space<vmem_shared>>
      tpu.enqueue_indirect_dma source(%arg6 : memref<128x128xf32, #tpu.memory_space<vmem>>) target(%dma_start3A_90 : memref<10240x128xf32, #tpu.memory_space<vmem_shared>>) offsets(%dma_start3A_87 : memref<128xi32, #tpu.memory_space<vmem>>) semaphore(%arg9 : memref<!tpu.dma_semaphore, #tpu.memory_space<semaphore_mem>>) {add = true}
      %mul3A_91 = arith.constant 2 : i32
      %mul3A_92 = arith.muli %mul3A_91, %scan3A_79 : i32
      %add3A_93 = arith.constant 1 : i32
      %add3A_94 = arith.addi %mul3A_92, %add3A_93 : i32
      %ge3A_95 = arith.constant 2 : i32
      %ge3A_96 = arith.cmpi sge, %add3A_94, %ge3A_95 : i32
      %convert_element_type3A_97 = arith.extui %ge3A_96 : i1 to i32
      %cond3A_98 = arith.constant 0 : i32
      %cond3A_99 = arith.cmpi ne, %convert_element_type3A_97, %cond3A_98 : i32
      scf.if %cond3A_99 {
        %dma_wait3A_106 = arith.constant 0 : i32
        %dma_wait3A_107 = arith.constant 0 : i32
        %dma_wait3A_108 = tpu.memref_slice %arg5[%dma_wait3A_106, %dma_wait3A_107] : memref<80x128xi32, #tpu.memory_space<vmem>> -> memref<1x128xi32, #tpu.memory_space<vmem>>
        %dma_wait3A_109 = tpu.memref_squeeze %dma_wait3A_108 : memref<1x128xi32, #tpu.memory_space<vmem>> -> memref<128xi32, #tpu.memory_space<vmem>>
        %dma_wait3A_110 = arith.constant 0 : i32
        %dma_wait3A_111 = arith.constant 0 : i32
        %dma_wait3A_112 = tpu.memref_slice %arg8[%dma_wait3A_110, %dma_wait3A_111] : memref<10240x128xf32, #tpu.memory_space<vmem_shared>> -> memref<10240x128xf32, #tpu.memory_space<vmem_shared>>
        tpu.wait_indirect_dma semaphore(%arg10 : memref<!tpu.dma_semaphore, #tpu.memory_space<semaphore_mem>>) src(%arg6 : memref<128x128xf32, #tpu.memory_space<vmem>>) dst(%dma_wait3A_112 : memref<10240x128xf32, #tpu.memory_space<vmem_shared>>)
      } else {
      }
      %dma_start3A_100 = arith.constant 0 : i32
      %dma_start3A_101 = tpu.memref_slice %arg5[%add3A_94, %dma_start3A_100] : memref<80x128xi32, #tpu.memory_space<vmem>> -> memref<1x128xi32, #tpu.memory_space<vmem>>
      %dma_start3A_102 = tpu.memref_squeeze %dma_start3A_101 : memref<1x128xi32, #tpu.memory_space<vmem>> -> memref<128xi32, #tpu.memory_space<vmem>>
      %dma_start3A_103 = arith.constant 0 : i32
      %dma_start3A_104 = arith.constant 0 : i32
      %dma_start3A_105 = tpu.memref_slice %arg8[%dma_start3A_103, %dma_start3A_104] : memref<10240x128xf32, #tpu.memory_space<vmem_shared>> -> memref<10240x128xf32, #tpu.memory_space<vmem_shared>>
      tpu.enqueue_indirect_dma source(%arg6 : memref<128x128xf32, #tpu.memory_space<vmem>>) target(%dma_start3A_105 : memref<10240x128xf32, #tpu.memory_space<vmem_shared>>) offsets(%dma_start3A_102 : memref<128xi32, #tpu.memory_space<vmem>>) semaphore(%arg10 : memref<!tpu.dma_semaphore, #tpu.memory_space<semaphore_mem>>) {add = true}
    }
    %scan3A_34 = arith.constant 40 : i32
    %dma_wait3A = arith.constant 0 : i32
    %dma_wait3A_35 = arith.constant 0 : i32
    %dma_wait3A_36 = tpu.memref_slice %arg5[%dma_wait3A, %dma_wait3A_35] : memref<80x128xi32, #tpu.memory_space<vmem>> -> memref<1x128xi32, #tpu.memory_space<vmem>>
    %dma_wait3A_37 = tpu.memref_squeeze %dma_wait3A_36 : memref<1x128xi32, #tpu.memory_space<vmem>> -> memref<128xi32, #tpu.memory_space<vmem>>
    %dma_wait3A_38 = arith.constant 0 : i32
    %dma_wait3A_39 = arith.constant 0 : i32
    %dma_wait3A_40 = tpu.memref_slice %arg8[%dma_wait3A_38, %dma_wait3A_39] : memref<10240x128xf32, #tpu.memory_space<vmem_shared>> -> memref<10240x128xf32, #tpu.memory_space<vmem_shared>>
    tpu.wait_indirect_dma semaphore(%arg9 : memref<!tpu.dma_semaphore, #tpu.memory_space<semaphore_mem>>) src(%arg6 : memref<128x128xf32, #tpu.memory_space<vmem>>) dst(%dma_wait3A_40 : memref<10240x128xf32, #tpu.memory_space<vmem_shared>>)
    %dma_wait3A_41 = arith.constant 0 : i32
    %dma_wait3A_42 = arith.constant 0 : i32
    %dma_wait3A_43 = tpu.memref_slice %arg5[%dma_wait3A_41, %dma_wait3A_42] : memref<80x128xi32, #tpu.memory_space<vmem>> -> memref<1x128xi32, #tpu.memory_space<vmem>>
    %dma_wait3A_44 = tpu.memref_squeeze %dma_wait3A_43 : memref<1x128xi32, #tpu.memory_space<vmem>> -> memref<128xi32, #tpu.memory_space<vmem>>
    %dma_wait3A_45 = arith.constant 0 : i32
    %dma_wait3A_46 = arith.constant 0 : i32
    %dma_wait3A_47 = tpu.memref_slice %arg8[%dma_wait3A_45, %dma_wait3A_46] : memref<10240x128xf32, #tpu.memory_space<vmem_shared>> -> memref<10240x128xf32, #tpu.memory_space<vmem_shared>>
    tpu.wait_indirect_dma semaphore(%arg10 : memref<!tpu.dma_semaphore, #tpu.memory_space<semaphore_mem>>) src(%arg6 : memref<128x128xf32, #tpu.memory_space<vmem>>) dst(%dma_wait3A_47 : memref<10240x128xf32, #tpu.memory_space<vmem_shared>>)
    %mul3A_48 = arith.constant 2 : i32
    %mul3A_49 = arith.muli %arg1, %mul3A_48 : i32
    %mul3A_50 = arith.constant 80 : i32
    %mul3A_51 = arith.muli %mul3A_49, %mul3A_50 : i32
    %add3A_52 = arith.constant 80 : i32
    %add3A_53 = arith.addi %mul3A_51, %add3A_52 : i32
    "tpu.region"() ({
      %run_scoped3A = tpu.sem_alloc : memref<!tpu.dma_semaphore, #tpu.memory_space<semaphore_mem>>
      %dma_start3A = arith.constant 0 : i32
      %dma_start3A_79 = arith.constant 0 : i32
      %dma_start3A_80 = tpu.memref_slice %arg2[%arg0, %dma_start3A, %dma_start3A_79] : memref<2x2560x128xi32, #tpu.memory_space<hbm>> -> memref<1x2560x128xi32, #tpu.memory_space<hbm>>
      %dma_start3A_81 = tpu.memref_squeeze %dma_start3A_80 : memref<1x2560x128xi32, #tpu.memory_space<hbm>> -> memref<2560x128xi32, #tpu.memory_space<hbm>>
      %dma_start3A_82 = arith.constant 0 : i32
      %dma_start3A_83 = tpu.memref_slice %dma_start3A_81[%add3A_53, %dma_start3A_82] : memref<2560x128xi32, #tpu.memory_space<hbm>> -> memref<80x128xi32, #tpu.memory_space<hbm>>
      %dma_start3A_84 = arith.constant 0 : i32
      %dma_start3A_85 = arith.constant 0 : i32
      %dma_start3A_86 = tpu.memref_slice %arg2[%arg0, %dma_start3A_84, %dma_start3A_85] : memref<2x2560x128xi32, #tpu.memory_space<hbm>> -> memref<1x2560x128xi32, #tpu.memory_space<hbm>>
      %dma_start3A_87 = tpu.memref_squeeze %dma_start3A_86 : memref<1x2560x128xi32, #tpu.memory_space<hbm>> -> memref<2560x128xi32, #tpu.memory_space<hbm>>
      %dma_start3A_88 = arith.constant 0 : i32
      %dma_start3A_89 = tpu.memref_slice %dma_start3A_87[%add3A_53, %dma_start3A_88] : memref<2560x128xi32, #tpu.memory_space<hbm>> -> memref<80x128xi32, #tpu.memory_space<hbm>>
      tpu.enqueue_dma source(%dma_start3A_89 : memref<80x128xi32, #tpu.memory_space<hbm>>) target(%arg5 : memref<80x128xi32, #tpu.memory_space<vmem>>) target_semaphore(%run_scoped3A : memref<!tpu.dma_semaphore, #tpu.memory_space<semaphore_mem>>)
      %dma_wait3A_90 = arith.constant 0 : i32
      %dma_wait3A_91 = arith.constant 0 : i32
      %dma_wait3A_92 = tpu.memref_slice %arg2[%arg0, %dma_wait3A_90, %dma_wait3A_91] : memref<2x2560x128xi32, #tpu.memory_space<hbm>> -> memref<1x2560x128xi32, #tpu.memory_space<hbm>>
      %dma_wait3A_93 = tpu.memref_squeeze %dma_wait3A_92 : memref<1x2560x128xi32, #tpu.memory_space<hbm>> -> memref<2560x128xi32, #tpu.memory_space<hbm>>
      %dma_wait3A_94 = arith.constant 0 : i32
      %dma_wait3A_95 = tpu.memref_slice %dma_wait3A_93[%add3A_53, %dma_wait3A_94] : memref<2560x128xi32, #tpu.memory_space<hbm>> -> memref<80x128xi32, #tpu.memory_space<hbm>>
      %dma_wait3A_96 = arith.constant 0 : i32
      %dma_wait3A_97 = arith.constant 0 : i32
      %dma_wait3A_98 = tpu.memref_slice %arg2[%arg0, %dma_wait3A_96, %dma_wait3A_97] : memref<2x2560x128xi32, #tpu.memory_space<hbm>> -> memref<1x2560x128xi32, #tpu.memory_space<hbm>>
      %dma_wait3A_99 = tpu.memref_squeeze %dma_wait3A_98 : memref<1x2560x128xi32, #tpu.memory_space<hbm>> -> memref<2560x128xi32, #tpu.memory_space<hbm>>
      %dma_wait3A_100 = arith.constant 0 : i32
      %dma_wait3A_101 = tpu.memref_slice %dma_wait3A_99[%add3A_53, %dma_wait3A_100] : memref<2560x128xi32, #tpu.memory_space<hbm>> -> memref<80x128xi32, #tpu.memory_space<hbm>>
      tpu.wait_dma2 semaphore(%run_scoped3A : memref<!tpu.dma_semaphore, #tpu.memory_space<semaphore_mem>>) src(%dma_wait3A_101 : memref<80x128xi32, #tpu.memory_space<hbm>>) dst(%arg5 : memref<80x128xi32, #tpu.memory_space<vmem>>)
      tpu.yield
    }) : () -> ()
    %scan3A_54 = arith.constant 0 : i32
    %scan3A_55 = arith.constant 0 : i32
    %scan3A_56 = arith.constant 40 : i32
    %scan3A_57 = arith.addi %scan3A_55, %scan3A_56 : i32
    %scan3A_58 = arith.constant 1 : i32
    scf.for %scan3A_79 = %scan3A_55 to %scan3A_57 step %scan3A_58  : i32 {
      %mul3A_80 = arith.constant 2 : i32
      %mul3A_81 = arith.muli %mul3A_80, %scan3A_79 : i32
      %add3A_82 = arith.constant 0 : i32
      %add3A_83 = arith.addi %mul3A_81, %add3A_82 : i32
      %ge3A = arith.constant 2 : i32
      %ge3A_84 = arith.cmpi sge, %add3A_83, %ge3A : i32
      %convert_element_type3A = arith.extui %ge3A_84 : i1 to i32
      %cond3A = arith.constant 0 : i32
      %cond3A_85 = arith.cmpi ne, %convert_element_type3A, %cond3A : i32
      scf.if %cond3A_85 {
        %dma_wait3A_106 = arith.constant 0 : i32
        %dma_wait3A_107 = arith.constant 0 : i32
        %dma_wait3A_108 = tpu.memref_slice %arg5[%dma_wait3A_106, %dma_wait3A_107] : memref<80x128xi32, #tpu.memory_space<vmem>> -> memref<1x128xi32, #tpu.memory_space<vmem>>
        %dma_wait3A_109 = tpu.memref_squeeze %dma_wait3A_108 : memref<1x128xi32, #tpu.memory_space<vmem>> -> memref<128xi32, #tpu.memory_space<vmem>>
        %dma_wait3A_110 = arith.constant 0 : i32
        %dma_wait3A_111 = arith.constant 0 : i32
        %dma_wait3A_112 = tpu.memref_slice %arg8[%dma_wait3A_110, %dma_wait3A_111] : memref<10240x128xf32, #tpu.memory_space<vmem_shared>> -> memref<10240x128xf32, #tpu.memory_space<vmem_shared>>
        tpu.wait_indirect_dma semaphore(%arg9 : memref<!tpu.dma_semaphore, #tpu.memory_space<semaphore_mem>>) src(%arg6 : memref<128x128xf32, #tpu.memory_space<vmem>>) dst(%dma_wait3A_112 : memref<10240x128xf32, #tpu.memory_space<vmem_shared>>)
      } else {
      }
      %dma_start3A = arith.constant 0 : i32
      %dma_start3A_86 = tpu.memref_slice %arg5[%add3A_83, %dma_start3A] : memref<80x128xi32, #tpu.memory_space<vmem>> -> memref<1x128xi32, #tpu.memory_space<vmem>>
      %dma_start3A_87 = tpu.memref_squeeze %dma_start3A_86 : memref<1x128xi32, #tpu.memory_space<vmem>> -> memref<128xi32, #tpu.memory_space<vmem>>
      %dma_start3A_88 = arith.constant 0 : i32
      %dma_start3A_89 = arith.constant 0 : i32
      %dma_start3A_90 = tpu.memref_slice %arg8[%dma_start3A_88, %dma_start3A_89] : memref<10240x128xf32, #tpu.memory_space<vmem_shared>> -> memref<10240x128xf32, #tpu.memory_space<vmem_shared>>
      tpu.enqueue_indirect_dma source(%arg6 : memref<128x128xf32, #tpu.memory_space<vmem>>) target(%dma_start3A_90 : memref<10240x128xf32, #tpu.memory_space<vmem_shared>>) offsets(%dma_start3A_87 : memref<128xi32, #tpu.memory_space<vmem>>) semaphore(%arg9 : memref<!tpu.dma_semaphore, #tpu.memory_space<semaphore_mem>>) {add = true}
      %mul3A_91 = arith.constant 2 : i32
      %mul3A_92 = arith.muli %mul3A_91, %scan3A_79 : i32
      %add3A_93 = arith.constant 1 : i32
      %add3A_94 = arith.addi %mul3A_92, %add3A_93 : i32
      %ge3A_95 = arith.constant 2 : i32
      %ge3A_96 = arith.cmpi sge, %add3A_94, %ge3A_95 : i32
      %convert_element_type3A_97 = arith.extui %ge3A_96 : i1 to i32
      %cond3A_98 = arith.constant 0 : i32
      %cond3A_99 = arith.cmpi ne, %convert_element_type3A_97, %cond3A_98 : i32
      scf.if %cond3A_99 {
        %dma_wait3A_106 = arith.constant 0 : i32
        %dma_wait3A_107 = arith.constant 0 : i32
        %dma_wait3A_108 = tpu.memref_slice %arg5[%dma_wait3A_106, %dma_wait3A_107] : memref<80x128xi32, #tpu.memory_space<vmem>> -> memref<1x128xi32, #tpu.memory_space<vmem>>
        %dma_wait3A_109 = tpu.memref_squeeze %dma_wait3A_108 : memref<1x128xi32, #tpu.memory_space<vmem>> -> memref<128xi32, #tpu.memory_space<vmem>>
        %dma_wait3A_110 = arith.constant 0 : i32
        %dma_wait3A_111 = arith.constant 0 : i32
        %dma_wait3A_112 = tpu.memref_slice %arg8[%dma_wait3A_110, %dma_wait3A_111] : memref<10240x128xf32, #tpu.memory_space<vmem_shared>> -> memref<10240x128xf32, #tpu.memory_space<vmem_shared>>
        tpu.wait_indirect_dma semaphore(%arg10 : memref<!tpu.dma_semaphore, #tpu.memory_space<semaphore_mem>>) src(%arg6 : memref<128x128xf32, #tpu.memory_space<vmem>>) dst(%dma_wait3A_112 : memref<10240x128xf32, #tpu.memory_space<vmem_shared>>)
      } else {
      }
      %dma_start3A_100 = arith.constant 0 : i32
      %dma_start3A_101 = tpu.memref_slice %arg5[%add3A_94, %dma_start3A_100] : memref<80x128xi32, #tpu.memory_space<vmem>> -> memref<1x128xi32, #tpu.memory_space<vmem>>
      %dma_start3A_102 = tpu.memref_squeeze %dma_start3A_101 : memref<1x128xi32, #tpu.memory_space<vmem>> -> memref<128xi32, #tpu.memory_space<vmem>>
      %dma_start3A_103 = arith.constant 0 : i32
      %dma_start3A_104 = arith.constant 0 : i32
      %dma_start3A_105 = tpu.memref_slice %arg8[%dma_start3A_103, %dma_start3A_104] : memref<10240x128xf32, #tpu.memory_space<vmem_shared>> -> memref<10240x128xf32, #tpu.memory_space<vmem_shared>>
      tpu.enqueue_indirect_dma source(%arg6 : memref<128x128xf32, #tpu.memory_space<vmem>>) target(%dma_start3A_105 : memref<10240x128xf32, #tpu.memory_space<vmem_shared>>) offsets(%dma_start3A_102 : memref<128xi32, #tpu.memory_space<vmem>>) semaphore(%arg10 : memref<!tpu.dma_semaphore, #tpu.memory_space<semaphore_mem>>) {add = true}
    }
    %scan3A_59 = arith.constant 40 : i32
    %dma_wait3A_60 = arith.constant 0 : i32
    %dma_wait3A_61 = arith.constant 0 : i32
    %dma_wait3A_62 = tpu.memref_slice %arg5[%dma_wait3A_60, %dma_wait3A_61] : memref<80x128xi32, #tpu.memory_space<vmem>> -> memref<1x128xi32, #tpu.memory_space<vmem>>
    %dma_wait3A_63 = tpu.memref_squeeze %dma_wait3A_62 : memref<1x128xi32, #tpu.memory_space<vmem>> -> memref<128xi32, #tpu.memory_space<vmem>>
    %dma_wait3A_64 = arith.constant 0 : i32
    %dma_wait3A_65 = arith.constant 0 : i32
    %dma_wait3A_66 = tpu.memref_slice %arg8[%dma_wait3A_64, %dma_wait3A_65] : memref<10240x128xf32, #tpu.memory_space<vmem_shared>> -> memref<10240x128xf32, #tpu.memory_space<vmem_shared>>
    tpu.wait_indirect_dma semaphore(%arg9 : memref<!tpu.dma_semaphore, #tpu.memory_space<semaphore_mem>>) src(%arg6 : memref<128x128xf32, #tpu.memory_space<vmem>>) dst(%dma_wait3A_66 : memref<10240x128xf32, #tpu.memory_space<vmem_shared>>)
    %dma_wait3A_67 = arith.constant 0 : i32
    %dma_wait3A_68 = arith.constant 0 : i32
    %dma_wait3A_69 = tpu.memref_slice %arg5[%dma_wait3A_67, %dma_wait3A_68] : memref<80x128xi32, #tpu.memory_space<vmem>> -> memref<1x128xi32, #tpu.memory_space<vmem>>
    %dma_wait3A_70 = tpu.memref_squeeze %dma_wait3A_69 : memref<1x128xi32, #tpu.memory_space<vmem>> -> memref<128xi32, #tpu.memory_space<vmem>>
    %dma_wait3A_71 = arith.constant 0 : i32
    %dma_wait3A_72 = arith.constant 0 : i32
    %dma_wait3A_73 = tpu.memref_slice %arg8[%dma_wait3A_71, %dma_wait3A_72] : memref<10240x128xf32, #tpu.memory_space<vmem_shared>> -> memref<10240x128xf32, #tpu.memory_space<vmem_shared>>
    tpu.wait_indirect_dma semaphore(%arg10 : memref<!tpu.dma_semaphore, #tpu.memory_space<semaphore_mem>>) src(%arg6 : memref<128x128xf32, #tpu.memory_space<vmem>>) dst(%dma_wait3A_73 : memref<10240x128xf32, #tpu.memory_space<vmem_shared>>)
    %barrier3A_74 = arith.constant 0 : index
    tpu.barrier barrier_id(%barrier3A_74)
    %mul3A_75 = arith.constant 640 : i32
    %mul3A_76 = arith.muli %arg1, %mul3A_75 : i32
    %mul3A_77 = arith.constant 640 : i32
    %mul3A_78 = arith.muli %arg1, %mul3A_77 : i32
    "tpu.region"() ({
      %run_scoped3A = tpu.sem_alloc : memref<!tpu.dma_semaphore, #tpu.memory_space<semaphore_mem>>
      %dma_start3A = arith.constant 0 : i32
      %dma_start3A_79 = arith.constant 0 : i32
      %dma_start3A_80 = tpu.memref_slice %arg4[%arg0, %dma_start3A, %dma_start3A_79] : memref<2x10240x128xf32, #tpu.memory_space<hbm>> -> memref<1x10240x128xf32, #tpu.memory_space<hbm>>
      %dma_start3A_81 = tpu.memref_squeeze %dma_start3A_80 : memref<1x10240x128xf32, #tpu.memory_space<hbm>> -> memref<10240x128xf32, #tpu.memory_space<hbm>>
      %dma_start3A_82 = arith.constant 0 : i32
      %dma_start3A_83 = tpu.memref_slice %dma_start3A_81[%mul3A_78, %dma_start3A_82] : memref<10240x128xf32, #tpu.memory_space<hbm>> -> memref<640x128xf32, #tpu.memory_space<hbm>>
      %dma_start3A_84 = arith.constant 0 : i32
      %dma_start3A_85 = tpu.memref_slice %arg8[%mul3A_76, %dma_start3A_84] : memref<10240x128xf32, #tpu.memory_space<vmem_shared>> -> memref<640x128xf32, #tpu.memory_space<vmem_shared>>
      tpu.enqueue_dma source(%dma_start3A_85 : memref<640x128xf32, #tpu.memory_space<vmem_shared>>) target(%dma_start3A_83 : memref<640x128xf32, #tpu.memory_space<hbm>>) target_semaphore(%run_scoped3A : memref<!tpu.dma_semaphore, #tpu.memory_space<semaphore_mem>>)
      %dma_wait3A_86 = arith.constant 0 : i32
      %dma_wait3A_87 = arith.constant 0 : i32
      %dma_wait3A_88 = tpu.memref_slice %arg4[%arg0, %dma_wait3A_86, %dma_wait3A_87] : memref<2x10240x128xf32, #tpu.memory_space<hbm>> -> memref<1x10240x128xf32, #tpu.memory_space<hbm>>
      %dma_wait3A_89 = tpu.memref_squeeze %dma_wait3A_88 : memref<1x10240x128xf32, #tpu.memory_space<hbm>> -> memref<10240x128xf32, #tpu.memory_space<hbm>>
      %dma_wait3A_90 = arith.constant 0 : i32
      %dma_wait3A_91 = tpu.memref_slice %dma_wait3A_89[%mul3A_78, %dma_wait3A_90] : memref<10240x128xf32, #tpu.memory_space<hbm>> -> memref<640x128xf32, #tpu.memory_space<hbm>>
      %dma_wait3A_92 = arith.constant 0 : i32
      %dma_wait3A_93 = tpu.memref_slice %arg8[%mul3A_76, %dma_wait3A_92] : memref<10240x128xf32, #tpu.memory_space<vmem_shared>> -> memref<640x128xf32, #tpu.memory_space<vmem_shared>>
      tpu.wait_dma2 semaphore(%run_scoped3A : memref<!tpu.dma_semaphore, #tpu.memory_space<semaphore_mem>>) src(%dma_wait3A_93 : memref<640x128xf32, #tpu.memory_space<vmem_shared>>) dst(%dma_wait3A_91 : memref<640x128xf32, #tpu.memory_space<hbm>>)
      tpu.yield
    }) : () -> ()
    return
  }
}

#map = affine_map<(d0, d1) -> (0, 0)>
#map1 = affine_map<(d0, d1) -> (0, 0, 0)>
module attributes {stable_mosaic.version = 14 : i64} {
  func.func @_sc_agg(%arg0: i32, %arg1: i32, %arg2: memref<10240x128xf32, #tpu.memory_space<hbm>>, %arg3: memref<2560x128xi32, #tpu.memory_space<hbm>>, %arg4: memref<2560x1x128xi32, #tpu.memory_space<hbm>>, %arg5: memref<2x10240x128xf32, #tpu.memory_space<hbm>>, %arg6: memref<80x128xi32, #tpu.memory_space<vmem>>, %arg7: memref<4x128xi32, #tpu.memory_space<vmem>>, %arg8: memref<128x128xf32, #tpu.memory_space<vmem>>, %arg9: memref<128x128xf32, #tpu.memory_space<vmem>>, %arg10: memref<10240x128xf32, #tpu.memory_space<vmem_shared>>, %arg11: memref<!tpu.dma_semaphore, #tpu.memory_space<semaphore_mem>>, %arg12: memref<!tpu.dma_semaphore, #tpu.memory_space<semaphore_mem>>, %arg13: memref<!tpu.dma_semaphore, #tpu.memory_space<semaphore_mem>>, %arg14: memref<!tpu.dma_semaphore, #tpu.memory_space<semaphore_mem>>) attributes {dimension_semantics = [#tpu.dimension_semantics<core_parallel>, #tpu.dimension_semantics<subcore_parallel>], iteration_bounds = array<i64: 2, 16>, scalar_prefetch = 0 : i64, scratch_operands = 9 : i64, tpu.core_type = #tpu.core_type<sc_vector_subcore>, window_params = [{transform_indices = #map}, {transform_indices = #map}, {transform_indices = #map1}, {transform_indices = #map1}]} {
    %mul3A = arith.constant 16 : i32
    %mul3A_0 = arith.muli %arg0, %mul3A : i32
    %add3A = arith.addi %mul3A_0, %arg1 : i32
    %scan3A = arith.constant 0 : i32
    %scan3A_1 = arith.constant 0 : i32
    %scan3A_2 = arith.constant 128 : i32
    %scan3A_3 = arith.addi %scan3A_1, %scan3A_2 : i32
    %scan3A_4 = arith.constant 1 : i32
    scf.for %scan3A_67 = %scan3A_1 to %scan3A_3 step %scan3A_4  : i32 {
      %broadcast_in_dim3A = arith.constant 0.000000e+00 : f32
      %broadcast_in_dim3A_68 = vector.broadcast %broadcast_in_dim3A : f32 to vector<16xf32>
      %swap3A = arith.index_cast %scan3A_67 : i32 to index
      %swap3A_69 = arith.constant 0 : index
      %swap3A_70 = tpu.vector_load %arg8[%swap3A, %swap3A_69] {strides = array<i32>} : memref<128x128xf32, #tpu.memory_space<vmem>>, vector<1x16xf32>,
      %swap3A_71 = vector.shape_cast %swap3A_70 : vector<1x16xf32> to vector<16xf32>
      %swap3A_72 = vector.shape_cast %broadcast_in_dim3A_68 : vector<16xf32> to vector<1x16xf32>
      tpu.vector_store %arg8[%swap3A, %swap3A_69], %swap3A_72 {strides = array<i32>} : memref<128x128xf32, #tpu.memory_space<vmem>>, vector<1x16xf32>,
      %broadcast_in_dim3A_73 = arith.constant 0.000000e+00 : f32
      %broadcast_in_dim3A_74 = vector.broadcast %broadcast_in_dim3A_73 : f32 to vector<16xf32>
      %swap3A_75 = arith.index_cast %scan3A_67 : i32 to index
      %swap3A_76 = arith.constant 16 : index
      %swap3A_77 = tpu.vector_load %arg8[%swap3A_75, %swap3A_76] {strides = array<i32>} : memref<128x128xf32, #tpu.memory_space<vmem>>, vector<1x16xf32>,
      %swap3A_78 = vector.shape_cast %swap3A_77 : vector<1x16xf32> to vector<16xf32>
      %swap3A_79 = vector.shape_cast %broadcast_in_dim3A_74 : vector<16xf32> to vector<1x16xf32>
      tpu.vector_store %arg8[%swap3A_75, %swap3A_76], %swap3A_79 {strides = array<i32>} : memref<128x128xf32, #tpu.memory_space<vmem>>, vector<1x16xf32>,
      %broadcast_in_dim3A_80 = arith.constant 0.000000e+00 : f32
      %broadcast_in_dim3A_81 = vector.broadcast %broadcast_in_dim3A_80 : f32 to vector<16xf32>
      %swap3A_82 = arith.index_cast %scan3A_67 : i32 to index
      %swap3A_83 = arith.constant 32 : index
      %swap3A_84 = tpu.vector_load %arg8[%swap3A_82, %swap3A_83] {strides = array<i32>} : memref<128x128xf32, #tpu.memory_space<vmem>>, vector<1x16xf32>,
      %swap3A_85 = vector.shape_cast %swap3A_84 : vector<1x16xf32> to vector<16xf32>
      %swap3A_86 = vector.shape_cast %broadcast_in_dim3A_81 : vector<16xf32> to vector<1x16xf32>
      tpu.vector_store %arg8[%swap3A_82, %swap3A_83], %swap3A_86 {strides = array<i32>} : memref<128x128xf32, #tpu.memory_space<vmem>>, vector<1x16xf32>,
      %broadcast_in_dim3A_87 = arith.constant 0.000000e+00 : f32
      %broadcast_in_dim3A_88 = vector.broadcast %broadcast_in_dim3A_87 : f32 to vector<16xf32>
      %swap3A_89 = arith.index_cast %scan3A_67 : i32 to index
      %swap3A_90 = arith.constant 48 : index
      %swap3A_91 = tpu.vector_load %arg8[%swap3A_89, %swap3A_90] {strides = array<i32>} : memref<128x128xf32, #tpu.memory_space<vmem>>, vector<1x16xf32>,
      %swap3A_92 = vector.shape_cast %swap3A_91 : vector<1x16xf32> to vector<16xf32>
      %swap3A_93 = vector.shape_cast %broadcast_in_dim3A_88 : vector<16xf32> to vector<1x16xf32>
      tpu.vector_store %arg8[%swap3A_89, %swap3A_90], %swap3A_93 {strides = array<i32>} : memref<128x128xf32, #tpu.memory_space<vmem>>, vector<1x16xf32>,
      %broadcast_in_dim3A_94 = arith.constant 0.000000e+00 : f32
      %broadcast_in_dim3A_95 = vector.broadcast %broadcast_in_dim3A_94 : f32 to vector<16xf32>
      %swap3A_96 = arith.index_cast %scan3A_67 : i32 to index
      %swap3A_97 = arith.constant 64 : index
      %swap3A_98 = tpu.vector_load %arg8[%swap3A_96, %swap3A_97] {strides = array<i32>} : memref<128x128xf32, #tpu.memory_space<vmem>>, vector<1x16xf32>,
      %swap3A_99 = vector.shape_cast %swap3A_98 : vector<1x16xf32> to vector<16xf32>
      %swap3A_100 = vector.shape_cast %broadcast_in_dim3A_95 : vector<16xf32> to vector<1x16xf32>
      tpu.vector_store %arg8[%swap3A_96, %swap3A_97], %swap3A_100 {strides = array<i32>} : memref<128x128xf32, #tpu.memory_space<vmem>>, vector<1x16xf32>,
      %broadcast_in_dim3A_101 = arith.constant 0.000000e+00 : f32
      %broadcast_in_dim3A_102 = vector.broadcast %broadcast_in_dim3A_101 : f32 to vector<16xf32>
      %swap3A_103 = arith.index_cast %scan3A_67 : i32 to index
      %swap3A_104 = arith.constant 80 : index
      %swap3A_105 = tpu.vector_load %arg8[%swap3A_103, %swap3A_104] {strides = array<i32>} : memref<128x128xf32, #tpu.memory_space<vmem>>, vector<1x16xf32>,
      %swap3A_106 = vector.shape_cast %swap3A_105 : vector<1x16xf32> to vector<16xf32>
      %swap3A_107 = vector.shape_cast %broadcast_in_dim3A_102 : vector<16xf32> to vector<1x16xf32>
      tpu.vector_store %arg8[%swap3A_103, %swap3A_104], %swap3A_107 {strides = array<i32>} : memref<128x128xf32, #tpu.memory_space<vmem>>, vector<1x16xf32>,
      %broadcast_in_dim3A_108 = arith.constant 0.000000e+00 : f32
      %broadcast_in_dim3A_109 = vector.broadcast %broadcast_in_dim3A_108 : f32 to vector<16xf32>
      %swap3A_110 = arith.index_cast %scan3A_67 : i32 to index
      %swap3A_111 = arith.constant 96 : index
      %swap3A_112 = tpu.vector_load %arg8[%swap3A_110, %swap3A_111] {strides = array<i32>} : memref<128x128xf32, #tpu.memory_space<vmem>>, vector<1x16xf32>,
      %swap3A_113 = vector.shape_cast %swap3A_112 : vector<1x16xf32> to vector<16xf32>
      %swap3A_114 = vector.shape_cast %broadcast_in_dim3A_109 : vector<16xf32> to vector<1x16xf32>
      tpu.vector_store %arg8[%swap3A_110, %swap3A_111], %swap3A_114 {strides = array<i32>} : memref<128x128xf32, #tpu.memory_space<vmem>>, vector<1x16xf32>,
      %broadcast_in_dim3A_115 = arith.constant 0.000000e+00 : f32
      %broadcast_in_dim3A_116 = vector.broadcast %broadcast_in_dim3A_115 : f32 to vector<16xf32>
      %swap3A_117 = arith.index_cast %scan3A_67 : i32 to index
      %swap3A_118 = arith.constant 112 : index
      %swap3A_119 = tpu.vector_load %arg8[%swap3A_117, %swap3A_118] {strides = array<i32>} : memref<128x128xf32, #tpu.memory_space<vmem>>, vector<1x16xf32>,
      %swap3A_120 = vector.shape_cast %swap3A_119 : vector<1x16xf32> to vector<16xf32>
      %swap3A_121 = vector.shape_cast %broadcast_in_dim3A_116 : vector<16xf32> to vector<1x16xf32>
      tpu.vector_store %arg8[%swap3A_117, %swap3A_118], %swap3A_121 {strides = array<i32>} : memref<128x128xf32, #tpu.memory_space<vmem>>, vector<1x16xf32>,
    }
    %scan3A_5 = arith.constant 128 : i32
    %mul3A_6 = arith.constant 640 : i32
    %mul3A_7 = arith.muli %arg1, %mul3A_6 : i32
    %add3A_8 = arith.constant 0 : i32
    %add3A_9 = arith.addi %mul3A_7, %add3A_8 : i32
    "tpu.region"() ({
      %run_scoped3A = tpu.sem_alloc : memref<!tpu.dma_semaphore, #tpu.memory_space<semaphore_mem>>
      %dma_start3A_67 = arith.constant 0 : i32
      %dma_start3A_68 = tpu.memref_slice %arg10[%add3A_9, %dma_start3A_67] : memref<10240x128xf32, #tpu.memory_space<vmem_shared>> -> memref<128x128xf32, #tpu.memory_space<vmem_shared>>
      %dma_start3A_69 = arith.constant 0 : i32
      %dma_start3A_70 = tpu.memref_slice %arg10[%add3A_9, %dma_start3A_69] : memref<10240x128xf32, #tpu.memory_space<vmem_shared>> -> memref<128x128xf32, #tpu.memory_space<vmem_shared>>
      tpu.enqueue_dma source(%arg8 : memref<128x128xf32, #tpu.memory_space<vmem>>) target(%dma_start3A_70 : memref<128x128xf32, #tpu.memory_space<vmem_shared>>) target_semaphore(%run_scoped3A : memref<!tpu.dma_semaphore, #tpu.memory_space<semaphore_mem>>)
      %dma_wait3A_71 = arith.constant 0 : i32
      %dma_wait3A_72 = tpu.memref_slice %arg10[%add3A_9, %dma_wait3A_71] : memref<10240x128xf32, #tpu.memory_space<vmem_shared>> -> memref<128x128xf32, #tpu.memory_space<vmem_shared>>
      %dma_wait3A_73 = arith.constant 0 : i32
      %dma_wait3A_74 = tpu.memref_slice %arg10[%add3A_9, %dma_wait3A_73] : memref<10240x128xf32, #tpu.memory_space<vmem_shared>> -> memref<128x128xf32, #tpu.memory_space<vmem_shared>>
      tpu.wait_dma2 semaphore(%run_scoped3A : memref<!tpu.dma_semaphore, #tpu.memory_space<semaphore_mem>>) src(%arg8 : memref<128x128xf32, #tpu.memory_space<vmem>>) dst(%dma_wait3A_74 : memref<128x128xf32, #tpu.memory_space<vmem_shared>>)
      tpu.yield
    }) : () -> ()
    %mul3A_10 = arith.constant 640 : i32
    %mul3A_11 = arith.muli %arg1, %mul3A_10 : i32
    %add3A_12 = arith.constant 128 : i32
    %add3A_13 = arith.addi %mul3A_11, %add3A_12 : i32
    "tpu.region"() ({
      %run_scoped3A = tpu.sem_alloc : memref<!tpu.dma_semaphore, #tpu.memory_space<semaphore_mem>>
      %dma_start3A_67 = arith.constant 0 : i32
      %dma_start3A_68 = tpu.memref_slice %arg10[%add3A_13, %dma_start3A_67] : memref<10240x128xf32, #tpu.memory_space<vmem_shared>> -> memref<128x128xf32, #tpu.memory_space<vmem_shared>>
      %dma_start3A_69 = arith.constant 0 : i32
      %dma_start3A_70 = tpu.memref_slice %arg10[%add3A_13, %dma_start3A_69] : memref<10240x128xf32, #tpu.memory_space<vmem_shared>> -> memref<128x128xf32, #tpu.memory_space<vmem_shared>>
      tpu.enqueue_dma source(%arg8 : memref<128x128xf32, #tpu.memory_space<vmem>>) target(%dma_start3A_70 : memref<128x128xf32, #tpu.memory_space<vmem_shared>>) target_semaphore(%run_scoped3A : memref<!tpu.dma_semaphore, #tpu.memory_space<semaphore_mem>>)
      %dma_wait3A_71 = arith.constant 0 : i32
      %dma_wait3A_72 = tpu.memref_slice %arg10[%add3A_13, %dma_wait3A_71] : memref<10240x128xf32, #tpu.memory_space<vmem_shared>> -> memref<128x128xf32, #tpu.memory_space<vmem_shared>>
      %dma_wait3A_73 = arith.constant 0 : i32
      %dma_wait3A_74 = tpu.memref_slice %arg10[%add3A_13, %dma_wait3A_73] : memref<10240x128xf32, #tpu.memory_space<vmem_shared>> -> memref<128x128xf32, #tpu.memory_space<vmem_shared>>
      tpu.wait_dma2 semaphore(%run_scoped3A : memref<!tpu.dma_semaphore, #tpu.memory_space<semaphore_mem>>) src(%arg8 : memref<128x128xf32, #tpu.memory_space<vmem>>) dst(%dma_wait3A_74 : memref<128x128xf32, #tpu.memory_space<vmem_shared>>)
      tpu.yield
    }) : () -> ()
    %mul3A_14 = arith.constant 640 : i32
    %mul3A_15 = arith.muli %arg1, %mul3A_14 : i32
    %add3A_16 = arith.constant 256 : i32
    %add3A_17 = arith.addi %mul3A_15, %add3A_16 : i32
    "tpu.region"() ({
      %run_scoped3A = tpu.sem_alloc : memref<!tpu.dma_semaphore, #tpu.memory_space<semaphore_mem>>
      %dma_start3A_67 = arith.constant 0 : i32
      %dma_start3A_68 = tpu.memref_slice %arg10[%add3A_17, %dma_start3A_67] : memref<10240x128xf32, #tpu.memory_space<vmem_shared>> -> memref<128x128xf32, #tpu.memory_space<vmem_shared>>
      %dma_start3A_69 = arith.constant 0 : i32
      %dma_start3A_70 = tpu.memref_slice %arg10[%add3A_17, %dma_start3A_69] : memref<10240x128xf32, #tpu.memory_space<vmem_shared>> -> memref<128x128xf32, #tpu.memory_space<vmem_shared>>
      tpu.enqueue_dma source(%arg8 : memref<128x128xf32, #tpu.memory_space<vmem>>) target(%dma_start3A_70 : memref<128x128xf32, #tpu.memory_space<vmem_shared>>) target_semaphore(%run_scoped3A : memref<!tpu.dma_semaphore, #tpu.memory_space<semaphore_mem>>)
      %dma_wait3A_71 = arith.constant 0 : i32
      %dma_wait3A_72 = tpu.memref_slice %arg10[%add3A_17, %dma_wait3A_71] : memref<10240x128xf32, #tpu.memory_space<vmem_shared>> -> memref<128x128xf32, #tpu.memory_space<vmem_shared>>
      %dma_wait3A_73 = arith.constant 0 : i32
      %dma_wait3A_74 = tpu.memref_slice %arg10[%add3A_17, %dma_wait3A_73] : memref<10240x128xf32, #tpu.memory_space<vmem_shared>> -> memref<128x128xf32, #tpu.memory_space<vmem_shared>>
      tpu.wait_dma2 semaphore(%run_scoped3A : memref<!tpu.dma_semaphore, #tpu.memory_space<semaphore_mem>>) src(%arg8 : memref<128x128xf32, #tpu.memory_space<vmem>>) dst(%dma_wait3A_74 : memref<128x128xf32, #tpu.memory_space<vmem_shared>>)
      tpu.yield
    }) : () -> ()
    %mul3A_18 = arith.constant 640 : i32
    %mul3A_19 = arith.muli %arg1, %mul3A_18 : i32
    %add3A_20 = arith.constant 384 : i32
    %add3A_21 = arith.addi %mul3A_19, %add3A_20 : i32
    "tpu.region"() ({
      %run_scoped3A = tpu.sem_alloc : memref<!tpu.dma_semaphore, #tpu.memory_space<semaphore_mem>>
      %dma_start3A_67 = arith.constant 0 : i32
      %dma_start3A_68 = tpu.memref_slice %arg10[%add3A_21, %dma_start3A_67] : memref<10240x128xf32, #tpu.memory_space<vmem_shared>> -> memref<128x128xf32, #tpu.memory_space<vmem_shared>>
      %dma_start3A_69 = arith.constant 0 : i32
      %dma_start3A_70 = tpu.memref_slice %arg10[%add3A_21, %dma_start3A_69] : memref<10240x128xf32, #tpu.memory_space<vmem_shared>> -> memref<128x128xf32, #tpu.memory_space<vmem_shared>>
      tpu.enqueue_dma source(%arg8 : memref<128x128xf32, #tpu.memory_space<vmem>>) target(%dma_start3A_70 : memref<128x128xf32, #tpu.memory_space<vmem_shared>>) target_semaphore(%run_scoped3A : memref<!tpu.dma_semaphore, #tpu.memory_space<semaphore_mem>>)
      %dma_wait3A_71 = arith.constant 0 : i32
      %dma_wait3A_72 = tpu.memref_slice %arg10[%add3A_21, %dma_wait3A_71] : memref<10240x128xf32, #tpu.memory_space<vmem_shared>> -> memref<128x128xf32, #tpu.memory_space<vmem_shared>>
      %dma_wait3A_73 = arith.constant 0 : i32
      %dma_wait3A_74 = tpu.memref_slice %arg10[%add3A_21, %dma_wait3A_73] : memref<10240x128xf32, #tpu.memory_space<vmem_shared>> -> memref<128x128xf32, #tpu.memory_space<vmem_shared>>
      tpu.wait_dma2 semaphore(%run_scoped3A : memref<!tpu.dma_semaphore, #tpu.memory_space<semaphore_mem>>) src(%arg8 : memref<128x128xf32, #tpu.memory_space<vmem>>) dst(%dma_wait3A_74 : memref<128x128xf32, #tpu.memory_space<vmem_shared>>)
      tpu.yield
    }) : () -> ()
    %mul3A_22 = arith.constant 640 : i32
    %mul3A_23 = arith.muli %arg1, %mul3A_22 : i32
    %add3A_24 = arith.constant 512 : i32
    %add3A_25 = arith.addi %mul3A_23, %add3A_24 : i32
    "tpu.region"() ({
      %run_scoped3A = tpu.sem_alloc : memref<!tpu.dma_semaphore, #tpu.memory_space<semaphore_mem>>
      %dma_start3A_67 = arith.constant 0 : i32
      %dma_start3A_68 = tpu.memref_slice %arg10[%add3A_25, %dma_start3A_67] : memref<10240x128xf32, #tpu.memory_space<vmem_shared>> -> memref<128x128xf32, #tpu.memory_space<vmem_shared>>
      %dma_start3A_69 = arith.constant 0 : i32
      %dma_start3A_70 = tpu.memref_slice %arg10[%add3A_25, %dma_start3A_69] : memref<10240x128xf32, #tpu.memory_space<vmem_shared>> -> memref<128x128xf32, #tpu.memory_space<vmem_shared>>
      tpu.enqueue_dma source(%arg8 : memref<128x128xf32, #tpu.memory_space<vmem>>) target(%dma_start3A_70 : memref<128x128xf32, #tpu.memory_space<vmem_shared>>) target_semaphore(%run_scoped3A : memref<!tpu.dma_semaphore, #tpu.memory_space<semaphore_mem>>)
      %dma_wait3A_71 = arith.constant 0 : i32
      %dma_wait3A_72 = tpu.memref_slice %arg10[%add3A_25, %dma_wait3A_71] : memref<10240x128xf32, #tpu.memory_space<vmem_shared>> -> memref<128x128xf32, #tpu.memory_space<vmem_shared>>
      %dma_wait3A_73 = arith.constant 0 : i32
      %dma_wait3A_74 = tpu.memref_slice %arg10[%add3A_25, %dma_wait3A_73] : memref<10240x128xf32, #tpu.memory_space<vmem_shared>> -> memref<128x128xf32, #tpu.memory_space<vmem_shared>>
      tpu.wait_dma2 semaphore(%run_scoped3A : memref<!tpu.dma_semaphore, #tpu.memory_space<semaphore_mem>>) src(%arg8 : memref<128x128xf32, #tpu.memory_space<vmem>>) dst(%dma_wait3A_74 : memref<128x128xf32, #tpu.memory_space<vmem_shared>>)
      tpu.yield
    }) : () -> ()
    %mul3A_26 = arith.constant 80 : i32
    %mul3A_27 = arith.muli %add3A, %mul3A_26 : i32
    "tpu.region"() ({
      %run_scoped3A = tpu.sem_alloc : memref<!tpu.dma_semaphore, #tpu.memory_space<semaphore_mem>>
      %dma_start3A_67 = arith.constant 0 : i32
      %dma_start3A_68 = tpu.memref_slice %arg3[%mul3A_27, %dma_start3A_67] : memref<2560x128xi32, #tpu.memory_space<hbm>> -> memref<80x128xi32, #tpu.memory_space<hbm>>
      %dma_start3A_69 = arith.constant 0 : i32
      %dma_start3A_70 = tpu.memref_slice %arg3[%mul3A_27, %dma_start3A_69] : memref<2560x128xi32, #tpu.memory_space<hbm>> -> memref<80x128xi32, #tpu.memory_space<hbm>>
      tpu.enqueue_dma source(%dma_start3A_70 : memref<80x128xi32, #tpu.memory_space<hbm>>) target(%arg6 : memref<80x128xi32, #tpu.memory_space<vmem>>) target_semaphore(%run_scoped3A : memref<!tpu.dma_semaphore, #tpu.memory_space<semaphore_mem>>)
      %dma_wait3A_71 = arith.constant 0 : i32
      %dma_wait3A_72 = tpu.memref_slice %arg3[%mul3A_27, %dma_wait3A_71] : memref<2560x128xi32, #tpu.memory_space<hbm>> -> memref<80x128xi32, #tpu.memory_space<hbm>>
      %dma_wait3A_73 = arith.constant 0 : i32
      %dma_wait3A_74 = tpu.memref_slice %arg3[%mul3A_27, %dma_wait3A_73] : memref<2560x128xi32, #tpu.memory_space<hbm>> -> memref<80x128xi32, #tpu.memory_space<hbm>>
      tpu.wait_dma2 semaphore(%run_scoped3A : memref<!tpu.dma_semaphore, #tpu.memory_space<semaphore_mem>>) src(%dma_wait3A_74 : memref<80x128xi32, #tpu.memory_space<hbm>>) dst(%arg6 : memref<80x128xi32, #tpu.memory_space<vmem>>)
      tpu.yield
    }) : () -> ()
    %barrier3A = arith.constant 0 : index
    tpu.barrier barrier_id(%barrier3A)
    %dma_start3A = arith.constant 0 : i32
    %dma_start3A_28 = arith.constant 0 : i32
    %dma_start3A_29 = tpu.memref_slice %arg6[%dma_start3A, %dma_start3A_28] : memref<80x128xi32, #tpu.memory_space<vmem>> -> memref<1x128xi32, #tpu.memory_space<vmem>>
    %dma_start3A_30 = tpu.memref_squeeze %dma_start3A_29 : memref<1x128xi32, #tpu.memory_space<vmem>> -> memref<128xi32, #tpu.memory_space<vmem>>
    %dma_start3A_31 = arith.constant 0 : i32
    %dma_start3A_32 = arith.constant 0 : i32
    %dma_start3A_33 = tpu.memref_slice %arg2[%dma_start3A_31, %dma_start3A_32] : memref<10240x128xf32, #tpu.memory_space<hbm>> -> memref<10240x128xf32, #tpu.memory_space<hbm>>
    tpu.enqueue_indirect_dma source(%dma_start3A_33 : memref<10240x128xf32, #tpu.memory_space<hbm>>) target(%arg8 : memref<128x128xf32, #tpu.memory_space<vmem>>) offsets(%dma_start3A_30 : memref<128xi32, #tpu.memory_space<vmem>>) semaphore(%arg11 : memref<!tpu.dma_semaphore, #tpu.memory_space<semaphore_mem>>)
    %mul3A_34 = arith.constant 80 : i32
    %mul3A_35 = arith.muli %add3A, %mul3A_34 : i32
    %dma_start3A_36 = arith.constant 0 : i32
    %dma_start3A_37 = arith.constant 0 : i32
    %dma_start3A_38 = tpu.memref_slice %arg7[%dma_start3A_36, %dma_start3A_37] : memref<4x128xi32, #tpu.memory_space<vmem>> -> memref<1x128xi32, #tpu.memory_space<vmem>>
    %dma_start3A_39 = arith.constant 0 : i32
    %dma_start3A_40 = arith.constant 0 : i32
    %dma_start3A_41 = tpu.memref_slice %arg4[%mul3A_35, %dma_start3A_39, %dma_start3A_40] : memref<2560x1x128xi32, #tpu.memory_space<hbm>> -> memref<1x1x128xi32, #tpu.memory_space<hbm>>
    %dma_start3A_42 = tpu.memref_squeeze %dma_start3A_41 : memref<1x1x128xi32, #tpu.memory_space<hbm>> -> memref<1x128xi32, #tpu.memory_space<hbm>>
    %dma_start3A_43 = arith.constant 0 : i32
    %dma_start3A_44 = arith.constant 0 : i32
    %dma_start3A_45 = tpu.memref_slice %arg7[%dma_start3A_43, %dma_start3A_44] : memref<4x128xi32, #tpu.memory_space<vmem>> -> memref<1x128xi32, #tpu.memory_space<vmem>>
    %dma_start3A_46 = arith.constant 0 : i32
    %dma_start3A_47 = arith.constant 0 : i32
    %dma_start3A_48 = tpu.memref_slice %arg4[%mul3A_35, %dma_start3A_46, %dma_start3A_47] : memref<2560x1x128xi32, #tpu.memory_space<hbm>> -> memref<1x1x128xi32, #tpu.memory_space<hbm>>
    %dma_start3A_49 = tpu.memref_squeeze %dma_start3A_48 : memref<1x1x128xi32, #tpu.memory_space<hbm>> -> memref<1x128xi32, #tpu.memory_space<hbm>>
    tpu.enqueue_dma source(%dma_start3A_49 : memref<1x128xi32, #tpu.memory_space<hbm>>) target(%dma_start3A_45 : memref<1x128xi32, #tpu.memory_space<vmem>>) target_semaphore(%arg12 : memref<!tpu.dma_semaphore, #tpu.memory_space<semaphore_mem>>)
    %scan3A_50 = arith.constant 0 : i32
    %scan3A_51 = arith.constant 0 : i32
    %scan3A_52 = arith.constant 40 : i32
    %scan3A_53 = arith.addi %scan3A_51, %scan3A_52 : i32
    %scan3A_54 = arith.constant 1 : i32
    scf.for %scan3A_67 = %scan3A_51 to %scan3A_53 step %scan3A_54  : i32 {
      %mul3A_68 = arith.constant 2 : i32
      %mul3A_69 = arith.muli %mul3A_68, %scan3A_67 : i32
      %add3A_70 = arith.constant 0 : i32
      %add3A_71 = arith.addi %mul3A_69, %add3A_70 : i32
      %rem3A = arith.constant 4 : i32
      %rem3A_72 = arith.remsi %add3A_71, %rem3A : i32
      %dma_wait3A_73 = arith.constant 0 : i32
      %dma_wait3A_74 = tpu.memref_slice %arg6[%add3A_71, %dma_wait3A_73] : memref<80x128xi32, #tpu.memory_space<vmem>> -> memref<1x128xi32, #tpu.memory_space<vmem>>
      %dma_wait3A_75 = tpu.memref_squeeze %dma_wait3A_74 : memref<1x128xi32, #tpu.memory_space<vmem>> -> memref<128xi32, #tpu.memory_space<vmem>>
      %dma_wait3A_76 = arith.constant 0 : i32
      %dma_wait3A_77 = arith.constant 0 : i32
      %dma_wait3A_78 = tpu.memref_slice %arg2[%dma_wait3A_76, %dma_wait3A_77] : memref<10240x128xf32, #tpu.memory_space<hbm>> -> memref<10240x128xf32, #tpu.memory_space<hbm>>
      tpu.wait_indirect_dma semaphore(%arg11 : memref<!tpu.dma_semaphore, #tpu.memory_space<semaphore_mem>>) src(%dma_wait3A_78 : memref<10240x128xf32, #tpu.memory_space<hbm>>) dst(%arg8 : memref<128x128xf32, #tpu.memory_space<vmem>>)
      %mul3A_79 = arith.constant 80 : i32
      %mul3A_80 = arith.muli %add3A, %mul3A_79 : i32
      %add3A_81 = arith.addi %mul3A_80, %add3A_71 : i32
      %dma_wait3A_82 = arith.constant 0 : i32
      %dma_wait3A_83 = tpu.memref_slice %arg7[%rem3A_72, %dma_wait3A_82] : memref<4x128xi32, #tpu.memory_space<vmem>> -> memref<1x128xi32, #tpu.memory_space<vmem>>
      %dma_wait3A_84 = arith.constant 0 : i32
      %dma_wait3A_85 = arith.constant 0 : i32
      %dma_wait3A_86 = tpu.memref_slice %arg4[%add3A_81, %dma_wait3A_84, %dma_wait3A_85] : memref<2560x1x128xi32, #tpu.memory_space<hbm>> -> memref<1x1x128xi32, #tpu.memory_space<hbm>>
      %dma_wait3A_87 = tpu.memref_squeeze %dma_wait3A_86 : memref<1x1x128xi32, #tpu.memory_space<hbm>> -> memref<1x128xi32, #tpu.memory_space<hbm>>
      %dma_wait3A_88 = arith.constant 0 : i32
      %dma_wait3A_89 = tpu.memref_slice %arg7[%rem3A_72, %dma_wait3A_88] : memref<4x128xi32, #tpu.memory_space<vmem>> -> memref<1x128xi32, #tpu.memory_space<vmem>>
      %dma_wait3A_90 = arith.constant 0 : i32
      %dma_wait3A_91 = arith.constant 0 : i32
      %dma_wait3A_92 = tpu.memref_slice %arg4[%add3A_81, %dma_wait3A_90, %dma_wait3A_91] : memref<2560x1x128xi32, #tpu.memory_space<hbm>> -> memref<1x1x128xi32, #tpu.memory_space<hbm>>
      %dma_wait3A_93 = tpu.memref_squeeze %dma_wait3A_92 : memref<1x1x128xi32, #tpu.memory_space<hbm>> -> memref<1x128xi32, #tpu.memory_space<hbm>>
      tpu.wait_dma2 semaphore(%arg12 : memref<!tpu.dma_semaphore, #tpu.memory_space<semaphore_mem>>) src(%dma_wait3A_93 : memref<1x128xi32, #tpu.memory_space<hbm>>) dst(%dma_wait3A_89 : memref<1x128xi32, #tpu.memory_space<vmem>>)
      %dma_start3A_94 = arith.constant 0 : i32
      %dma_start3A_95 = tpu.memref_slice %arg7[%rem3A_72, %dma_start3A_94] : memref<4x128xi32, #tpu.memory_space<vmem>> -> memref<1x128xi32, #tpu.memory_space<vmem>>
      %dma_start3A_96 = tpu.memref_squeeze %dma_start3A_95 : memref<1x128xi32, #tpu.memory_space<vmem>> -> memref<128xi32, #tpu.memory_space<vmem>>
      %dma_start3A_97 = arith.constant 0 : i32
      %dma_start3A_98 = arith.constant 0 : i32
      %dma_start3A_99 = tpu.memref_slice %arg10[%dma_start3A_97, %dma_start3A_98] : memref<10240x128xf32, #tpu.memory_space<vmem_shared>> -> memref<10240x128xf32, #tpu.memory_space<vmem_shared>>
      tpu.enqueue_indirect_dma source(%arg8 : memref<128x128xf32, #tpu.memory_space<vmem>>) target(%dma_start3A_99 : memref<10240x128xf32, #tpu.memory_space<vmem_shared>>) offsets(%dma_start3A_96 : memref<128xi32, #tpu.memory_space<vmem>>) semaphore(%arg13 : memref<!tpu.dma_semaphore, #tpu.memory_space<semaphore_mem>>) {add = true}
      %ge3A = arith.constant 1 : i32
      %ge3A_100 = arith.cmpi sge, %add3A_71, %ge3A : i32
      %convert_element_type3A = arith.extui %ge3A_100 : i1 to i32
      %cond3A = arith.constant 0 : i32
      %cond3A_101 = arith.cmpi ne, %convert_element_type3A, %cond3A : i32
      scf.if %cond3A_101 {
        %dma_wait3A_153 = arith.constant 0 : i32
        %dma_wait3A_154 = arith.constant 0 : i32
        %dma_wait3A_155 = tpu.memref_slice %arg7[%dma_wait3A_153, %dma_wait3A_154] : memref<4x128xi32, #tpu.memory_space<vmem>> -> memref<1x128xi32, #tpu.memory_space<vmem>>
        %dma_wait3A_156 = tpu.memref_squeeze %dma_wait3A_155 : memref<1x128xi32, #tpu.memory_space<vmem>> -> memref<128xi32, #tpu.memory_space<vmem>>
        %dma_wait3A_157 = arith.constant 0 : i32
        %dma_wait3A_158 = arith.constant 0 : i32
        %dma_wait3A_159 = tpu.memref_slice %arg10[%dma_wait3A_157, %dma_wait3A_158] : memref<10240x128xf32, #tpu.memory_space<vmem_shared>> -> memref<10240x128xf32, #tpu.memory_space<vmem_shared>>
        tpu.wait_indirect_dma semaphore(%arg14 : memref<!tpu.dma_semaphore, #tpu.memory_space<semaphore_mem>>) src(%arg9 : memref<128x128xf32, #tpu.memory_space<vmem>>) dst(%dma_wait3A_159 : memref<10240x128xf32, #tpu.memory_space<vmem_shared>>)
      } else {
      }
      %add3A_102 = arith.constant 1 : i32
      %add3A_103 = arith.addi %add3A_71, %add3A_102 : i32
      %lt3A = arith.constant 80 : i32
      %lt3A_104 = arith.cmpi slt, %add3A_103, %lt3A : i32
      %convert_element_type3A_105 = arith.extui %lt3A_104 : i1 to i32
      %cond3A_106 = arith.constant 0 : i32
      %cond3A_107 = arith.cmpi ne, %convert_element_type3A_105, %cond3A_106 : i32
      scf.if %cond3A_107 {
        %add3A_153 = arith.constant 1 : i32
        %add3A_154 = arith.addi %add3A_71, %add3A_153 : i32
        %rem3A_155 = arith.constant 4 : i32
        %rem3A_156 = arith.remsi %add3A_154, %rem3A_155 : i32
        %add3A_157 = arith.constant 1 : i32
        %add3A_158 = arith.addi %add3A_71, %add3A_157 : i32
        %dma_start3A_159 = arith.constant 0 : i32
        %dma_start3A_160 = tpu.memref_slice %arg6[%add3A_158, %dma_start3A_159] : memref<80x128xi32, #tpu.memory_space<vmem>> -> memref<1x128xi32, #tpu.memory_space<vmem>>
        %dma_start3A_161 = tpu.memref_squeeze %dma_start3A_160 : memref<1x128xi32, #tpu.memory_space<vmem>> -> memref<128xi32, #tpu.memory_space<vmem>>
        %dma_start3A_162 = arith.constant 0 : i32
        %dma_start3A_163 = arith.constant 0 : i32
        %dma_start3A_164 = tpu.memref_slice %arg2[%dma_start3A_162, %dma_start3A_163] : memref<10240x128xf32, #tpu.memory_space<hbm>> -> memref<10240x128xf32, #tpu.memory_space<hbm>>
        tpu.enqueue_indirect_dma source(%dma_start3A_164 : memref<10240x128xf32, #tpu.memory_space<hbm>>) target(%arg9 : memref<128x128xf32, #tpu.memory_space<vmem>>) offsets(%dma_start3A_161 : memref<128xi32, #tpu.memory_space<vmem>>) semaphore(%arg11 : memref<!tpu.dma_semaphore, #tpu.memory_space<semaphore_mem>>)
        %mul3A_165 = arith.constant 80 : i32
        %mul3A_166 = arith.muli %add3A, %mul3A_165 : i32
        %add3A_167 = arith.addi %mul3A_166, %add3A_71 : i32
        %add3A_168 = arith.constant 1 : i32
        %add3A_169 = arith.addi %add3A_167, %add3A_168 : i32
        %dma_start3A_170 = arith.constant 0 : i32
        %dma_start3A_171 = tpu.memref_slice %arg7[%rem3A_156, %dma_start3A_170] : memref<4x128xi32, #tpu.memory_space<vmem>> -> memref<1x128xi32, #tpu.memory_space<vmem>>
        %dma_start3A_172 = arith.constant 0 : i32
        %dma_start3A_173 = arith.constant 0 : i32
        %dma_start3A_174 = tpu.memref_slice %arg4[%add3A_169, %dma_start3A_172, %dma_start3A_173] : memref<2560x1x128xi32, #tpu.memory_space<hbm>> -> memref<1x1x128xi32, #tpu.memory_space<hbm>>
        %dma_start3A_175 = tpu.memref_squeeze %dma_start3A_174 : memref<1x1x128xi32, #tpu.memory_space<hbm>> -> memref<1x128xi32, #tpu.memory_space<hbm>>
        %dma_start3A_176 = arith.constant 0 : i32
        %dma_start3A_177 = tpu.memref_slice %arg7[%rem3A_156, %dma_start3A_176] : memref<4x128xi32, #tpu.memory_space<vmem>> -> memref<1x128xi32, #tpu.memory_space<vmem>>
        %dma_start3A_178 = arith.constant 0 : i32
        %dma_start3A_179 = arith.constant 0 : i32
        %dma_start3A_180 = tpu.memref_slice %arg4[%add3A_169, %dma_start3A_178, %dma_start3A_179] : memref<2560x1x128xi32, #tpu.memory_space<hbm>> -> memref<1x1x128xi32, #tpu.memory_space<hbm>>
        %dma_start3A_181 = tpu.memref_squeeze %dma_start3A_180 : memref<1x1x128xi32, #tpu.memory_space<hbm>> -> memref<1x128xi32, #tpu.memory_space<hbm>>
        tpu.enqueue_dma source(%dma_start3A_181 : memref<1x128xi32, #tpu.memory_space<hbm>>) target(%dma_start3A_177 : memref<1x128xi32, #tpu.memory_space<vmem>>) target_semaphore(%arg12 : memref<!tpu.dma_semaphore, #tpu.memory_space<semaphore_mem>>)
      } else {
      }
      %mul3A_108 = arith.constant 2 : i32
      %mul3A_109 = arith.muli %mul3A_108, %scan3A_67 : i32
      %add3A_110 = arith.constant 1 : i32
      %add3A_111 = arith.addi %mul3A_109, %add3A_110 : i32
      %rem3A_112 = arith.constant 4 : i32
      %rem3A_113 = arith.remsi %add3A_111, %rem3A_112 : i32
      %dma_wait3A_114 = arith.constant 0 : i32
      %dma_wait3A_115 = tpu.memref_slice %arg6[%add3A_111, %dma_wait3A_114] : memref<80x128xi32, #tpu.memory_space<vmem>> -> memref<1x128xi32, #tpu.memory_space<vmem>>
      %dma_wait3A_116 = tpu.memref_squeeze %dma_wait3A_115 : memref<1x128xi32, #tpu.memory_space<vmem>> -> memref<128xi32, #tpu.memory_space<vmem>>
      %dma_wait3A_117 = arith.constant 0 : i32
      %dma_wait3A_118 = arith.constant 0 : i32
      %dma_wait3A_119 = tpu.memref_slice %arg2[%dma_wait3A_117, %dma_wait3A_118] : memref<10240x128xf32, #tpu.memory_space<hbm>> -> memref<10240x128xf32, #tpu.memory_space<hbm>>
      tpu.wait_indirect_dma semaphore(%arg11 : memref<!tpu.dma_semaphore, #tpu.memory_space<semaphore_mem>>) src(%dma_wait3A_119 : memref<10240x128xf32, #tpu.memory_space<hbm>>) dst(%arg9 : memref<128x128xf32, #tpu.memory_space<vmem>>)
      %mul3A_120 = arith.constant 80 : i32
      %mul3A_121 = arith.muli %add3A, %mul3A_120 : i32
      %add3A_122 = arith.addi %mul3A_121, %add3A_111 : i32
      %dma_wait3A_123 = arith.constant 0 : i32
      %dma_wait3A_124 = tpu.memref_slice %arg7[%rem3A_113, %dma_wait3A_123] : memref<4x128xi32, #tpu.memory_space<vmem>> -> memref<1x128xi32, #tpu.memory_space<vmem>>
      %dma_wait3A_125 = arith.constant 0 : i32
      %dma_wait3A_126 = arith.constant 0 : i32
      %dma_wait3A_127 = tpu.memref_slice %arg4[%add3A_122, %dma_wait3A_125, %dma_wait3A_126] : memref<2560x1x128xi32, #tpu.memory_space<hbm>> -> memref<1x1x128xi32, #tpu.memory_space<hbm>>
      %dma_wait3A_128 = tpu.memref_squeeze %dma_wait3A_127 : memref<1x1x128xi32, #tpu.memory_space<hbm>> -> memref<1x128xi32, #tpu.memory_space<hbm>>
      %dma_wait3A_129 = arith.constant 0 : i32
      %dma_wait3A_130 = tpu.memref_slice %arg7[%rem3A_113, %dma_wait3A_129] : memref<4x128xi32, #tpu.memory_space<vmem>> -> memref<1x128xi32, #tpu.memory_space<vmem>>
      %dma_wait3A_131 = arith.constant 0 : i32
      %dma_wait3A_132 = arith.constant 0 : i32
      %dma_wait3A_133 = tpu.memref_slice %arg4[%add3A_122, %dma_wait3A_131, %dma_wait3A_132] : memref<2560x1x128xi32, #tpu.memory_space<hbm>> -> memref<1x1x128xi32, #tpu.memory_space<hbm>>
      %dma_wait3A_134 = tpu.memref_squeeze %dma_wait3A_133 : memref<1x1x128xi32, #tpu.memory_space<hbm>> -> memref<1x128xi32, #tpu.memory_space<hbm>>
      tpu.wait_dma2 semaphore(%arg12 : memref<!tpu.dma_semaphore, #tpu.memory_space<semaphore_mem>>) src(%dma_wait3A_134 : memref<1x128xi32, #tpu.memory_space<hbm>>) dst(%dma_wait3A_130 : memref<1x128xi32, #tpu.memory_space<vmem>>)
      %dma_start3A_135 = arith.constant 0 : i32
      %dma_start3A_136 = tpu.memref_slice %arg7[%rem3A_113, %dma_start3A_135] : memref<4x128xi32, #tpu.memory_space<vmem>> -> memref<1x128xi32, #tpu.memory_space<vmem>>
      %dma_start3A_137 = tpu.memref_squeeze %dma_start3A_136 : memref<1x128xi32, #tpu.memory_space<vmem>> -> memref<128xi32, #tpu.memory_space<vmem>>
      %dma_start3A_138 = arith.constant 0 : i32
      %dma_start3A_139 = arith.constant 0 : i32
      %dma_start3A_140 = tpu.memref_slice %arg10[%dma_start3A_138, %dma_start3A_139] : memref<10240x128xf32, #tpu.memory_space<vmem_shared>> -> memref<10240x128xf32, #tpu.memory_space<vmem_shared>>
      tpu.enqueue_indirect_dma source(%arg9 : memref<128x128xf32, #tpu.memory_space<vmem>>) target(%dma_start3A_140 : memref<10240x128xf32, #tpu.memory_space<vmem_shared>>) offsets(%dma_start3A_137 : memref<128xi32, #tpu.memory_space<vmem>>) semaphore(%arg14 : memref<!tpu.dma_semaphore, #tpu.memory_space<semaphore_mem>>) {add = true}
      %ge3A_141 = arith.constant 1 : i32
      %ge3A_142 = arith.cmpi sge, %add3A_111, %ge3A_141 : i32
      %convert_element_type3A_143 = arith.extui %ge3A_142 : i1 to i32
      %cond3A_144 = arith.constant 0 : i32
      %cond3A_145 = arith.cmpi ne, %convert_element_type3A_143, %cond3A_144 : i32
      scf.if %cond3A_145 {
        %dma_wait3A_153 = arith.constant 0 : i32
        %dma_wait3A_154 = arith.constant 0 : i32
        %dma_wait3A_155 = tpu.memref_slice %arg7[%dma_wait3A_153, %dma_wait3A_154] : memref<4x128xi32, #tpu.memory_space<vmem>> -> memref<1x128xi32, #tpu.memory_space<vmem>>
        %dma_wait3A_156 = tpu.memref_squeeze %dma_wait3A_155 : memref<1x128xi32, #tpu.memory_space<vmem>> -> memref<128xi32, #tpu.memory_space<vmem>>
        %dma_wait3A_157 = arith.constant 0 : i32
        %dma_wait3A_158 = arith.constant 0 : i32
        %dma_wait3A_159 = tpu.memref_slice %arg10[%dma_wait3A_157, %dma_wait3A_158] : memref<10240x128xf32, #tpu.memory_space<vmem_shared>> -> memref<10240x128xf32, #tpu.memory_space<vmem_shared>>
        tpu.wait_indirect_dma semaphore(%arg13 : memref<!tpu.dma_semaphore, #tpu.memory_space<semaphore_mem>>) src(%arg8 : memref<128x128xf32, #tpu.memory_space<vmem>>) dst(%dma_wait3A_159 : memref<10240x128xf32, #tpu.memory_space<vmem_shared>>)
      } else {
      }
      %add3A_146 = arith.constant 1 : i32
      %add3A_147 = arith.addi %add3A_111, %add3A_146 : i32
      %lt3A_148 = arith.constant 80 : i32
      %lt3A_149 = arith.cmpi slt, %add3A_147, %lt3A_148 : i32
      %convert_element_type3A_150 = arith.extui %lt3A_149 : i1 to i32
      %cond3A_151 = arith.constant 0 : i32
      %cond3A_152 = arith.cmpi ne, %convert_element_type3A_150, %cond3A_151 : i32
      scf.if %cond3A_152 {
        %add3A_153 = arith.constant 1 : i32
        %add3A_154 = arith.addi %add3A_111, %add3A_153 : i32
        %rem3A_155 = arith.constant 4 : i32
        %rem3A_156 = arith.remsi %add3A_154, %rem3A_155 : i32
        %add3A_157 = arith.constant 1 : i32
        %add3A_158 = arith.addi %add3A_111, %add3A_157 : i32
        %dma_start3A_159 = arith.constant 0 : i32
        %dma_start3A_160 = tpu.memref_slice %arg6[%add3A_158, %dma_start3A_159] : memref<80x128xi32, #tpu.memory_space<vmem>> -> memref<1x128xi32, #tpu.memory_space<vmem>>
        %dma_start3A_161 = tpu.memref_squeeze %dma_start3A_160 : memref<1x128xi32, #tpu.memory_space<vmem>> -> memref<128xi32, #tpu.memory_space<vmem>>
        %dma_start3A_162 = arith.constant 0 : i32
        %dma_start3A_163 = arith.constant 0 : i32
        %dma_start3A_164 = tpu.memref_slice %arg2[%dma_start3A_162, %dma_start3A_163] : memref<10240x128xf32, #tpu.memory_space<hbm>> -> memref<10240x128xf32, #tpu.memory_space<hbm>>
        tpu.enqueue_indirect_dma source(%dma_start3A_164 : memref<10240x128xf32, #tpu.memory_space<hbm>>) target(%arg8 : memref<128x128xf32, #tpu.memory_space<vmem>>) offsets(%dma_start3A_161 : memref<128xi32, #tpu.memory_space<vmem>>) semaphore(%arg11 : memref<!tpu.dma_semaphore, #tpu.memory_space<semaphore_mem>>)
        %mul3A_165 = arith.constant 80 : i32
        %mul3A_166 = arith.muli %add3A, %mul3A_165 : i32
        %add3A_167 = arith.addi %mul3A_166, %add3A_111 : i32
        %add3A_168 = arith.constant 1 : i32
        %add3A_169 = arith.addi %add3A_167, %add3A_168 : i32
        %dma_start3A_170 = arith.constant 0 : i32
        %dma_start3A_171 = tpu.memref_slice %arg7[%rem3A_156, %dma_start3A_170] : memref<4x128xi32, #tpu.memory_space<vmem>> -> memref<1x128xi32, #tpu.memory_space<vmem>>
        %dma_start3A_172 = arith.constant 0 : i32
        %dma_start3A_173 = arith.constant 0 : i32
        %dma_start3A_174 = tpu.memref_slice %arg4[%add3A_169, %dma_start3A_172, %dma_start3A_173] : memref<2560x1x128xi32, #tpu.memory_space<hbm>> -> memref<1x1x128xi32, #tpu.memory_space<hbm>>
        %dma_start3A_175 = tpu.memref_squeeze %dma_start3A_174 : memref<1x1x128xi32, #tpu.memory_space<hbm>> -> memref<1x128xi32, #tpu.memory_space<hbm>>
        %dma_start3A_176 = arith.constant 0 : i32
        %dma_start3A_177 = tpu.memref_slice %arg7[%rem3A_156, %dma_start3A_176] : memref<4x128xi32, #tpu.memory_space<vmem>> -> memref<1x128xi32, #tpu.memory_space<vmem>>
        %dma_start3A_178 = arith.constant 0 : i32
        %dma_start3A_179 = arith.constant 0 : i32
        %dma_start3A_180 = tpu.memref_slice %arg4[%add3A_169, %dma_start3A_178, %dma_start3A_179] : memref<2560x1x128xi32, #tpu.memory_space<hbm>> -> memref<1x1x128xi32, #tpu.memory_space<hbm>>
        %dma_start3A_181 = tpu.memref_squeeze %dma_start3A_180 : memref<1x1x128xi32, #tpu.memory_space<hbm>> -> memref<1x128xi32, #tpu.memory_space<hbm>>
        tpu.enqueue_dma source(%dma_start3A_181 : memref<1x128xi32, #tpu.memory_space<hbm>>) target(%dma_start3A_177 : memref<1x128xi32, #tpu.memory_space<vmem>>) target_semaphore(%arg12 : memref<!tpu.dma_semaphore, #tpu.memory_space<semaphore_mem>>)
      } else {
      }
    }
    %scan3A_55 = arith.constant 40 : i32
    %dma_wait3A = arith.constant 0 : i32
    %dma_wait3A_56 = arith.constant 0 : i32
    %dma_wait3A_57 = tpu.memref_slice %arg7[%dma_wait3A, %dma_wait3A_56] : memref<4x128xi32, #tpu.memory_space<vmem>> -> memref<1x128xi32, #tpu.memory_space<vmem>>
    %dma_wait3A_58 = tpu.memref_squeeze %dma_wait3A_57 : memref<1x128xi32, #tpu.memory_space<vmem>> -> memref<128xi32, #tpu.memory_space<vmem>>
    %dma_wait3A_59 = arith.constant 0 : i32
    %dma_wait3A_60 = arith.constant 0 : i32
    %dma_wait3A_61 = tpu.memref_slice %arg10[%dma_wait3A_59, %dma_wait3A_60] : memref<10240x128xf32, #tpu.memory_space<vmem_shared>> -> memref<10240x128xf32, #tpu.memory_space<vmem_shared>>
    tpu.wait_indirect_dma semaphore(%arg14 : memref<!tpu.dma_semaphore, #tpu.memory_space<semaphore_mem>>) src(%arg9 : memref<128x128xf32, #tpu.memory_space<vmem>>) dst(%dma_wait3A_61 : memref<10240x128xf32, #tpu.memory_space<vmem_shared>>)
    %barrier3A_62 = arith.constant 0 : index
    tpu.barrier barrier_id(%barrier3A_62)
    %mul3A_63 = arith.constant 640 : i32
    %mul3A_64 = arith.muli %arg1, %mul3A_63 : i32
    %mul3A_65 = arith.constant 640 : i32
    %mul3A_66 = arith.muli %arg1, %mul3A_65 : i32
    "tpu.region"() ({
      %run_scoped3A = tpu.sem_alloc : memref<!tpu.dma_semaphore, #tpu.memory_space<semaphore_mem>>
      %dma_start3A_67 = arith.constant 0 : i32
      %dma_start3A_68 = arith.constant 0 : i32
      %dma_start3A_69 = tpu.memref_slice %arg5[%arg0, %dma_start3A_67, %dma_start3A_68] : memref<2x10240x128xf32, #tpu.memory_space<hbm>> -> memref<1x10240x128xf32, #tpu.memory_space<hbm>>
      %dma_start3A_70 = tpu.memref_squeeze %dma_start3A_69 : memref<1x10240x128xf32, #tpu.memory_space<hbm>> -> memref<10240x128xf32, #tpu.memory_space<hbm>>
      %dma_start3A_71 = arith.constant 0 : i32
      %dma_start3A_72 = tpu.memref_slice %dma_start3A_70[%mul3A_66, %dma_start3A_71] : memref<10240x128xf32, #tpu.memory_space<hbm>> -> memref<640x128xf32, #tpu.memory_space<hbm>>
      %dma_start3A_73 = arith.constant 0 : i32
      %dma_start3A_74 = tpu.memref_slice %arg10[%mul3A_64, %dma_start3A_73] : memref<10240x128xf32, #tpu.memory_space<vmem_shared>> -> memref<640x128xf32, #tpu.memory_space<vmem_shared>>
      tpu.enqueue_dma source(%dma_start3A_74 : memref<640x128xf32, #tpu.memory_space<vmem_shared>>) target(%dma_start3A_72 : memref<640x128xf32, #tpu.memory_space<hbm>>) target_semaphore(%run_scoped3A : memref<!tpu.dma_semaphore, #tpu.memory_space<semaphore_mem>>)
      %dma_wait3A_75 = arith.constant 0 : i32
      %dma_wait3A_76 = arith.constant 0 : i32
      %dma_wait3A_77 = tpu.memref_slice %arg5[%arg0, %dma_wait3A_75, %dma_wait3A_76] : memref<2x10240x128xf32, #tpu.memory_space<hbm>> -> memref<1x10240x128xf32, #tpu.memory_space<hbm>>
      %dma_wait3A_78 = tpu.memref_squeeze %dma_wait3A_77 : memref<1x10240x128xf32, #tpu.memory_space<hbm>> -> memref<10240x128xf32, #tpu.memory_space<hbm>>
      %dma_wait3A_79 = arith.constant 0 : i32
      %dma_wait3A_80 = tpu.memref_slice %dma_wait3A_78[%mul3A_66, %dma_wait3A_79] : memref<10240x128xf32, #tpu.memory_space<hbm>> -> memref<640x128xf32, #tpu.memory_space<hbm>>
      %dma_wait3A_81 = arith.constant 0 : i32
      %dma_wait3A_82 = tpu.memref_slice %arg10[%mul3A_64, %dma_wait3A_81] : memref<10240x128xf32, #tpu.memory_space<vmem_shared>> -> memref<640x128xf32, #tpu.memory_space<vmem_shared>>
      tpu.wait_dma2 semaphore(%run_scoped3A : memref<!tpu.dma_semaphore, #tpu.memory_space<semaphore_mem>>) src(%dma_wait3A_82 : memref<640x128xf32, #tpu.memory_space<vmem_shared>>) dst(%dma_wait3A_80 : memref<640x128xf32, #tpu.memory_space<hbm>>)
      tpu.yield
    }) : () -> ()
    return
  }
}

module attributes {stable_mosaic.version = 14 : i64} {
  func.func @_tc1_body(%arg0: i32, %arg1: memref<2x1024x128xf32, #tpu.memory_space<vmem>>, %arg2: memref<1024x128xf32, #tpu.memory_space<vmem>>, %arg3: memref<128x128xf32, #tpu.memory_space<vmem>>, %arg4: memref<2x1024xf32, #tpu.memory_space<vmem>>, %arg5: memref<1024x128xf32, #tpu.memory_space<vmem>>) attributes {dimension_semantics = [#tpu.dimension_semantics<arbitrary>], iteration_bounds = array<i64: 10>, scalar_prefetch = 0 : i64, scratch_operands = 0 : i64, tpu.core_type = #tpu.core_type<tc>, window_params = [{transform_indices = @transform_0, window_bounds = array<i64: 2, 1024, 128>}, {transform_indices = @transform_1, window_bounds = array<i64: 1024, 128>}, {pipeline_mode = #tpu.pipeline_mode<synchronous>, transform_indices = @transform_2, window_bounds = array<i64: 128, 128>}, {transform_indices = @transform_3, window_bounds = array<i64: 2, 1024>}, {transform_indices = @transform_4, window_bounds = array<i64: 1024, 128>}]} {
    %get3A = arith.constant 0 : index
    %get3A_0 = arith.constant 0 : index
    %get3A_1 = arith.constant 0 : index
    %get3A_2 = vector.load %arg1[%get3A, %get3A_0, %get3A_1] : memref<2x1024x128xf32, #tpu.memory_space<vmem>>, vector<1x1024x1xf32>
    %get3A_3 = vector.shape_cast %get3A_2 : vector<1x1024x1xf32> to vector<1024xf32>
    %get3A_4 = arith.constant 1 : index
    %get3A_5 = arith.constant 0 : index
    %get3A_6 = arith.constant 0 : index
    %get3A_7 = vector.load %arg1[%get3A_4, %get3A_5, %get3A_6] : memref<2x1024x128xf32, #tpu.memory_space<vmem>>, vector<1x1024x1xf32>
    %get3A_8 = vector.shape_cast %get3A_7 : vector<1x1024x1xf32> to vector<1024xf32>
    %stack3A = vector.shape_cast %get3A_3 : vector<1024xf32> to vector<1x1024xf32>
    %stack3A_9 = vector.shape_cast %get3A_8 : vector<1024xf32> to vector<1x1024xf32>
    %stack3A_10 = tpu.concatenate %stack3A, %stack3A_9 in 0 : vector<1x1024xf32>, vector<1x1024xf32> -> vector<2x1024xf32>
    %gt3A = arith.constant 0.000000e+00 : f32
    %gt3A_11 = vector.broadcast %gt3A : f32 to vector<2x1024xf32>
    %gt3A_12 = arith.cmpf ogt, %stack3A_10, %gt3A_11 : vector<2x1024xf32>
    %max3A = arith.constant 9.99999996E-13 : f32
    %max3A_13 = vector.broadcast %max3A : f32 to vector<2x1024xf32>
    %max3A_14 = arith.maximumf %stack3A_10, %max3A_13 : vector<2x1024xf32>
    %rsqrt3A = math.rsqrt %max3A_14 : vector<2x1024xf32>
    %jit3A = arith.constant 0.000000e+00 : f32
    %broadcast_in_dim3A = vector.broadcast %jit3A : f32 to vector<2x1024xf32>
    %select_n3A = arith.select %gt3A_12, %rsqrt3A, %broadcast_in_dim3A : vector<2x1024xi1>, vector<2x1024xf32>
    %swap3A = arith.constant 0 : index
    %swap3A_15 = arith.constant 0 : index
    %swap3A_16 = vector.load %arg4[%swap3A, %swap3A_15] : memref<2x1024xf32, #tpu.memory_space<vmem>>, vector<2x1024xf32>
    tpu.vector_store %arg4[%swap3A, %swap3A_15], %select_n3A {strides = array<i32>} : memref<2x1024xf32, #tpu.memory_space<vmem>>, vector<2x1024xf32>,
    %slice3A = vector.extract_strided_slice %select_n3A {offsets = [0, 0], sizes = [1, 1024], strides = [1, 1]} : vector<2x1024xf32> to vector<1x1024xf32>
    %squeeze3A = vector.shape_cast %slice3A : vector<1x1024xf32> to vector<1024xf32>
    %broadcast_in_dim3A_17 = vector.shape_cast %squeeze3A : vector<1024xf32> to vector<1024x1xf32>
    %get3A_18 = arith.constant 0 : index
    %get3A_19 = arith.constant 0 : index
    %get3A_20 = vector.load %arg2[%get3A_18, %get3A_19] : memref<1024x128xf32, #tpu.memory_space<vmem>>, vector<1024x128xf32>
    %get3A_21 = arith.constant 0 : index
    %get3A_22 = arith.constant 0 : index
    %get3A_23 = vector.load %arg3[%get3A_21, %get3A_22] : memref<128x128xf32, #tpu.memory_space<vmem>>, vector<128x128xf32>
    %dot_general3A = arith.constant dense<0.000000e+00> : vector<1024x128xf32>
    %dot_general3A_24 = tpu.matmul %get3A_20, %get3A_23, %dot_general3A {dimension_numbers = #tpu.dot_dimension_numbers<[1], [0], [0], [1], [0, 0, 1, 1], [], []>, transpose_lhs_hint = false} : vector<1024x128xf32>, vector<128x128xf32>, vector<1024x128xf32> -> vector<1024x128xf32>
    %mul3A = vector.broadcast %broadcast_in_dim3A_17 : vector<1024x1xf32> to vector<1024x128xf32>
    %mul3A_25 = arith.mulf %dot_general3A_24, %mul3A : vector<1024x128xf32>
    %swap3A_26 = arith.constant 0 : index
    %swap3A_27 = arith.constant 0 : index
    %swap3A_28 = vector.load %arg5[%swap3A_26, %swap3A_27] : memref<1024x128xf32, #tpu.memory_space<vmem>>, vector<1024x128xf32>
    tpu.vector_store %arg5[%swap3A_26, %swap3A_27], %mul3A_25 {strides = array<i32>} : memref<1024x128xf32, #tpu.memory_space<vmem>>, vector<1024x128xf32>,
    return
  }
  func.func @transform_0(%arg0: i32) -> (i32, i32, i32) {
    %c0_i32 = arith.constant 0 : i32
    %c0_i32_0 = arith.constant 0 : i32
    %c0_i32_1 = arith.constant 0 : i32
    return %c0_i32, %arg0, %c0_i32_0 : i32, i32, i32
  }
  func.func @transform_1(%arg0: i32) -> (i32, i32) {
    %c0_i32 = arith.constant 0 : i32
    %c0_i32_0 = arith.constant 0 : i32
    return %arg0, %c0_i32 : i32, i32
  }
  func.func @transform_2(%arg0: i32) -> (i32, i32) {
    %c0_i32 = arith.constant 0 : i32
    %c0_i32_0 = arith.constant 0 : i32
    %c0_i32_1 = arith.constant 0 : i32
    return %c0_i32, %c0_i32_0 : i32, i32
  }
  func.func @transform_3(%arg0: i32) -> (i32, i32) {
    %c0_i32 = arith.constant 0 : i32
    %c0_i32_0 = arith.constant 0 : i32
    return %c0_i32, %arg0 : i32, i32
  }
  func.func @transform_4(%arg0: i32) -> (i32, i32) {
    %c0_i32 = arith.constant 0 : i32
    %c0_i32_0 = arith.constant 0 : i32
    return %arg0, %c0_i32 : i32, i32
  }
}

module attributes {stable_mosaic.version = 14 : i64} {
  func.func @_tc_mid_body(%arg0: i32, %arg1: memref<2x1024x128xf32, #tpu.memory_space<vmem>>, %arg2: memref<2x1024xf32, #tpu.memory_space<vmem>>, %arg3: memref<1x128xf32, #tpu.memory_space<vmem>>, %arg4: memref<128x128xf32, #tpu.memory_space<vmem>>, %arg5: memref<1024x128xf32, #tpu.memory_space<vmem>>) attributes {dimension_semantics = [#tpu.dimension_semantics<arbitrary>], iteration_bounds = array<i64: 10>, scalar_prefetch = 0 : i64, scratch_operands = 0 : i64, tpu.core_type = #tpu.core_type<tc>, window_params = [{transform_indices = @transform_0, window_bounds = array<i64: 2, 1024, 128>}, {transform_indices = @transform_1, window_bounds = array<i64: 2, 1024>}, {pipeline_mode = #tpu.pipeline_mode<synchronous>, transform_indices = @transform_2, window_bounds = array<i64: 1, 128>}, {pipeline_mode = #tpu.pipeline_mode<synchronous>, transform_indices = @transform_3, window_bounds = array<i64: 128, 128>}, {transform_indices = @transform_4, window_bounds = array<i64: 1024, 128>}]} {
    %get3A = arith.constant 1 : index
    %get3A_0 = arith.constant 0 : index
    %get3A_1 = vector.load %arg2[%get3A, %get3A_0] : memref<2x1024xf32, #tpu.memory_space<vmem>>, vector<1x1024xf32>
    %get3A_2 = vector.shape_cast %get3A_1 : vector<1x1024xf32> to vector<1024xf32>
    %broadcast_in_dim3A = vector.shape_cast %get3A_2 : vector<1024xf32> to vector<1024x1xf32>
    %get3A_3 = arith.constant 0 : index
    %get3A_4 = arith.constant 0 : index
    %get3A_5 = arith.constant 0 : index
    %get3A_6 = vector.load %arg1[%get3A_3, %get3A_4, %get3A_5] : memref<2x1024x128xf32, #tpu.memory_space<vmem>>, vector<1x1024x128xf32>
    %get3A_7 = vector.shape_cast %get3A_6 : vector<1x1024x128xf32> to vector<1024x128xf32>
    %get3A_8 = arith.constant 1 : index
    %get3A_9 = arith.constant 0 : index
    %get3A_10 = arith.constant 0 : index
    %get3A_11 = vector.load %arg1[%get3A_8, %get3A_9, %get3A_10] : memref<2x1024x128xf32, #tpu.memory_space<vmem>>, vector<1x1024x128xf32>
    %get3A_12 = vector.shape_cast %get3A_11 : vector<1x1024x128xf32> to vector<1024x128xf32>
    %add3A = arith.addf %get3A_7, %get3A_12 : vector<1024x128xf32>
    %mul3A = vector.broadcast %broadcast_in_dim3A : vector<1024x1xf32> to vector<1024x128xf32>
    %mul3A_13 = arith.mulf %add3A, %mul3A : vector<1024x128xf32>
    %get3A_14 = arith.constant 0 : index
    %get3A_15 = arith.constant 0 : index
    %get3A_16 = vector.load %arg3[%get3A_14, %get3A_15] : memref<1x128xf32, #tpu.memory_space<vmem>>, vector<1x128xf32>
    %add3A_17 = vector.broadcast %get3A_16 : vector<1x128xf32> to vector<1024x128xf32>
    %add3A_18 = arith.addf %mul3A_13, %add3A_17 : vector<1024x128xf32>
    %max3A = arith.constant 0.000000e+00 : f32
    %max3A_19 = vector.broadcast %max3A : f32 to vector<1024x128xf32>
    %max3A_20 = arith.maximumf %add3A_18, %max3A_19 : vector<1024x128xf32>
    %get3A_21 = arith.constant 0 : index
    %get3A_22 = arith.constant 0 : index
    %get3A_23 = vector.load %arg2[%get3A_21, %get3A_22] : memref<2x1024xf32, #tpu.memory_space<vmem>>, vector<1x1024xf32>
    %get3A_24 = vector.shape_cast %get3A_23 : vector<1x1024xf32> to vector<1024xf32>
    %broadcast_in_dim3A_25 = vector.shape_cast %get3A_24 : vector<1024xf32> to vector<1024x1xf32>
    %get3A_26 = arith.constant 0 : index
    %get3A_27 = arith.constant 0 : index
    %get3A_28 = vector.load %arg4[%get3A_26, %get3A_27] : memref<128x128xf32, #tpu.memory_space<vmem>>, vector<128x128xf32>
    %dot_general3A = arith.constant dense<0.000000e+00> : vector<1024x128xf32>
    %dot_general3A_29 = tpu.matmul %max3A_20, %get3A_28, %dot_general3A {dimension_numbers = #tpu.dot_dimension_numbers<[1], [0], [0], [1], [0, 0, 1, 1], [], []>, transpose_lhs_hint = false} : vector<1024x128xf32>, vector<128x128xf32>, vector<1024x128xf32> -> vector<1024x128xf32>
    %mul3A_30 = vector.broadcast %broadcast_in_dim3A_25 : vector<1024x1xf32> to vector<1024x128xf32>
    %mul3A_31 = arith.mulf %dot_general3A_29, %mul3A_30 : vector<1024x128xf32>
    %swap3A = arith.constant 0 : index
    %swap3A_32 = arith.constant 0 : index
    %swap3A_33 = vector.load %arg5[%swap3A, %swap3A_32] : memref<1024x128xf32, #tpu.memory_space<vmem>>, vector<1024x128xf32>
    tpu.vector_store %arg5[%swap3A, %swap3A_32], %mul3A_31 {strides = array<i32>} : memref<1024x128xf32, #tpu.memory_space<vmem>>, vector<1024x128xf32>,
    return
  }
  func.func @transform_0(%arg0: i32) -> (i32, i32, i32) {
    %c0_i32 = arith.constant 0 : i32
    %c0_i32_0 = arith.constant 0 : i32
    %c0_i32_1 = arith.constant 0 : i32
    return %c0_i32, %arg0, %c0_i32_0 : i32, i32, i32
  }
  func.func @transform_1(%arg0: i32) -> (i32, i32) {
    %c0_i32 = arith.constant 0 : i32
    %c0_i32_0 = arith.constant 0 : i32
    return %c0_i32, %arg0 : i32, i32
  }
  func.func @transform_2(%arg0: i32) -> (i32, i32) {
    %c0_i32 = arith.constant 0 : i32
    %c0_i32_0 = arith.constant 0 : i32
    %c0_i32_1 = arith.constant 0 : i32
    return %c0_i32, %c0_i32_0 : i32, i32
  }
  func.func @transform_3(%arg0: i32) -> (i32, i32) {
    %c0_i32 = arith.constant 0 : i32
    %c0_i32_0 = arith.constant 0 : i32
    %c0_i32_1 = arith.constant 0 : i32
    return %c0_i32, %c0_i32_0 : i32, i32
  }
  func.func @transform_4(%arg0: i32) -> (i32, i32) {
    %c0_i32 = arith.constant 0 : i32
    %c0_i32_0 = arith.constant 0 : i32
    return %arg0, %c0_i32 : i32, i32
  }
}

module attributes {stable_mosaic.version = 14 : i64} {
  func.func @_tc3_body(%arg0: i32, %arg1: memref<2x1024x128xf32, #tpu.memory_space<vmem>>, %arg2: memref<2x1024xf32, #tpu.memory_space<vmem>>, %arg3: memref<1x128xf32, #tpu.memory_space<vmem>>, %arg4: memref<1x128xf32, #tpu.memory_space<vmem>>, %arg5: memref<1024x128xf32, #tpu.memory_space<vmem>>) attributes {dimension_semantics = [#tpu.dimension_semantics<arbitrary>], iteration_bounds = array<i64: 10>, scalar_prefetch = 0 : i64, scratch_operands = 0 : i64, tpu.core_type = #tpu.core_type<tc>, window_params = [{transform_indices = @transform_0, window_bounds = array<i64: 2, 1024, 128>}, {transform_indices = @transform_1, window_bounds = array<i64: 2, 1024>}, {pipeline_mode = #tpu.pipeline_mode<synchronous>, transform_indices = @transform_2, window_bounds = array<i64: 1, 128>}, {pipeline_mode = #tpu.pipeline_mode<synchronous>, transform_indices = @transform_3, window_bounds = array<i64: 1, 128>}, {transform_indices = @transform_4, window_bounds = array<i64: 1024, 128>}]} {
    %get3A = arith.constant 1 : index
    %get3A_0 = arith.constant 0 : index
    %get3A_1 = vector.load %arg2[%get3A, %get3A_0] : memref<2x1024xf32, #tpu.memory_space<vmem>>, vector<1x1024xf32>
    %get3A_2 = vector.shape_cast %get3A_1 : vector<1x1024xf32> to vector<1024xf32>
    %broadcast_in_dim3A = vector.shape_cast %get3A_2 : vector<1024xf32> to vector<1024x1xf32>
    %get3A_3 = arith.constant 0 : index
    %get3A_4 = arith.constant 0 : index
    %get3A_5 = arith.constant 0 : index
    %get3A_6 = vector.load %arg1[%get3A_3, %get3A_4, %get3A_5] : memref<2x1024x128xf32, #tpu.memory_space<vmem>>, vector<1x1024x128xf32>
    %get3A_7 = vector.shape_cast %get3A_6 : vector<1x1024x128xf32> to vector<1024x128xf32>
    %get3A_8 = arith.constant 1 : index
    %get3A_9 = arith.constant 0 : index
    %get3A_10 = arith.constant 0 : index
    %get3A_11 = vector.load %arg1[%get3A_8, %get3A_9, %get3A_10] : memref<2x1024x128xf32, #tpu.memory_space<vmem>>, vector<1x1024x128xf32>
    %get3A_12 = vector.shape_cast %get3A_11 : vector<1x1024x128xf32> to vector<1024x128xf32>
    %add3A = arith.addf %get3A_7, %get3A_12 : vector<1024x128xf32>
    %mul3A = vector.broadcast %broadcast_in_dim3A : vector<1024x1xf32> to vector<1024x128xf32>
    %mul3A_13 = arith.mulf %add3A, %mul3A : vector<1024x128xf32>
    %get3A_14 = arith.constant 0 : index
    %get3A_15 = arith.constant 0 : index
    %get3A_16 = vector.load %arg3[%get3A_14, %get3A_15] : memref<1x128xf32, #tpu.memory_space<vmem>>, vector<1x128xf32>
    %add3A_17 = vector.broadcast %get3A_16 : vector<1x128xf32> to vector<1024x128xf32>
    %add3A_18 = arith.addf %mul3A_13, %add3A_17 : vector<1024x128xf32>
    %max3A = arith.constant 0.000000e+00 : f32
    %max3A_19 = vector.broadcast %max3A : f32 to vector<1024x128xf32>
    %max3A_20 = arith.maximumf %add3A_18, %max3A_19 : vector<1024x128xf32>
    %get3A_21 = arith.constant 0 : index
    %get3A_22 = arith.constant 0 : index
    %get3A_23 = vector.load %arg4[%get3A_21, %get3A_22] : memref<1x128xf32, #tpu.memory_space<vmem>>, vector<1x128xf32>
    %mul3A_24 = vector.broadcast %get3A_23 : vector<1x128xf32> to vector<1024x128xf32>
    %mul3A_25 = arith.mulf %max3A_20, %mul3A_24 : vector<1024x128xf32>
    %reduce_sum3A = arith.constant dense<0.000000e+00> : vector<1024xf32>
    %reduce_sum3A_26 = vector.multi_reduction <add>, %mul3A_25, %reduce_sum3A [1] : vector<1024x128xf32> to vector<1024xf32>
    %get3A_27 = arith.constant 0 : index
    %get3A_28 = arith.constant 0 : index
    %get3A_29 = vector.load %arg2[%get3A_27, %get3A_28] : memref<2x1024xf32, #tpu.memory_space<vmem>>, vector<1x1024xf32>
    %get3A_30 = vector.shape_cast %get3A_29 : vector<1x1024xf32> to vector<1024xf32>
    %mul3A_31 = arith.mulf %reduce_sum3A_26, %get3A_30 : vector<1024xf32>
    %broadcast_in_dim3A_32 = vector.shape_cast %mul3A_31 : vector<1024xf32> to vector<1024x1xf32>
    %broadcast_in_dim3A_33 = vector.shape_cast %broadcast_in_dim3A_32 : vector<1024x1xf32> to vector<1024x1xf32>
    %broadcast_in_dim3A_34 = vector.broadcast %broadcast_in_dim3A_33 : vector<1024x1xf32> to vector<1024x128xf32>
    %swap3A = arith.constant 0 : index
    %swap3A_35 = arith.constant 0 : index
    %swap3A_36 = vector.load %arg5[%swap3A, %swap3A_35] : memref<1024x128xf32, #tpu.memory_space<vmem>>, vector<1024x128xf32>
    tpu.vector_store %arg5[%swap3A, %swap3A_35], %broadcast_in_dim3A_34 {strides = array<i32>} : memref<1024x128xf32, #tpu.memory_space<vmem>>, vector<1024x128xf32>,
    return
  }
  func.func @transform_0(%arg0: i32) -> (i32, i32, i32) {
    %c0_i32 = arith.constant 0 : i32
    %c0_i32_0 = arith.constant 0 : i32
    %c0_i32_1 = arith.constant 0 : i32
    return %c0_i32, %arg0, %c0_i32_0 : i32, i32, i32
  }
  func.func @transform_1(%arg0: i32) -> (i32, i32) {
    %c0_i32 = arith.constant 0 : i32
    %c0_i32_0 = arith.constant 0 : i32
    return %c0_i32, %arg0 : i32, i32
  }
  func.func @transform_2(%arg0: i32) -> (i32, i32) {
    %c0_i32 = arith.constant 0 : i32
    %c0_i32_0 = arith.constant 0 : i32
    %c0_i32_1 = arith.constant 0 : i32
    return %c0_i32, %c0_i32_0 : i32, i32
  }
  func.func @transform_3(%arg0: i32) -> (i32, i32) {
    %c0_i32 = arith.constant 0 : i32
    %c0_i32_0 = arith.constant 0 : i32
    %c0_i32_1 = arith.constant 0 : i32
    return %c0_i32, %c0_i32_0 : i32, i32
  }
  func.func @transform_4(%arg0: i32) -> (i32, i32) {
    %c0_i32 = arith.constant 0 : i32
    %c0_i32_0 = arith.constant 0 : i32
    return %arg0, %c0_i32 : i32, i32
  }
}

module attributes {stable_mosaic.version = 14 : i64} {
  func.func @_tc4_body(%arg0: i32, %arg1: memref<2x1024x128xf32, #tpu.memory_space<vmem>>, %arg2: memref<2x1024xf32, #tpu.memory_space<vmem>>, %arg3: memref<1x1xf32, #tpu.memory_space<vmem>>, %arg4: memref<1024x1xf32, #tpu.memory_space<vmem>>) attributes {dimension_semantics = [#tpu.dimension_semantics<arbitrary>], iteration_bounds = array<i64: 10>, scalar_prefetch = 0 : i64, scratch_operands = 0 : i64, tpu.core_type = #tpu.core_type<tc>, window_params = [{transform_indices = @transform_0, window_bounds = array<i64: 2, 1024, 128>}, {transform_indices = @transform_1, window_bounds = array<i64: 2, 1024>}, {pipeline_mode = #tpu.pipeline_mode<synchronous>, transform_indices = @transform_2, window_bounds = array<i64: 1, 1>}, {transform_indices = @transform_3, window_bounds = array<i64: 1024, 1>}]} {
    %get3A = arith.constant 0 : index
    %get3A_0 = arith.constant 0 : index
    %get3A_1 = arith.constant 0 : index
    %get3A_2 = vector.load %arg1[%get3A, %get3A_0, %get3A_1] : memref<2x1024x128xf32, #tpu.memory_space<vmem>>, vector<1x1024x1xf32>
    %get3A_3 = vector.shape_cast %get3A_2 : vector<1x1024x1xf32> to vector<1024xf32>
    %get3A_4 = arith.constant 1 : index
    %get3A_5 = arith.constant 0 : index
    %get3A_6 = arith.constant 0 : index
    %get3A_7 = vector.load %arg1[%get3A_4, %get3A_5, %get3A_6] : memref<2x1024x128xf32, #tpu.memory_space<vmem>>, vector<1x1024x1xf32>
    %get3A_8 = vector.shape_cast %get3A_7 : vector<1x1024x1xf32> to vector<1024xf32>
    %add3A = arith.addf %get3A_3, %get3A_8 : vector<1024xf32>
    %get3A_9 = arith.constant 1 : index
    %get3A_10 = arith.constant 0 : index
    %get3A_11 = vector.load %arg2[%get3A_9, %get3A_10] : memref<2x1024xf32, #tpu.memory_space<vmem>>, vector<1x1024xf32>
    %get3A_12 = vector.shape_cast %get3A_11 : vector<1x1024xf32> to vector<1024xf32>
    %mul3A = arith.mulf %add3A, %get3A_12 : vector<1024xf32>
    %get3A_13 = arith.constant 0 : index
    %get3A_14 = arith.constant 0 : index
    %get3A_15 = vector.load %arg3[%get3A_13, %get3A_14] : memref<1x1xf32, #tpu.memory_space<vmem>>, vector<1x1xf32>
    %get3A_16 = vector.extract %get3A_15[0, 0] : f32 from vector<1x1xf32>
    %add3A_17 = vector.broadcast %get3A_16 : f32 to vector<1024xf32>
    %add3A_18 = arith.addf %mul3A, %add3A_17 : vector<1024xf32>
    %max3A = arith.constant 0.000000e+00 : f32
    %max3A_19 = vector.broadcast %max3A : f32 to vector<1024xf32>
    %max3A_20 = arith.maximumf %add3A_18, %max3A_19 : vector<1024xf32>
    %broadcast_in_dim3A = vector.shape_cast %max3A_20 : vector<1024xf32> to vector<1024x1xf32>
    %swap3A = arith.constant 0 : index
    %swap3A_21 = arith.constant 0 : index
    %swap3A_22 = vector.load %arg4[%swap3A, %swap3A_21] : memref<1024x1xf32, #tpu.memory_space<vmem>>, vector<1024x1xf32>
    tpu.vector_store %arg4[%swap3A, %swap3A_21], %broadcast_in_dim3A {strides = array<i32>} : memref<1024x1xf32, #tpu.memory_space<vmem>>, vector<1024x1xf32>,
    return
  }
  func.func @transform_0(%arg0: i32) -> (i32, i32, i32) {
    %c0_i32 = arith.constant 0 : i32
    %c0_i32_0 = arith.constant 0 : i32
    %c0_i32_1 = arith.constant 0 : i32
    return %c0_i32, %arg0, %c0_i32_0 : i32, i32, i32
  }
  func.func @transform_1(%arg0: i32) -> (i32, i32) {
    %c0_i32 = arith.constant 0 : i32
    %c0_i32_0 = arith.constant 0 : i32
    return %c0_i32, %arg0 : i32, i32
  }
  func.func @transform_2(%arg0: i32) -> (i32, i32) {
    %c0_i32 = arith.constant 0 : i32
    %c0_i32_0 = arith.constant 0 : i32
    %c0_i32_1 = arith.constant 0 : i32
    return %c0_i32, %c0_i32_0 : i32, i32
  }
  func.func @transform_3(%arg0: i32) -> (i32, i32) {
    %c0_i32 = arith.constant 0 : i32
    %c0_i32_0 = arith.constant 0 : i32
    return %arg0, %c0_i32 : i32, i32
  }
}

</mosaic_0001>

<sc_bundles>
// kernel: kernel.10.cloned.1.call-start
scs
__scs_entry_jumppad:
0x0: {  	(pc) =	sbr.rel $0x88, $3  }
0x1: {  	(tag) =	ssettag $0x0;
	lr =	simm.s32 $0x1  }
0x2: {  	[smem:$0x3F99] =	sst lr;
	_ =	strace $0xD0000000  }
0x3: {  	_ = 	snop  }
0x4: {  	_ = 	snop  }
0x5: {  	_ = 	snop  }
0x6: {  	_ = 	snop  }
0x7: {  	_ = 	snop  }
__scs_overlays_trampoline_lowered:
0x8: {  	[smem:$0x3FA8] =	sst s0  }
0x9: {  	[smem:$0x3FA9] =	sst s1  }
0xa: {  	[smem:$0x3FAA] =	sst s2  }
0xb: {  	[smem:$0x3FAB] =	sst s3  }
0xc: {  	[smem:$0x3FAC] =	sst s4  }
0xd: {  	[smem:$0x3FAD] =	sst s5  }
0xe: {  	[smem:$0x3FAE] =	sst s6  }
0xf: {  	[smem:$0x3FAF] =	sst s7  }
0x10: {  	[smem:$0x3FB0] =	sst s8  }
0x11: {  	[smem:$0x3FB1] =	sst s9;
	s0 =	simm.s32 @!p0 $0x0  }
0x12: {  	s1 =	sld [smem:$0x3F97];
	s0 =	simm.s32 @p0 $0x1  }
0x13: {  	[smem:$0x3FB2] =	sst s0;
	s0 =	simm.s32 @!p1 $0x0  }
0x14: {  	s2 =	sld [smem:$0x3F96];
	s0 =	simm.s32 @p1 $0x1  }
0x15: {  	[smem:$0x3FB3] =	sst s0;
	s0 =	simm.s32 @!p2 $0x0  }
0x16: {  	s3 =	sld [smem:$0x3FDB];
	s0 =	simm.s32 @p2 $0x1  }
0x17: {  	s4 =	simm.s32 $0x1BF5;
	[smem:$0x3FB5] =	sst s0  }
0x18: {  	s0 =	sld [smem:$0x3F98];
	_ =	swait.ge [sflag:s4], $0x0  }
0x19: {  	s7 =	sld [smem:$0x3F99]  }
0x1a: {  	s8 =	sadd.s32 $0xFFFFE003, lr  }
0x1b: {  	s9 =	sadd.s32 $0xFFFFFEF7, lr;
	s5 =	simm.s32 $0xFFFFFFFF;
	p2 =	slt.u32 s8, $0xFFFFF086  }
0x1c: {  	p1 =	slt.u32 s9, $0xF7A;
	s5 =	simm.s32 @!p2 $0x0  }
0x1d: {  	s5 =	simm.s32 @p1 $0x1;
	p0 =	seq.s32 s7, s2  }
0x1e: {  	s7 =	smul.u32 @!p0 $0xF7A, s2;
	p2 =	seq.s32 @!p0 s5, $0x0  }
0x1f: {  	s9 =	smul.u32 $0xF7A, s1;
	s8 =	simm.s32 @!p0 $0x1BF5;
	p2 =	por !p2, p0  }
0x20: {  	[sflag:s8] =	ssyncset.s32 @!p0 $0xFFFFF086;
	s6 =	sadd.s32 @!p0 s3, s7;
	s7 =	simm.s32 @!p0 $0x108  }
0x21: {  	s3 =	sadd.s32 s3, s9;
	s6 =	sadd.s32 @!p0 $0x88, s6;
	s7 =	simm.s32 @p2 $0x1082  }
0x22: {  	[simem:s7], [sflag:s8] =	dma.local @!p0 [hbm:s6], $0xF7A  }
0x23: {  	s9 =	sor.u32 $0xD0000000, s2;
	s6 =	simm.s32 $0x108;
	_ =	swait.ge @!p0 [sflag:s8], $0x0  }
0x24: {  	s3 =	sadd.s32 $0x88, s3;
	s6 =	simm.s32 @!p1 $0x1082;
	[sflag:s4] =	ssyncset.s32 $0xFFFFF086  }
0x25: {  	[simem:s6], [sflag:s4] =	dma.local [hbm:s3], $0xF7A  }
0x26: {  	[smem:$0x3F99] =	sst s1;
	(tag) =	ssettag s2;
	_ =	strace s9  }
0x27: {  	s1 =	sld [smem:$0x3FA9]  }
0x28: {  	s2 =	sld [smem:$0x3FAA]  }
0x29: {  	s4 =	sld [smem:$0x3FAC]  }
0x2a: {  	p0 =	seq.s32 s5, $0x0;
	s5 =	sld [smem:$0x3FAD]  }
0x2b: {  	s6 =	sld [smem:$0x3FAE]  }
0x2c: {  	s7 =	sld [smem:$0x3FAF]  }
0x2d: {  	s3 =	simm.s32 $0x108;
	s8 =	sld [smem:$0x3FB0]  }
0x2e: {  	s3 =	simm.s32 @!p0 $0x1082;
	s9 =	sld [smem:$0x3FB1]  }
0x2f: {  	lr =	sadd.s32 s0, s3;
	s0 =	sld [smem:$0x3FA8]  }
0x30: {  	s3 =	sld [smem:$0x3FAB]  }
0x31: {  	[smem:$0x3FB4] =	sst s10  }
0x32: {  	s10 =	sld [smem:$0x3FB2];
	_ =	sdelay $0x3  }
0x33: {  	p0 =	seq.s32 s10, $0x1;
	s10 =	sld [smem:$0x3FB4];
	_ =	sdelay $0x3  }
0x34: {  	[smem:$0x3FB4] =	sst s10  }
0x35: {  	s10 =	sld [smem:$0x3FB3];
	_ =	sdelay $0x3  }
0x36: {  	p1 =	seq.s32 s10, $0x1;
	s10 =	sld [smem:$0x3FB4];
	_ =	sdelay $0x3  }
0x37: {  	[smem:$0x3FB4] =	sst s10  }
0x38: {  	s10 =	sld [smem:$0x3FB5]  }
0x39: {  	_ = 	snop;
	(pc) =	sbr.ind lr, $3  }
0x3a: {  	_ = 	snop  }
0x3b: {  	_ = 	snop  }
0x3c: {  	p2 =	seq.s32 s10, $0x1;
	s10 =	sld [smem:$0x3FB4]  }
0x3d: {  	_ =	shalt  }
0x3e: {  	_ =	shalt  }
0x3f: {  	_ =	shalt  }
0x40: {  	_ =	shalt  }
0x41: {  	_ =	shalt  }
0x42: {  	_ =	shalt  }
0x43: {  	_ =	shalt  }
0x44: {  	_ =	shalt  }
0x45: {  	_ =	shalt  }
0x46: {  	_ =	shalt  }
0x47: {  	_ =	shalt  }
0x48: {  	_ =	shalt  }
0x49: {  	_ =	shalt  }
0x4a: {  	_ =	shalt  }
0x4b: {  	_ =	shalt  }
0x4c: {  	_ =	shalt  }
0x4d: {  	_ =	shalt  }
0x4e: {  	_ =	shalt  }
0x4f: {  	_ =	shalt  }
0x50: {  	_ =	shalt  }
0x51: {  	_ =	shalt  }
0x52: {  	_ =	shalt  }
0x53: {  	_ =	shalt  }
0x54: {  	_ =	shalt  }
0x55: {  	_ =	shalt  }
0x56: {  	_ =	shalt  }
0x57: {  	_ =	shalt  }
0x58: {  	_ =	shalt  }
0x59: {  	_ =	shalt  }
0x5a: {  	_ =	shalt  }
0x5b: {  	_ =	shalt  }
0x5c: {  	_ =	shalt  }
0x5d: {  	_ =	shalt  }
0x5e: {  	_ =	shalt  }
0x5f: {  	_ =	shalt  }
0x60: {  	_ =	shalt  }
0x61: {  	_ =	shalt  }
0x62: {  	_ =	shalt  }
0x63: {  	_ =	shalt  }
0x64: {  	_ =	shalt  }
0x65: {  	_ =	shalt  }
0x66: {  	_ =	shalt  }
0x67: {  	_ =	shalt  }
0x68: {  	_ =	shalt  }
0x69: {  	_ =	shalt  }
0x6a: {  	_ =	shalt  }
0x6b: {  	_ =	shalt  }
0x6c: {  	_ =	shalt  }
0x6d: {  	_ =	shalt  }
0x6e: {  	_ =	shalt  }
0x6f: {  	_ =	shalt  }
0x70: {  	_ =	shalt  }
0x71: {  	_ =	shalt  }
0x72: {  	_ =	shalt  }
0x73: {  	_ =	shalt  }
0x74: {  	_ =	shalt  }
0x75: {  	_ =	shalt  }
0x76: {  	_ =	shalt  }
0x77: {  	_ =	shalt  }
0x78: {  	_ =	shalt  }
0x79: {  	_ =	shalt  }
0x7a: {  	_ =	shalt  }
0x7b: {  	_ =	shalt  }
0x7c: {  	_ =	shalt  }
0x7d: {  	_ =	shalt  }
0x7e: {  	_ =	shalt  }
0x7f: {  	_ =	shalt  }
0x80: {  	_ =	shalt  }
0x81: {  	_ =	shalt  }
0x82: {  	_ =	shalt  }
0x83: {  	_ =	shalt  }
0x84: {  	_ =	shalt  }
0x85: {  	_ =	shalt  }
0x86: {  	_ =	shalt  }
0x87: {  	_ =	shalt  }
.Lfunc_end0:
.L_simem_size_0:
called_computation_lowered:
.L_overlay_start_0:
0x88: {  	s2 =	sld [smem:$0x3FD9]  }
0x89: {  	s3 =	sld [smem:$0x3FFE];
	_ =	sdelay $0x1  }
0x8a: {  	s1 =	srdreg.scid  }
0x8b: {  	s0 =	sand.u32 $0x1, s1  }
0x8c: {  	s16 =	sshll.u32 s0, $0xA;
	s2 =	sadd.s32 s3, s2  }
0x8d: {  	s2 =	sadd.s32 s2, s16  }
0x8e: {  	[smem:$0x3FC0] =	sst s2  }
0x8f: {  	_ = 	snop  }
0x90: {  	(tm) =	ssettm $0x1  }
0x91: {  	s17 =	sld [smem:$0x3FFB];
	_ =	sdelay $0x3  }
0x92: {  	_ =	strace s17  }
0x93: {  	s2 =	sld [smem:$0x3FFC];
	_ =	sdelay $0x3  }
0x94: {  	_ =	strace s2  }
0x95: {  	s2 =	sld [smem:$0x3FFD];
	_ =	sdelay $0x3  }
0x96: {  	_ =	strace s2  }
0x97: {  	_ =	strace $0x8FFFFFFF  }
0x98: {  	s18 =	sld [smem:$0x3FDB];
	_ =	sdelay $0x1  }
0x99: {  	s19 =	simm.s32 $_scs_section_size  }
0x9a: {  	s4 =	simm.s32 $_size__tile_overlayer_lowered;
	s5 =	simm.s32 $_tile_overlayer_lowered  }
0x9b: {  	s22 =	simm.s32 $0x1BFF;
	s21 =	sshll.u32 s5, $0x1;
	s2 =	sadd.s32 s19, s18  }
0x9c: {  	s6 =	simm.s32 $0x0;
	s20 =	sshll.u32 s4, $0x1;
	s4 =	sadd.s32 s21, s2  }
0x9d: {  	[timem:s6], [sflag:s22] =	dma.local [hbm:s4], s20  }
0x9e: {  	_ =	swait.ge [sflag:s22], s20  }
0x9f: {  	s3 =	ssub.s32 $0x0, s20;
	[sflag:s22] =	ssyncset.done $0x0  }
0xa0: {  	[sflag:s22] =	ssyncadd.s32 s3;
	_ =	sdelay $0x1  }
0xa1: {  	s23 =	simm.s32 $0x1B8B  }
0xa2: {  	_ =	swait.ge [sflag:s23], $0x1  }
0xa3: {  	[sflag:s23] =	ssyncset.done $0x0  }
0xa4: {  	s25 =	simm.s32 $0x1B8E;
	s24 =	sld [smem:$0x3FFE];
	[sflag:s23] =	ssyncadd.s32 $0xFFFFFFFF  }
0xa5: {  	s26 =	simm.s32 $execute0_lowered;
	[smem:$0x3FD2] =	sst s25  }
0xa6: {  	s4 =	sshll.u32 s26, $0x1;
	_ =	strace $0x80000046;
	[dreg:$0x1] =	wrdreg $0xFFFFFFFF  }
0xa7: {  	s28 =	simm.s32 $_size_execute0_lowered;
	s2 =	sadd.s32 s2, s4;
	[dreg:$0x0] =	wrdreg $0x0  }
0xa8: {  	s4 =	sshll.u32 s28, $0x1;
	[dreg:$0x2] =	wrdreg s2  }
0xa9: {  	[dreg:$0x3] =	wrdreg s4  }
0xaa: {  	[dreg:$0x4] =	wrdreg $0xC0  }
0xab: {  	_ =	task [dreg:s6], $0x5FFFF  }
0xac: {  	[dreg:$0x1] =	wrdreg $0xFFFFFFFF  }
0xad: {  	[dreg:$0x0] =	wrdreg $0x60  }
0xae: {  	[dreg:$0x2] =	wrdreg s24  }
0xaf: {  	[dreg:$0x3] =	wrdreg $0xA8000  }
0xb0: {  	[dreg:$0x4] =	wrdreg $0x9  }
0xb1: {  	_ =	task.clear_ibuf [dreg:s6], $0x5FFFF;
	_ =	strace $0x90000046  }
0xb2: {  	s29 =	simm.s32 $0x9;
	_ =	strace $0x80000048  }
0xb3: {  	_ =	swait.ge [sflag:s29], $0x1  }
0xb4: {  	[sflag:s29] =	ssyncadd.s32 $0xFFFFFFFF  }
0xb5: {  	_ =	strace $0x90000048  }
0xb6: {  	_ =	sfence  }
0xb7: {  	s30 =	sld [smem:$0x0];
	_ =	sdelay $0x2  }
0xb8: {  	s31 =	sshll.u32 s1, $0xD;
	s1 =	sshrl.u32 s1, $0x2  }
0xb9: {  	s3 =	sand.u32 $0x4000, s31;
	s1 =	sadd.s32 s1, s30  }
0xba: {  	s0 =	sor.u32 s3, s0;
	s1 =	sshll.u32 s1, $0x11  }
0xbb: {  	s0 =	sor.u32 s1, s0  }
0xbc: {  	s0 =	sadd.s32 $0x8F2B, s0  }
0xbd: {  	[sflag:s0] =	ssyncadd.remote.s32 $0x1  }
0xbe: {  	_ =	sfence.sel $0xFFFF  }
0xbf: {  	[dreg:$0x0] =	wrdreg $0xFFFFFFFF;
	(pc) =	sbr.abs _section_cstart, $3  }
0xc0: {  	[dreg:$0x1] =	wrdreg $0xFFFFFFFF  }
0xc1: {  	_ =	task.clear_ibuf [dreg:s6], $0x2FFFF;
	_ =	strace $0x9FFFFFFF  }
0xc2: {  	(tm) =	ssettm $0x7FFFFFFF  }
0xc3: {  	_ =	shalt  }
tec
execute0_lowered:
.L_overlay_start_1:
0x0: {  	(tag) =	ssettag $0x1  }
0x1: {  	s5 =	rddreg [dreg:$0x0];
	s3 =	srdreg.scid  }
0x2: {  	s1 =	rddreg [dreg:$0x1];
	s6 =	sand.u32 $0x1, s3  }
0x3: {  	s0 =	rddreg [dreg:$0x2];
	s4 =	smul.u32 $0xA000, s6  }
0x4: {  	s2 =	simm.s32 $0x0;
	s3 =	stileid.u32;
	s7 =	smul.u32 $0x28000, s6  }
0x5: {  	s15 =	simm.s32 $0x80;
	s16 =	simm.s32 $0x1;
	s8 =	smul.u32 $0x50000, s3  }
0x6: {  	s17 =	simm.s32 $0x2;
	[smem:$0x7FF] =	sst s2;
	s13 =	smul.u32 $0x5000, s3  }
0x7: {  	s22 =	simm.s32 $0x0;
	_ =	strace $0x80000047;
	s14 =	smul.u32 $0xA00, s3  }
0x8: {  	s6 =	ssub.s32 $0x2, s6;
	s21 =	smul.u32 $0x2800, s3;
	s31 =	sshll.u32 s3, $0x6  }
0x9: {  	s28 =	sshrl.u32 s6, $0x1;
	s10 =	sadd.s32 s4, s5;
	s4 =	sadd.s32 $0x2AE00, s5  }
0xa: {  	s11 =	sadd.s32 s7, s5;
	s29 =	sshrl.u32 s8, $0x2;
	s12 =	ssub.s32 s6, s28  }
0xb: {  	s30 =	sshrl.u32 s13, $0x3;
	s13 =	simm.s32 $0x6800;
	s5 =	sadd.s32 s29, s1  }
0xc: {  	s18 =	sadd.s32 $0x16E00, s10;
	s19 =	sadd.s32 $0x500, s30;
	s20 =	sadd.s32 $0x2B600, s11  }
0xd: {  	s10 =	smax.u32 s12, $0x1;
	s11 =	simm.s32 $0x2800;
	s12 =	simm.s32 $0x3  }
0xe: {  	s6 =	sadd.s32 $0x4000, s5;
	s7 =	sadd.s32 $0x8000, s5;
	s8 =	sadd.s32 $0xC000, s5  }
0xf: {  	s9 =	sadd.s32 $0x10000, s5;
	s14 =	sadd.s32 s14, s18;
	s18 =	sadd.s32 s19, s18  }
0x10: {  	v0 =	vimm.f32 $0.0e+00;
	s19 =	sadd.s32 s21, s20;
	s20 =	sor.u32 $0x1C03, s31;
	s21 =	sshrl.u32 s5, $0x3  }
.LBB2_1:
0x11: {  	[tilespmem:s11], [sflag:$0x3] =	stream.linear.gather [hbm4b:s4+s2], $0x4000, $0x38;
	[tilespmem:$0x1E800] =	vst v63  }
0x12: {  	_ =	swait.ge [sflag:s12], $0x4000  }
0x13: {  	[sflag:s12] =	ssyncset.done $0x0  }
0x14: {  	s23 =	simm.s32 $0x0;
	s24 =	simm.s32 $0x200;
	[sflag:s12] =	ssyncadd.s32 $0xFFFFC000  }
.LBB2_2:
0x15: {  	p0 =	sne.s32 s24, $0xFE00;
	[tilespmem:s23+$0x6870] =	vst v0  }
0x16: {  	[tilespmem:s23+$0x6800] =	vst v0  }
0x17: {  	[tilespmem:s23+$0x6810] =	vst v0  }
.Ltmp0:
0x18: {  	[tilespmem:s23+$0x6820] =	vst v0;
	(pc) =	sbr.rel @p0 .LBB2_2-.Ltmp0, $4  }
0x19: {  	[tilespmem:s23+$0x6830] =	vst v0  }
0x1a: {  	[tilespmem:s23+$0x6840] =	vst v0  }
0x1b: {  	[tilespmem:s23+$0x6850] =	vst v0  }
0x1c: {  	[tilespmem:s23+$0x6860] =	vst v0;
	s23 =	sshra.s32 s24, $0x2;
	s24 =	sadd.s32 $0x200, s24  }
0x1d: {  	[tilespmem:s23+$0x6870] =	vst v0  }
0x1e: {  	[tilespmem:s23+$0x6800] =	vst v0  }
0x1f: {  	[tilespmem:s23+$0x6810] =	vst v0  }
0x20: {  	[tilespmem:s23+$0x6820] =	vst v0  }
0x21: {  	[tilespmem:s23+$0x6830] =	vst v0  }
0x22: {  	[tilespmem:s23+$0x6840] =	vst v0  }
0x23: {  	[tilespmem:s23+$0x6850] =	vst v0  }
0x24: {  	[tilespmem:s23+$0x6860] =	vst v0  }
0x25: {  	[spmem:s5] =	stream.linear.scatter [tilespmem:s13], [sflag:$0x3], $0x4000, $0x38;
	[tilespmem:$0x1E800] =	vst v63  }
0x26: {  	_ =	swait.ge [sflag:s12], $0x4000  }
0x27: {  	[sflag:s12] =	ssyncset.done $0x0  }
0x28: {  	[sflag:s12] =	ssyncadd.s32 $0xFFFFC000  }
0x29: {  	[spmem:s6] =	stream.linear.scatter [tilespmem:s13], [sflag:$0x3], $0x4000, $0x38;
	[tilespmem:$0x1E800] =	vst v63  }
0x2a: {  	_ =	swait.ge [sflag:s12], $0x4000  }
0x2b: {  	[sflag:s12] =	ssyncset.done $0x0  }
0x2c: {  	[sflag:s12] =	ssyncadd.s32 $0xFFFFC000  }
0x2d: {  	[spmem:s7] =	stream.linear.scatter [tilespmem:s13], [sflag:$0x3], $0x4000, $0x38;
	[tilespmem:$0x1E800] =	vst v63  }
0x2e: {  	_ =	swait.ge [sflag:s12], $0x4000  }
0x2f: {  	[sflag:s12] =	ssyncset.done $0x0  }
0x30: {  	[sflag:s12] =	ssyncadd.s32 $0xFFFFC000  }
0x31: {  	[spmem:s8] =	stream.linear.scatter [tilespmem:s13], [sflag:$0x3], $0x4000, $0x38;
	[tilespmem:$0x1E800] =	vst v63  }
0x32: {  	_ =	swait.ge [sflag:s12], $0x4000  }
0x33: {  	[sflag:s12] =	ssyncset.done $0x0  }
0x34: {  	[sflag:s12] =	ssyncadd.s32 $0xFFFFC000  }
0x35: {  	[spmem:s9] =	stream.linear.scatter [tilespmem:s13], [sflag:$0x3], $0x4000, $0x38;
	[tilespmem:$0x1E800] =	vst v63  }
0x36: {  	_ =	swait.ge [sflag:s12], $0x4000  }
0x37: {  	[sflag:s12] =	ssyncset.done $0x0  }
0x38: {  	[sflag:s12] =	ssyncadd.s32 $0xFFFFC000  }
0x39: {  	[bflag:$0x0] =	sbarrier.arrive $0xFFFF  }
0x3a: {  	[tilespmem:s2], [sflag:$0x3] =	stream.linear.gather [hbm4b:s14+s2], $0x2800, $0x38;
	[tilespmem:$0x1E800] =	vst v63  }
0x3b: {  	_ =	swait.ge [sflag:s12], $0x2800  }
0x3c: {  	[sflag:s12] =	ssyncset.done $0x0  }
0x3d: {  	[sflag:s12] =	ssyncadd.s32 $0xFFFFD800  }
0x3e: {  	[spmem:s1] =	stream.indirect.scatter.add.f32 [tilespmem:s11], [sflag:$0x1], $0x80, s2, s15, $0xb8;
	[tilespmem:$0x1E800] =	vst v63  }
0x3f: {  	_ = 	snop  }
0x40: {  	[spmem:s1] =	stream.indirect.scatter.add.f32 [tilespmem:s11], [sflag:$0x2], $0x80, s15, s15, $0xb8;
	[tilespmem:$0x1E800] =	vst v63  }
0x41: {  	_ =	swait.ge [sflag:s16], $0x4000  }
0x42: {  	[sflag:s16] =	ssyncset.done $0x0  }
0x43: {  	s31 =	simm.s32 $0x100;
	[sflag:s16] =	ssyncadd.s32 $0xFFFFC000  }
0x44: {  	[spmem:s1] =	stream.indirect.scatter.add.f32 [tilespmem:s11], [sflag:$0x1], $0x80, s31, s15, $0xb8;
	[tilespmem:$0x1E800] =	vst v63  }
0x45: {  	_ =	swait.ge [sflag:s17], $0x4000  }
0x46: {  	[sflag:s17] =	ssyncset.done $0x0  }
0x47: {  	s23 =	simm.s32 $0xFFFF6800;
	s24 =	simm.s32 $0x180;
	[sflag:s17] =	ssyncadd.s32 $0xFFFFC000  }
.LBB2_4:
0x48: {  	[spmem:s1] =	stream.indirect.scatter.add.f32 [tilespmem:s11], [sflag:$0x2], $0x80, s24, s15, $0xb8;
	[tilespmem:$0x1E800] =	vst v63  }
0x49: {  	s24 =	smov.u32 s23  }
0x4a: {  	p0 =	sne.s32 s23, $0xFFFFFC00;
	s23 =	sadd.s32 $0x400, s23;
	_ =	swait.ge [sflag:s16], $0x4000  }
0x4b: {  	s24 =	sshra.s32 s24, $0x2;
	[sflag:s16] =	ssyncset.done $0x0  }
.Ltmp1:
0x4c: {  	s25 =	sadd.s32 $0x2800, s24;
	[sflag:s16] =	ssyncadd.s32 $0xFFFFC000;
	(pc) =	sbr.rel @p0 .LBB2_4-.Ltmp1, $4  }
0x4d: {  	[spmem:s1] =	stream.indirect.scatter.add.f32 [tilespmem:s11], [sflag:$0x1], $0x80, s25, s15, $0xb8;
	[tilespmem:$0x1E800] =	vst v63  }
0x4e: {  	_ =	swait.ge [sflag:s17], $0x4000  }
0x4f: {  	[sflag:s17] =	ssyncset.done $0x0  }
0x50: {  	s24 =	sadd.s32 $0x2880, s24;
	[sflag:s17] =	ssyncadd.s32 $0xFFFFC000  }
0x51: {  	[spmem:s1] =	stream.indirect.scatter.add.f32 [tilespmem:s11], [sflag:$0x2], $0x80, s24, s15, $0xb8;
	[tilespmem:$0x1E800] =	vst v63  }
0x52: {  	_ =	swait.ge [sflag:s16], $0x4000  }
0x53: {  	[sflag:s16] =	ssyncset.done $0x0  }
0x54: {  	[sflag:s16] =	ssyncadd.s32 $0xFFFFC000  }
0x55: {  	_ =	swait.ge [sflag:s17], $0x4000  }
0x56: {  	[sflag:s17] =	ssyncset.done $0x0  }
0x57: {  	[sflag:s17] =	ssyncadd.s32 $0xFFFFC000  }
0x58: {  	[tilespmem:s2], [sflag:$0x3] =	stream.linear.gather [hbm4b:s18+s2], $0x2800, $0x38;
	[tilespmem:$0x1E800] =	vst v63  }
0x59: {  	_ =	swait.ge [sflag:s12], $0x2800  }
0x5a: {  	[sflag:s12] =	ssyncset.done $0x0  }
0x5b: {  	[sflag:s12] =	ssyncadd.s32 $0xFFFFD800  }
0x5c: {  	[spmem:s1] =	stream.indirect.scatter.add.f32 [tilespmem:s11], [sflag:$0x1], $0x80, s2, s15, $0xb8;
	[tilespmem:$0x1E800] =	vst v63  }
0x5d: {  	_ = 	snop  }
0x5e: {  	[spmem:s1] =	stream.indirect.scatter.add.f32 [tilespmem:s11], [sflag:$0x2], $0x80, s15, s15, $0xb8;
	[tilespmem:$0x1E800] =	vst v63  }
0x5f: {  	_ =	swait.ge [sflag:s16], $0x4000  }
0x60: {  	[sflag:s16] =	ssyncset.done $0x0  }
0x61: {  	s23 =	simm.s32 $0x100;
	[sflag:s16] =	ssyncadd.s32 $0xFFFFC000  }
0x62: {  	[spmem:s1] =	stream.indirect.scatter.add.f32 [tilespmem:s11], [sflag:$0x1], $0x80, s23, s15, $0xb8;
	[tilespmem:$0x1E800] =	vst v63  }
0x63: {  	_ =	swait.ge [sflag:s17], $0x4000  }
0x64: {  	[sflag:s17] =	ssyncset.done $0x0  }
0x65: {  	s24 =	simm.s32 $0x180;
	s23 =	simm.s32 $0xFFFF6800;
	[sflag:s17] =	ssyncadd.s32 $0xFFFFC000  }
.LBB2_6:
0x66: {  	[spmem:s1] =	stream.indirect.scatter.add.f32 [tilespmem:s11], [sflag:$0x2], $0x80, s24, s15, $0xb8;
	[tilespmem:$0x1E800] =	vst v63  }
0x67: {  	s24 =	smov.u32 s23  }
0x68: {  	p0 =	sne.s32 s23, $0xFFFFFC00;
	s23 =	sadd.s32 $0x400, s23;
	_ =	swait.ge [sflag:s16], $0x4000  }
0x69: {  	s24 =	sshra.s32 s24, $0x2;
	[sflag:s16] =	ssyncset.done $0x0  }
.Ltmp2:
0x6a: {  	s25 =	sadd.s32 $0x2800, s24;
	[sflag:s16] =	ssyncadd.s32 $0xFFFFC000;
	(pc) =	sbr.rel @p0 .LBB2_6-.Ltmp2, $4  }
0x6b: {  	[spmem:s1] =	stream.indirect.scatter.add.f32 [tilespmem:s11], [sflag:$0x1], $0x80, s25, s15, $0xb8;
	[tilespmem:$0x1E800] =	vst v63  }
0x6c: {  	_ =	swait.ge [sflag:s17], $0x4000  }
0x6d: {  	[sflag:s17] =	ssyncset.done $0x0  }
0x6e: {  	s24 =	sadd.s32 $0x2880, s24;
	[sflag:s17] =	ssyncadd.s32 $0xFFFFC000  }
0x6f: {  	[spmem:s1] =	stream.indirect.scatter.add.f32 [tilespmem:s11], [sflag:$0x2], $0x80, s24, s15, $0xb8;
	[tilespmem:$0x1E800] =	vst v63  }
0x70: {  	_ =	swait.ge [sflag:s16], $0x4000  }
0x71: {  	[sflag:s16] =	ssyncset.done $0x0  }
0x72: {  	[sflag:s16] =	ssyncadd.s32 $0xFFFFC000  }
0x73: {  	_ =	swait.ge [sflag:s17], $0x4000  }
0x74: {  	s22 =	sadd.s32 $0x1, s22;
	[sflag:s17] =	ssyncset.done $0x0  }
0x75: {  	p0 =	sne.s32 s22, s10;
	[sflag:s17] =	ssyncadd.s32 $0xFFFFC000  }
.Ltmp3:
0x76: {  	[bflag:$0x0] =	sbarrier.arrive $0xFFFF;
	(pc) =	sbr.rel @p0 .LBB2_1-.Ltmp3, $4  }
0x77: {  	[hbm:s19], [sflag:s20] =	dma.local [spmem:s21], $0x2800  }
0x78: {  	_ =	swait.ge [sflag:s12], $0x2800  }
0x79: {  	[sflag:s12] =	ssyncset.done $0x0  }
0x7a: {  	[sflag:s12] =	ssyncadd.s32 $0xFFFFD800  }
0x7b: {  	_ =	sfence.sel $0x180000  }
0x7c: {  	[bflag:$0x0] =	sbarrier.arrive $0xFFFF  }
0x7d: {  	p0 =	sne.s32 s3, $0x0;
	_ =	strace $0x90000047  }
0x7e: {  	s0 =	sadd.s32 @!p0 $0x100000, s0;
	[bflag:$0x2] =	sbarrier.arrive $0xFFFF  }
0x7f: {  	[sflag:s0] =	ssyncadd.tile.s32 @!p0 $0x1;
	_ =	shalt  }
.Lfunc_end2:
_tile_overlayer_lowered:
.L_overlay_start_2:
0x80: {  	(tag) =	ssettag $0x2  }
0x81: {  	s0 =	rddreg [dreg:$0x0];
	s2 =	stileid.u32  }
0x82: {  	s1 =	rddreg [dreg:$0x1];
	p0 =	sne.s32 s2, $0x0  }
0x83: {  	s3 =	rddreg [dreg:$0x2];
	[bflag:$0x3] =	sbarrier.arrive $0xFFFF;
	s2 =	simm.s32 @!p0 $0x1C03  }
0x84: {  	[timem:s3], [sflag:s2] =	dma.local @!p0 [hbm:s0], s1  }
0x85: {  	s0 =	simm.s32 @!p0 $0x3  }
0x86: {  	_ =	swait.ge @!p0 [sflag:s0], s1  }
0x87: {  	s1 =	ssub.s32 @!p0 $0x0, s1;
	[sflag:s0] =	ssyncset.done @!p0 $0x0  }
0x88: {  	[sflag:s0] =	ssyncadd.s32 @!p0 s1  }
0x89: {  	[bflag:$0x3] =	sbarrier.arrive $0xFFFF  }
0x8a: {  	_ =	shalt  }

// kernel: kernel.13.cloned.1.call-start
scs
__scs_entry_jumppad:
0x0: {  	(pc) =	sbr.rel $0x88, $3  }
0x1: {  	(tag) =	ssettag $0x0;
	lr =	simm.s32 $0x1  }
0x2: {  	[smem:$0x3F99] =	sst lr;
	_ =	strace $0xD0000000  }
0x3: {  	_ = 	snop  }
0x4: {  	_ = 	snop  }
0x5: {  	_ = 	snop  }
0x6: {  	_ = 	snop  }
0x7: {  	_ = 	snop  }
__scs_overlays_trampoline_lowered:
0x8: {  	[smem:$0x3FA8] =	sst s0  }
0x9: {  	[smem:$0x3FA9] =	sst s1  }
0xa: {  	[smem:$0x3FAA] =	sst s2  }
0xb: {  	[smem:$0x3FAB] =	sst s3  }
0xc: {  	[smem:$0x3FAC] =	sst s4  }
0xd: {  	[smem:$0x3FAD] =	sst s5  }
0xe: {  	[smem:$0x3FAE] =	sst s6  }
0xf: {  	[smem:$0x3FAF] =	sst s7  }
0x10: {  	[smem:$0x3FB0] =	sst s8  }
0x11: {  	[smem:$0x3FB1] =	sst s9;
	s0 =	simm.s32 @!p0 $0x0  }
0x12: {  	s1 =	sld [smem:$0x3F97];
	s0 =	simm.s32 @p0 $0x1  }
0x13: {  	[smem:$0x3FB2] =	sst s0;
	s0 =	simm.s32 @!p1 $0x0  }
0x14: {  	s2 =	sld [smem:$0x3F96];
	s0 =	simm.s32 @p1 $0x1  }
0x15: {  	[smem:$0x3FB3] =	sst s0;
	s0 =	simm.s32 @!p2 $0x0  }
0x16: {  	s3 =	sld [smem:$0x3FDB];
	s0 =	simm.s32 @p2 $0x1  }
0x17: {  	s4 =	simm.s32 $0x1BF5;
	[smem:$0x3FB5] =	sst s0  }
0x18: {  	s0 =	sld [smem:$0x3F98];
	_ =	swait.ge [sflag:s4], $0x0  }
0x19: {  	s7 =	sld [smem:$0x3F99]  }
0x1a: {  	s8 =	sadd.s32 $0xFFFFE003, lr  }
0x1b: {  	s9 =	sadd.s32 $0xFFFFFEF7, lr;
	s5 =	simm.s32 $0xFFFFFFFF;
	p2 =	slt.u32 s8, $0xFFFFF086  }
0x1c: {  	p1 =	slt.u32 s9, $0xF7A;
	s5 =	simm.s32 @!p2 $0x0  }
0x1d: {  	s5 =	simm.s32 @p1 $0x1;
	p0 =	seq.s32 s7, s2  }
0x1e: {  	s7 =	smul.u32 @!p0 $0xF7A, s2;
	p2 =	seq.s32 @!p0 s5, $0x0  }
0x1f: {  	s9 =	smul.u32 $0xF7A, s1;
	s8 =	simm.s32 @!p0 $0x1BF5;
	p2 =	por !p2, p0  }
0x20: {  	[sflag:s8] =	ssyncset.s32 @!p0 $0xFFFFF086;
	s6 =	sadd.s32 @!p0 s3, s7;
	s7 =	simm.s32 @!p0 $0x108  }
0x21: {  	s3 =	sadd.s32 s3, s9;
	s6 =	sadd.s32 @!p0 $0x88, s6;
	s7 =	simm.s32 @p2 $0x1082  }
0x22: {  	[simem:s7], [sflag:s8] =	dma.local @!p0 [hbm:s6], $0xF7A  }
0x23: {  	s9 =	sor.u32 $0xD0000000, s2;
	s6 =	simm.s32 $0x108;
	_ =	swait.ge @!p0 [sflag:s8], $0x0  }
0x24: {  	s3 =	sadd.s32 $0x88, s3;
	s6 =	simm.s32 @!p1 $0x1082;
	[sflag:s4] =	ssyncset.s32 $0xFFFFF086  }
0x25: {  	[simem:s6], [sflag:s4] =	dma.local [hbm:s3], $0xF7A  }
0x26: {  	[smem:$0x3F99] =	sst s1;
	(tag) =	ssettag s2;
	_ =	strace s9  }
0x27: {  	s1 =	sld [smem:$0x3FA9]  }
0x28: {  	s2 =	sld [smem:$0x3FAA]  }
0x29: {  	s4 =	sld [smem:$0x3FAC]  }
0x2a: {  	p0 =	seq.s32 s5, $0x0;
	s5 =	sld [smem:$0x3FAD]  }
0x2b: {  	s6 =	sld [smem:$0x3FAE]  }
0x2c: {  	s7 =	sld [smem:$0x3FAF]  }
0x2d: {  	s3 =	simm.s32 $0x108;
	s8 =	sld [smem:$0x3FB0]  }
0x2e: {  	s3 =	simm.s32 @!p0 $0x1082;
	s9 =	sld [smem:$0x3FB1]  }
0x2f: {  	lr =	sadd.s32 s0, s3;
	s0 =	sld [smem:$0x3FA8]  }
0x30: {  	s3 =	sld [smem:$0x3FAB]  }
0x31: {  	[smem:$0x3FB4] =	sst s10  }
0x32: {  	s10 =	sld [smem:$0x3FB2];
	_ =	sdelay $0x3  }
0x33: {  	p0 =	seq.s32 s10, $0x1;
	s10 =	sld [smem:$0x3FB4];
	_ =	sdelay $0x3  }
0x34: {  	[smem:$0x3FB4] =	sst s10  }
0x35: {  	s10 =	sld [smem:$0x3FB3];
	_ =	sdelay $0x3  }
0x36: {  	p1 =	seq.s32 s10, $0x1;
	s10 =	sld [smem:$0x3FB4];
	_ =	sdelay $0x3  }
0x37: {  	[smem:$0x3FB4] =	sst s10  }
0x38: {  	s10 =	sld [smem:$0x3FB5]  }
0x39: {  	_ = 	snop;
	(pc) =	sbr.ind lr, $3  }
0x3a: {  	_ = 	snop  }
0x3b: {  	_ = 	snop  }
0x3c: {  	p2 =	seq.s32 s10, $0x1;
	s10 =	sld [smem:$0x3FB4]  }
0x3d: {  	_ =	shalt  }
0x3e: {  	_ =	shalt  }
0x3f: {  	_ =	shalt  }
0x40: {  	_ =	shalt  }
0x41: {  	_ =	shalt  }
0x42: {  	_ =	shalt  }
0x43: {  	_ =	shalt  }
0x44: {  	_ =	shalt  }
0x45: {  	_ =	shalt  }
0x46: {  	_ =	shalt  }
0x47: {  	_ =	shalt  }
0x48: {  	_ =	shalt  }
0x49: {  	_ =	shalt  }
0x4a: {  	_ =	shalt  }
0x4b: {  	_ =	shalt  }
0x4c: {  	_ =	shalt  }
0x4d: {  	_ =	shalt  }
0x4e: {  	_ =	shalt  }
0x4f: {  	_ =	shalt  }
0x50: {  	_ =	shalt  }
0x51: {  	_ =	shalt  }
0x52: {  	_ =	shalt  }
0x53: {  	_ =	shalt  }
0x54: {  	_ =	shalt  }
0x55: {  	_ =	shalt  }
0x56: {  	_ =	shalt  }
0x57: {  	_ =	shalt  }
0x58: {  	_ =	shalt  }
0x59: {  	_ =	shalt  }
0x5a: {  	_ =	shalt  }
0x5b: {  	_ =	shalt  }
0x5c: {  	_ =	shalt  }
0x5d: {  	_ =	shalt  }
0x5e: {  	_ =	shalt  }
0x5f: {  	_ =	shalt  }
0x60: {  	_ =	shalt  }
0x61: {  	_ =	shalt  }
0x62: {  	_ =	shalt  }
0x63: {  	_ =	shalt  }
0x64: {  	_ =	shalt  }
0x65: {  	_ =	shalt  }
0x66: {  	_ =	shalt  }
0x67: {  	_ =	shalt  }
0x68: {  	_ =	shalt  }
0x69: {  	_ =	shalt  }
0x6a: {  	_ =	shalt  }
0x6b: {  	_ =	shalt  }
0x6c: {  	_ =	shalt  }
0x6d: {  	_ =	shalt  }
0x6e: {  	_ =	shalt  }
0x6f: {  	_ =	shalt  }
0x70: {  	_ =	shalt  }
0x71: {  	_ =	shalt  }
0x72: {  	_ =	shalt  }
0x73: {  	_ =	shalt  }
0x74: {  	_ =	shalt  }
0x75: {  	_ =	shalt  }
0x76: {  	_ =	shalt  }
0x77: {  	_ =	shalt  }
0x78: {  	_ =	shalt  }
0x79: {  	_ =	shalt  }
0x7a: {  	_ =	shalt  }
0x7b: {  	_ =	shalt  }
0x7c: {  	_ =	shalt  }
0x7d: {  	_ =	shalt  }
0x7e: {  	_ =	shalt  }
0x7f: {  	_ =	shalt  }
0x80: {  	_ =	shalt  }
0x81: {  	_ =	shalt  }
0x82: {  	_ =	shalt  }
0x83: {  	_ =	shalt  }
0x84: {  	_ =	shalt  }
0x85: {  	_ =	shalt  }
0x86: {  	_ =	shalt  }
0x87: {  	_ =	shalt  }
.Lfunc_end0:
.L_simem_size_0:
called_computation.1_lowered:
.L_overlay_start_0:
0x88: {  	s2 =	sld [smem:$0x3FD9]  }
0x89: {  	s3 =	sld [smem:$0x3FFE];
	_ =	sdelay $0x1  }
0x8a: {  	s1 =	srdreg.scid  }
0x8b: {  	s0 =	sand.u32 $0x1, s1  }
0x8c: {  	s16 =	sshll.u32 s0, $0xA;
	s2 =	sadd.s32 s3, s2  }
0x8d: {  	s2 =	sadd.s32 s2, s16  }
0x8e: {  	[smem:$0x3FC0] =	sst s2  }
0x8f: {  	_ = 	snop  }
0x90: {  	(tm) =	ssettm $0x1  }
0x91: {  	s17 =	sld [smem:$0x3FFB];
	_ =	sdelay $0x3  }
0x92: {  	_ =	strace s17  }
0x93: {  	s2 =	sld [smem:$0x3FFC];
	_ =	sdelay $0x3  }
0x94: {  	_ =	strace s2  }
0x95: {  	s2 =	sld [smem:$0x3FFD];
	_ =	sdelay $0x3  }
0x96: {  	_ =	strace s2  }
0x97: {  	_ =	strace $0x8FFFFFFF  }
0x98: {  	s18 =	sld [smem:$0x3FDB];
	_ =	sdelay $0x1  }
0x99: {  	s19 =	simm.s32 $_scs_section_size  }
0x9a: {  	s4 =	simm.s32 $_size__tile_overlayer_lowered;
	s5 =	simm.s32 $_tile_overlayer_lowered  }
0x9b: {  	s22 =	simm.s32 $0x1BFF;
	s21 =	sshll.u32 s5, $0x1;
	s2 =	sadd.s32 s19, s18  }
0x9c: {  	s6 =	simm.s32 $0x0;
	s20 =	sshll.u32 s4, $0x1;
	s4 =	sadd.s32 s21, s2  }
0x9d: {  	[timem:s6], [sflag:s22] =	dma.local [hbm:s4], s20  }
0x9e: {  	_ =	swait.ge [sflag:s22], s20  }
0x9f: {  	s3 =	ssub.s32 $0x0, s20;
	[sflag:s22] =	ssyncset.done $0x0  }
0xa0: {  	[sflag:s22] =	ssyncadd.s32 s3;
	_ =	sdelay $0x1  }
0xa1: {  	s23 =	simm.s32 $0x1B8B  }
0xa2: {  	_ =	swait.ge [sflag:s23], $0x1  }
0xa3: {  	[sflag:s23] =	ssyncset.done $0x0  }
0xa4: {  	s25 =	simm.s32 $0x1B8E;
	s24 =	sld [smem:$0x3FFE];
	[sflag:s23] =	ssyncadd.s32 $0xFFFFFFFF  }
0xa5: {  	s26 =	simm.s32 $execute0_lowered;
	[smem:$0x3FD2] =	sst s25  }
0xa6: {  	s4 =	sshll.u32 s26, $0x1;
	_ =	strace $0x80000049;
	[dreg:$0x1] =	wrdreg $0xFFFFFFFF  }
0xa7: {  	s28 =	simm.s32 $_size_execute0_lowered;
	s2 =	sadd.s32 s2, s4;
	[dreg:$0x0] =	wrdreg $0x0  }
0xa8: {  	s4 =	sshll.u32 s28, $0x1;
	[dreg:$0x2] =	wrdreg s2  }
0xa9: {  	[dreg:$0x3] =	wrdreg s4  }
0xaa: {  	[dreg:$0x4] =	wrdreg $0xC0  }
0xab: {  	_ =	task [dreg:s6], $0x5FFFF  }
0xac: {  	[dreg:$0x1] =	wrdreg $0xFFFFFFFF  }
0xad: {  	[dreg:$0x0] =	wrdreg $0x60  }
0xae: {  	[dreg:$0x2] =	wrdreg s24  }
0xaf: {  	[dreg:$0x3] =	wrdreg $0xAA000  }
0xb0: {  	[dreg:$0x4] =	wrdreg $0x9  }
0xb1: {  	_ =	task.clear_ibuf [dreg:s6], $0x5FFFF;
	_ =	strace $0x90000049  }
0xb2: {  	s29 =	simm.s32 $0x9;
	_ =	strace $0x8000004B  }
0xb3: {  	_ =	swait.ge [sflag:s29], $0x1  }
0xb4: {  	[sflag:s29] =	ssyncadd.s32 $0xFFFFFFFF  }
0xb5: {  	_ =	strace $0x9000004B  }
0xb6: {  	_ =	sfence  }
0xb7: {  	s30 =	sld [smem:$0x0];
	_ =	sdelay $0x2  }
0xb8: {  	s31 =	sshll.u32 s1, $0xD;
	s1 =	sshrl.u32 s1, $0x2  }
0xb9: {  	s3 =	sand.u32 $0x4000, s31;
	s1 =	sadd.s32 s1, s30  }
0xba: {  	s0 =	sor.u32 s3, s0;
	s1 =	sshll.u32 s1, $0x11  }
0xbb: {  	s0 =	sor.u32 s1, s0  }
0xbc: {  	s0 =	sadd.s32 $0x8F2B, s0  }
0xbd: {  	[sflag:s0] =	ssyncadd.remote.s32 $0x1  }
0xbe: {  	_ =	sfence.sel $0xFFFF  }
0xbf: {  	[dreg:$0x0] =	wrdreg $0xFFFFFFFF;
	(pc) =	sbr.abs _section_cstart, $3  }
0xc0: {  	[dreg:$0x1] =	wrdreg $0xFFFFFFFF  }
0xc1: {  	_ =	task.clear_ibuf [dreg:s6], $0x2FFFF;
	_ =	strace $0x9FFFFFFF  }
0xc2: {  	(tm) =	ssettm $0x7FFFFFFF  }
0xc3: {  	_ =	shalt  }
tec
execute0_lowered:
.L_overlay_start_1:
0x0: {  	(tag) =	ssettag $0x1  }
0x1: {  	s1 =	rddreg [dreg:$0x0]  }
0x2: {  	s0 =	srdreg.scid;
	s2 =	rddreg [dreg:$0x1]  }
0x3: {  	s14 =	stileid.u32;
	s3 =	simm.s32 $0x0;
	s16 =	simm.s32 $0x2A00  }
0x4: {  	s17 =	simm.s32 $0x5;
	s18 =	simm.s32 $0x80;
	s19 =	simm.s32 $0x2800  }
0x5: {  	s20 =	simm.s32 $0x1;
	s21 =	simm.s32 $0x2;
	s22 =	simm.s32 $0x6A00  }
0x6: {  	s23 =	simm.s32 $0x2880;
	s25 =	simm.s32 $0x3;
	s5 =	smul.u32 $0x50000, s14  }
0x7: {  	s29 =	simm.s32 $0x4;
	s30 =	simm.s32 $0x0;
	s15 =	smul.u32 $0x500, s14  }
0x8: {  	s0 =	sand.u32 $0x1, s0;
	[smem:$0x7FF] =	sst s3;
	s24 =	smul.u32 $0x2800, s14  }
0x9: {  	s13 =	sadd.s32 $0xCE00, s1;
	s4 =	sshll.u32 s0, $0x4;
	s6 =	smul.u32 $0x28000, s0  }
0xa: {  	_ =	strace $0x8000004A;
	s7 =	ssub.s32 $0x2, s0;
	s0 =	smul.u32 $0x5000, s0  }
0xb: {  	s4 =	sor.u32 s14, s4;
	s8 =	sshrl.u32 s7, $0x1;
	s5 =	sshrl.u32 s5, $0x2  }
0xc: {  	s11 =	smul.u32 $0x500, s4;
	s4 =	sadd.s32 $0x16E00, s1;
	s5 =	sadd.s32 s5, s2  }
0xd: {  	s12 =	ssub.s32 s7, s8;
	s0 =	sadd.s32 s0, s13;
	s7 =	sadd.s32 $0x8000, s5  }
.Ltmp0:
0xe: {  	s8 =	sadd.s32 $0xC000, s5;
	s9 =	sadd.s32 $0x10000, s5;
	(pc) =	sbr.rel .LBB2_1-.Ltmp0, $4  }
0xf: {  	s12 =	smax.u32 s12, $0x1;
	s0 =	sadd.s32 s15, s0;
	s10 =	sadd.s32 s11, s1  }
0x10: {  	s1 =	sadd.s32 s6, s1;
	s6 =	sadd.s32 $0x4000, s5;
	s11 =	sadd.s32 s13, s11  }
0x11: {  	s0 =	sadd.s32 $0x40, s0;
	s10 =	sadd.s32 $0x2E00, s10;
	s1 =	sadd.s32 $0x3EE00, s1  }
0x12: {  	v0 =	vimm.f32 $0.0e+00;
	s13 =	sadd.s32 $0x10, s11;
	s14 =	sadd.s32 $0x20, s11;
	s24 =	sadd.s32 s24, s1  }
.LBB2_6:
0x13: {  	_ =	swait.ge [sflag:s29], $0x4000;
	s1 =	stileid.u32  }
0x14: {  	s15 =	sshrl.u32 s5, $0x3;
	s30 =	sadd.s32 $0x1, s30;
	[sflag:s29] =	ssyncset.done $0x0  }
0x15: {  	s1 =	sshll.u32 s1, $0x6;
	p0 =	sne.s32 s30, s12;
	[sflag:s29] =	ssyncadd.s32 $0xFFFFC000  }
.Ltmp1:
0x16: {  	s1 =	sor.u32 $0x1C05, s1;
	[bflag:$0x0] =	sbarrier.arrive $0xFFFF;
	(pc) =	sbr.rel @!p0 .LBB2_7-.Ltmp1, $4  }
0x17: {  	[hbm:s24], [sflag:s1] =	dma.local [spmem:s15], $0x2800  }
0x18: {  	_ =	swait.ge [sflag:s17], $0x2800  }
0x19: {  	[sflag:s17] =	ssyncset.done $0x0  }
0x1a: {  	[sflag:s17] =	ssyncadd.s32 $0xFFFFD800  }
.LBB2_1:
0x1b: {  	s15 =	simm.s32 $0x0;
	s1 =	simm.s32 $0x200  }
.LBB2_2:
0x1c: {  	p0 =	sne.s32 s1, $0xFE00;
	[tilespmem:s15+$0x2A70] =	vst v0  }
0x1d: {  	[tilespmem:s15+$0x2A00] =	vst v0  }
0x1e: {  	[tilespmem:s15+$0x2A10] =	vst v0  }
.Ltmp2:
0x1f: {  	[tilespmem:s15+$0x2A20] =	vst v0;
	(pc) =	sbr.rel @p0 .LBB2_2-.Ltmp2, $4  }
0x20: {  	[tilespmem:s15+$0x2A30] =	vst v0  }
0x21: {  	[tilespmem:s15+$0x2A40] =	vst v0  }
0x22: {  	[tilespmem:s15+$0x2A50] =	vst v0  }
0x23: {  	[tilespmem:s15+$0x2A60] =	vst v0;
	s15 =	sshra.s32 s1, $0x2;
	s1 =	sadd.s32 $0x200, s1  }
0x24: {  	[tilespmem:s15+$0x2A70] =	vst v0  }
0x25: {  	[tilespmem:s15+$0x2A00] =	vst v0  }
0x26: {  	[tilespmem:s15+$0x2A10] =	vst v0  }
0x27: {  	[tilespmem:s15+$0x2A20] =	vst v0  }
0x28: {  	[tilespmem:s15+$0x2A30] =	vst v0  }
0x29: {  	[tilespmem:s15+$0x2A40] =	vst v0  }
0x2a: {  	[tilespmem:s15+$0x2A50] =	vst v0  }
0x2b: {  	[tilespmem:s15+$0x2A60] =	vst v0  }
0x2c: {  	[spmem:s5] =	stream.linear.scatter [tilespmem:s16], [sflag:$0x5], $0x4000, $0x38;
	[tilespmem:$0x1EA00] =	vst v63  }
0x2d: {  	_ =	swait.ge [sflag:s17], $0x4000  }
0x2e: {  	[sflag:s17] =	ssyncset.done $0x0  }
0x2f: {  	[sflag:s17] =	ssyncadd.s32 $0xFFFFC000  }
0x30: {  	[spmem:s6] =	stream.linear.scatter [tilespmem:s16], [sflag:$0x5], $0x4000, $0x38;
	[tilespmem:$0x1EA00] =	vst v63  }
0x31: {  	_ =	swait.ge [sflag:s17], $0x4000  }
0x32: {  	[sflag:s17] =	ssyncset.done $0x0  }
0x33: {  	[sflag:s17] =	ssyncadd.s32 $0xFFFFC000  }
0x34: {  	[spmem:s7] =	stream.linear.scatter [tilespmem:s16], [sflag:$0x5], $0x4000, $0x38;
	[tilespmem:$0x1EA00] =	vst v63  }
0x35: {  	_ =	swait.ge [sflag:s17], $0x4000  }
0x36: {  	[sflag:s17] =	ssyncset.done $0x0  }
0x37: {  	[sflag:s17] =	ssyncadd.s32 $0xFFFFC000  }
0x38: {  	[spmem:s8] =	stream.linear.scatter [tilespmem:s16], [sflag:$0x5], $0x4000, $0x38;
	[tilespmem:$0x1EA00] =	vst v63  }
0x39: {  	_ =	swait.ge [sflag:s17], $0x4000  }
0x3a: {  	[sflag:s17] =	ssyncset.done $0x0  }
0x3b: {  	[sflag:s17] =	ssyncadd.s32 $0xFFFFC000  }
0x3c: {  	[spmem:s9] =	stream.linear.scatter [tilespmem:s16], [sflag:$0x5], $0x4000, $0x38;
	[tilespmem:$0x1EA00] =	vst v63  }
0x3d: {  	_ =	swait.ge [sflag:s17], $0x4000  }
0x3e: {  	[sflag:s17] =	ssyncset.done $0x0  }
0x3f: {  	[sflag:s17] =	ssyncadd.s32 $0xFFFFC000  }
0x40: {  	[tilespmem:s3], [sflag:$0x5] =	stream.linear.gather [hbm4b:s10+s3], $0x2800, $0x38;
	[tilespmem:$0x1EA00] =	vst v63  }
0x41: {  	_ =	swait.ge [sflag:s17], $0x2800  }
0x42: {  	[sflag:s17] =	ssyncset.done $0x0  }
0x43: {  	[sflag:s17] =	ssyncadd.s32 $0xFFFFD800  }
0x44: {  	[bflag:$0x0] =	sbarrier.arrive $0xFFFF  }
0x45: {  	[tilespmem:s16], [sflag:$0x1] =	stream.indirect.gather [hbm4b:s4+s18], $0x80, s3, s18, $0xb8;
	[tilespmem:$0x1EA00] =	vst v63  }
0x46: {  	_ = 	snop  }
0x47: {  	[tilespmem:s19], [sflag:$0x2] =	stream.linear.gather [hbm4b:s11+s3], $0x80, $0x38;
	[tilespmem:$0x1EA00] =	vst v63  }
0x48: {  	_ =	swait.ge [sflag:s20], $0x4000  }
0x49: {  	[sflag:s20] =	ssyncset.done $0x0  }
0x4a: {  	[sflag:s20] =	ssyncadd.s32 $0xFFFFC000  }
0x4b: {  	_ =	swait.ge [sflag:s21], $0x80  }
0x4c: {  	[sflag:s21] =	ssyncset.done $0x0  }
0x4d: {  	[sflag:s21] =	ssyncadd.s32 $0xFFFFFF80  }
0x4e: {  	[spmem:s2] =	stream.indirect.scatter.add.f32 [tilespmem:s16], [sflag:$0x3], $0x80, s19, s18, $0xb8;
	[tilespmem:$0x1EA00] =	vst v63  }
0x4f: {  	_ = 	snop  }
0x50: {  	[tilespmem:s22], [sflag:$0x1] =	stream.indirect.gather [hbm4b:s4+s18], $0x80, s18, s18, $0xb8;
	[tilespmem:$0x1EA00] =	vst v63  }
0x51: {  	_ = 	snop  }
0x52: {  	[tilespmem:s23], [sflag:$0x2] =	stream.linear.gather [hbm4b:s13+s3], $0x80, $0x38;
	[tilespmem:$0x1EA00] =	vst v63  }
0x53: {  	_ =	swait.ge [sflag:s20], $0x4000  }
0x54: {  	[sflag:s20] =	ssyncset.done $0x0  }
0x55: {  	[sflag:s20] =	ssyncadd.s32 $0xFFFFC000  }
0x56: {  	_ =	swait.ge [sflag:s21], $0x80  }
0x57: {  	[sflag:s21] =	ssyncset.done $0x0  }
0x58: {  	[sflag:s21] =	ssyncadd.s32 $0xFFFFFF80  }
0x59: {  	[spmem:s2] =	stream.indirect.scatter.add.f32 [tilespmem:s22], [sflag:$0x4], $0x80, s23, s18, $0xb8;
	[tilespmem:$0x1EA00] =	vst v63  }
0x5a: {  	_ =	swait.ge [sflag:s25], $0x4000  }
0x5b: {  	[sflag:s25] =	ssyncset.done $0x0  }
0x5c: {  	s1 =	simm.s32 $0x100;
	[sflag:s25] =	ssyncadd.s32 $0xFFFFC000  }
0x5d: {  	[tilespmem:s16], [sflag:$0x1] =	stream.indirect.gather [hbm4b:s4+s18], $0x80, s1, s18, $0xb8;
	[tilespmem:$0x1EA00] =	vst v63  }
0x5e: {  	s28 =	simm.s32 $0x2900;
	s31 =	simm.s32 $0x800;
	s15 =	smov.u32 s0  }
0x5f: {  	[tilespmem:s28], [sflag:$0x2] =	stream.linear.gather [hbm4b:s14+s3], $0x80, $0x38;
	[tilespmem:$0x1EA00] =	vst v63  }
.LBB2_4:
0x60: {  	_ =	swait.ge [sflag:s20], $0x4000  }
0x61: {  	[sflag:s20] =	ssyncset.done $0x0  }
0x62: {  	s1 =	sadd.s32 $0xFFFFFC00, s31;
	[sflag:s20] =	ssyncadd.s32 $0xFFFFC000  }
0x63: {  	s1 =	sand.u32 $0x400, s1;
	_ =	swait.ge [sflag:s21], $0x80  }
0x64: {  	s1 =	sshrl.u32 s1, $0x2;
	[sflag:s21] =	ssyncset.done $0x0  }
0x65: {  	s1 =	sor.u32 $0x2800, s1;
	[sflag:s21] =	ssyncadd.s32 $0xFFFFFF80  }
0x66: {  	[spmem:s2] =	stream.indirect.scatter.add.f32 [tilespmem:s16], [sflag:$0x3], $0x80, s1, s18, $0xb8;
	[tilespmem:$0x1EA00] =	vst v63  }
0x67: {  	s26 =	sadd.s32 $0xFFFFFE00, s31;
	_ =	swait.ge [sflag:s29], $0x4000  }
0x68: {  	s26 =	sand.u32 $0x600, s26;
	s1 =	sshra.s32 s31, $0x2;
	[sflag:s29] =	ssyncset.done $0x0  }
0x69: {  	s26 =	sshrl.u32 s26, $0x2;
	s28 =	sadd.s32 $0xFFFFFF80, s1;
	[sflag:s29] =	ssyncadd.s32 $0xFFFFC000  }
0x6a: {  	[tilespmem:s22], [sflag:$0x1] =	stream.indirect.gather [hbm4b:s4+s18], $0x80, s28, s18, $0xb8;
	[tilespmem:$0x1EA00] =	vst v63  }
0x6b: {  	s26 =	sor.u32 $0x2800, s26;
	s28 =	sadd.s32 $0xFFFFFFF0, s15  }
0x6c: {  	[tilespmem:s26], [sflag:$0x2] =	stream.linear.gather [hbm4b:s28+s3], $0x80, $0x38;
	[tilespmem:$0x1EA00] =	vst v63  }
0x6d: {  	_ =	swait.ge [sflag:s20], $0x4000  }
0x6e: {  	[sflag:s20] =	ssyncset.done $0x0  }
0x6f: {  	[sflag:s20] =	ssyncadd.s32 $0xFFFFC000  }
0x70: {  	_ =	swait.ge [sflag:s21], $0x80  }
0x71: {  	p0 =	seq.s32 s31, $0xA000;
	[sflag:s21] =	ssyncset.done $0x0  }
.Ltmp3:
0x72: {  	[sflag:s21] =	ssyncadd.s32 $0xFFFFFF80;
	(pc) =	sbr.rel @p0 .LBB2_6-.Ltmp3, $4  }
0x73: {  	[spmem:s2] =	stream.indirect.scatter.add.f32 [tilespmem:s22], [sflag:$0x4], $0x80, s26, s18, $0xb8;
	[tilespmem:$0x1EA00] =	vst v63  }
0x74: {  	_ =	swait.ge [sflag:s25], $0x4000  }
0x75: {  	[sflag:s25] =	ssyncset.done $0x0  }
0x76: {  	[sflag:s25] =	ssyncadd.s32 $0xFFFFC000  }
0x77: {  	[tilespmem:s16], [sflag:$0x1] =	stream.indirect.gather [hbm4b:s4+s18], $0x80, s1, s18, $0xb8;
	[tilespmem:$0x1EA00] =	vst v63  }
.Ltmp4:
0x78: {  	s28 =	sand.u32 $0x400, s31;
	(pc) =	sbr.rel .LBB2_4-.Ltmp4, $4  }
0x79: {  	s1 =	sshrl.u32 s28, $0x2  }
0x7a: {  	s1 =	sor.u32 $0x2800, s1  }
0x7b: {  	[tilespmem:s1], [sflag:$0x2] =	stream.linear.gather [hbm4b:s15+s3], $0x80, $0x38;
	[tilespmem:$0x1EA00] =	vst v63  }
0x7c: {  	s31 =	sadd.s32 $0x400, s31;
	s15 =	sadd.s32 $0x20, s15  }
.LBB2_7:
0x7d: {  	_ =	sfence.sel $0x180000  }
0x7e: {  	[bflag:$0x0] =	sbarrier.arrive $0xFFFF  }
0x7f: {  	_ =	strace $0x9000004A  }
0x80: {  	s0 =	stileid.u32;
	[bflag:$0x2] =	sbarrier.arrive $0xFFFF  }
0x81: {  	p0 =	sne.s32 s0, $0x0;
	s0 =	rddreg [dreg:$0x2]  }
0x82: {  	s0 =	sadd.s32 @!p0 $0x100000, s0  }
0x83: {  	[sflag:s0] =	ssyncadd.tile.s32 @!p0 $0x1;
	_ =	shalt  }
.Lfunc_end2:
_tile_overlayer_lowered:
.L_overlay_start_2:
0x84: {  	(tag) =	ssettag $0x2  }
0x85: {  	s0 =	rddreg [dreg:$0x0];
	s2 =	stileid.u32  }
0x86: {  	s1 =	rddreg [dreg:$0x1];
	p0 =	sne.s32 s2, $0x0  }
0x87: {  	s3 =	rddreg [dreg:$0x2];
	[bflag:$0x3] =	sbarrier.arrive $0xFFFF;
	s2 =	simm.s32 @!p0 $0x1C05  }
0x88: {  	[timem:s3], [sflag:s2] =	dma.local @!p0 [hbm:s0], s1  }
0x89: {  	s0 =	simm.s32 @!p0 $0x5  }
0x8a: {  	_ =	swait.ge @!p0 [sflag:s0], s1  }
0x8b: {  	s1 =	ssub.s32 @!p0 $0x0, s1;
	[sflag:s0] =	ssyncset.done @!p0 $0x0  }
0x8c: {  	[sflag:s0] =	ssyncadd.s32 @!p0 s1  }
0x8d: {  	[bflag:$0x3] =	sbarrier.arrive $0xFFFF  }
0x8e: {  	_ =	shalt  }

// kernel: kernel.16.cloned.1.call-start
scs
__scs_entry_jumppad:
0x0: {  	(pc) =	sbr.rel $0x88, $3  }
0x1: {  	(tag) =	ssettag $0x0;
	lr =	simm.s32 $0x1  }
0x2: {  	[smem:$0x3F99] =	sst lr;
	_ =	strace $0xD0000000  }
0x3: {  	_ = 	snop  }
0x4: {  	_ = 	snop  }
0x5: {  	_ = 	snop  }
0x6: {  	_ = 	snop  }
0x7: {  	_ = 	snop  }
__scs_overlays_trampoline_lowered:
0x8: {  	[smem:$0x3FA8] =	sst s0  }
0x9: {  	[smem:$0x3FA9] =	sst s1  }
0xa: {  	[smem:$0x3FAA] =	sst s2  }
0xb: {  	[smem:$0x3FAB] =	sst s3  }
0xc: {  	[smem:$0x3FAC] =	sst s4  }
0xd: {  	[smem:$0x3FAD] =	sst s5  }
0xe: {  	[smem:$0x3FAE] =	sst s6  }
0xf: {  	[smem:$0x3FAF] =	sst s7  }
0x10: {  	[smem:$0x3FB0] =	sst s8  }
0x11: {  	[smem:$0x3FB1] =	sst s9;
	s0 =	simm.s32 @!p0 $0x0  }
0x12: {  	s1 =	sld [smem:$0x3F97];
	s0 =	simm.s32 @p0 $0x1  }
0x13: {  	[smem:$0x3FB2] =	sst s0;
	s0 =	simm.s32 @!p1 $0x0  }
0x14: {  	s2 =	sld [smem:$0x3F96];
	s0 =	simm.s32 @p1 $0x1  }
0x15: {  	[smem:$0x3FB3] =	sst s0;
	s0 =	simm.s32 @!p2 $0x0  }
0x16: {  	s3 =	sld [smem:$0x3FDB];
	s0 =	simm.s32 @p2 $0x1  }
0x17: {  	s4 =	simm.s32 $0x1BF5;
	[smem:$0x3FB5] =	sst s0  }
0x18: {  	s0 =	sld [smem:$0x3F98];
	_ =	swait.ge [sflag:s4], $0x0  }
0x19: {  	s7 =	sld [smem:$0x3F99]  }
0x1a: {  	s8 =	sadd.s32 $0xFFFFE003, lr  }
0x1b: {  	s9 =	sadd.s32 $0xFFFFFEF7, lr;
	s5 =	simm.s32 $0xFFFFFFFF;
	p2 =	slt.u32 s8, $0xFFFFF086  }
0x1c: {  	p1 =	slt.u32 s9, $0xF7A;
	s5 =	simm.s32 @!p2 $0x0  }
0x1d: {  	s5 =	simm.s32 @p1 $0x1;
	p0 =	seq.s32 s7, s2  }
0x1e: {  	s7 =	smul.u32 @!p0 $0xF7A, s2;
	p2 =	seq.s32 @!p0 s5, $0x0  }
0x1f: {  	s9 =	smul.u32 $0xF7A, s1;
	s8 =	simm.s32 @!p0 $0x1BF5;
	p2 =	por !p2, p0  }
0x20: {  	[sflag:s8] =	ssyncset.s32 @!p0 $0xFFFFF086;
	s6 =	sadd.s32 @!p0 s3, s7;
	s7 =	simm.s32 @!p0 $0x108  }
0x21: {  	s3 =	sadd.s32 s3, s9;
	s6 =	sadd.s32 @!p0 $0x88, s6;
	s7 =	simm.s32 @p2 $0x1082  }
0x22: {  	[simem:s7], [sflag:s8] =	dma.local @!p0 [hbm:s6], $0xF7A  }
0x23: {  	s9 =	sor.u32 $0xD0000000, s2;
	s6 =	simm.s32 $0x108;
	_ =	swait.ge @!p0 [sflag:s8], $0x0  }
0x24: {  	s3 =	sadd.s32 $0x88, s3;
	s6 =	simm.s32 @!p1 $0x1082;
	[sflag:s4] =	ssyncset.s32 $0xFFFFF086  }
0x25: {  	[simem:s6], [sflag:s4] =	dma.local [hbm:s3], $0xF7A  }
0x26: {  	[smem:$0x3F99] =	sst s1;
	(tag) =	ssettag s2;
	_ =	strace s9  }
0x27: {  	s1 =	sld [smem:$0x3FA9]  }
0x28: {  	s2 =	sld [smem:$0x3FAA]  }
0x29: {  	s4 =	sld [smem:$0x3FAC]  }
0x2a: {  	p0 =	seq.s32 s5, $0x0;
	s5 =	sld [smem:$0x3FAD]  }
0x2b: {  	s6 =	sld [smem:$0x3FAE]  }
0x2c: {  	s7 =	sld [smem:$0x3FAF]  }
0x2d: {  	s3 =	simm.s32 $0x108;
	s8 =	sld [smem:$0x3FB0]  }
0x2e: {  	s3 =	simm.s32 @!p0 $0x1082;
	s9 =	sld [smem:$0x3FB1]  }
0x2f: {  	lr =	sadd.s32 s0, s3;
	s0 =	sld [smem:$0x3FA8]  }
0x30: {  	s3 =	sld [smem:$0x3FAB]  }
0x31: {  	[smem:$0x3FB4] =	sst s10  }
0x32: {  	s10 =	sld [smem:$0x3FB2];
	_ =	sdelay $0x3  }
0x33: {  	p0 =	seq.s32 s10, $0x1;
	s10 =	sld [smem:$0x3FB4];
	_ =	sdelay $0x3  }
0x34: {  	[smem:$0x3FB4] =	sst s10  }
0x35: {  	s10 =	sld [smem:$0x3FB3];
	_ =	sdelay $0x3  }
0x36: {  	p1 =	seq.s32 s10, $0x1;
	s10 =	sld [smem:$0x3FB4];
	_ =	sdelay $0x3  }
0x37: {  	[smem:$0x3FB4] =	sst s10  }
0x38: {  	s10 =	sld [smem:$0x3FB5]  }
0x39: {  	_ = 	snop;
	(pc) =	sbr.ind lr, $3  }
0x3a: {  	_ = 	snop  }
0x3b: {  	_ = 	snop  }
0x3c: {  	p2 =	seq.s32 s10, $0x1;
	s10 =	sld [smem:$0x3FB4]  }
0x3d: {  	_ =	shalt  }
0x3e: {  	_ =	shalt  }
0x3f: {  	_ =	shalt  }
0x40: {  	_ =	shalt  }
0x41: {  	_ =	shalt  }
0x42: {  	_ =	shalt  }
0x43: {  	_ =	shalt  }
0x44: {  	_ =	shalt  }
0x45: {  	_ =	shalt  }
0x46: {  	_ =	shalt  }
0x47: {  	_ =	shalt  }
0x48: {  	_ =	shalt  }
0x49: {  	_ =	shalt  }
0x4a: {  	_ =	shalt  }
0x4b: {  	_ =	shalt  }
0x4c: {  	_ =	shalt  }
0x4d: {  	_ =	shalt  }
0x4e: {  	_ =	shalt  }
0x4f: {  	_ =	shalt  }
0x50: {  	_ =	shalt  }
0x51: {  	_ =	shalt  }
0x52: {  	_ =	shalt  }
0x53: {  	_ =	shalt  }
0x54: {  	_ =	shalt  }
0x55: {  	_ =	shalt  }
0x56: {  	_ =	shalt  }
0x57: {  	_ =	shalt  }
0x58: {  	_ =	shalt  }
0x59: {  	_ =	shalt  }
0x5a: {  	_ =	shalt  }
0x5b: {  	_ =	shalt  }
0x5c: {  	_ =	shalt  }
0x5d: {  	_ =	shalt  }
0x5e: {  	_ =	shalt  }
0x5f: {  	_ =	shalt  }
0x60: {  	_ =	shalt  }
0x61: {  	_ =	shalt  }
0x62: {  	_ =	shalt  }
0x63: {  	_ =	shalt  }
0x64: {  	_ =	shalt  }
0x65: {  	_ =	shalt  }
0x66: {  	_ =	shalt  }
0x67: {  	_ =	shalt  }
0x68: {  	_ =	shalt  }
0x69: {  	_ =	shalt  }
0x6a: {  	_ =	shalt  }
0x6b: {  	_ =	shalt  }
0x6c: {  	_ =	shalt  }
0x6d: {  	_ =	shalt  }
0x6e: {  	_ =	shalt  }
0x6f: {  	_ =	shalt  }
0x70: {  	_ =	shalt  }
0x71: {  	_ =	shalt  }
0x72: {  	_ =	shalt  }
0x73: {  	_ =	shalt  }
0x74: {  	_ =	shalt  }
0x75: {  	_ =	shalt  }
0x76: {  	_ =	shalt  }
0x77: {  	_ =	shalt  }
0x78: {  	_ =	shalt  }
0x79: {  	_ =	shalt  }
0x7a: {  	_ =	shalt  }
0x7b: {  	_ =	shalt  }
0x7c: {  	_ =	shalt  }
0x7d: {  	_ =	shalt  }
0x7e: {  	_ =	shalt  }
0x7f: {  	_ =	shalt  }
0x80: {  	_ =	shalt  }
0x81: {  	_ =	shalt  }
0x82: {  	_ =	shalt  }
0x83: {  	_ =	shalt  }
0x84: {  	_ =	shalt  }
0x85: {  	_ =	shalt  }
0x86: {  	_ =	shalt  }
0x87: {  	_ =	shalt  }
.Lfunc_end0:
.L_simem_size_0:
called_computation.2_lowered:
.L_overlay_start_0:
0x88: {  	s2 =	sld [smem:$0x3FD9]  }
0x89: {  	s3 =	sld [smem:$0x3FFE];
	_ =	sdelay $0x1  }
0x8a: {  	s1 =	srdreg.scid  }
0x8b: {  	s0 =	sand.u32 $0x1, s1  }
0x8c: {  	s16 =	sshll.u32 s0, $0xA;
	s2 =	sadd.s32 s3, s2  }
0x8d: {  	s2 =	sadd.s32 s2, s16  }
0x8e: {  	[smem:$0x3FC0] =	sst s2  }
0x8f: {  	_ = 	snop  }
0x90: {  	(tm) =	ssettm $0x1  }
0x91: {  	s17 =	sld [smem:$0x3FFB];
	_ =	sdelay $0x3  }
0x92: {  	_ =	strace s17  }
0x93: {  	s2 =	sld [smem:$0x3FFC];
	_ =	sdelay $0x3  }
0x94: {  	_ =	strace s2  }
0x95: {  	s2 =	sld [smem:$0x3FFD];
	_ =	sdelay $0x3  }
0x96: {  	_ =	strace s2  }
0x97: {  	_ =	strace $0x8FFFFFFF  }
0x98: {  	s18 =	sld [smem:$0x3FDB];
	_ =	sdelay $0x1  }
0x99: {  	s19 =	simm.s32 $_scs_section_size  }
0x9a: {  	s4 =	simm.s32 $_size__tile_overlayer_lowered;
	s5 =	simm.s32 $_tile_overlayer_lowered  }
0x9b: {  	s22 =	simm.s32 $0x1BFF;
	s21 =	sshll.u32 s5, $0x1;
	s2 =	sadd.s32 s19, s18  }
0x9c: {  	s6 =	simm.s32 $0x0;
	s20 =	sshll.u32 s4, $0x1;
	s4 =	sadd.s32 s21, s2  }
0x9d: {  	[timem:s6], [sflag:s22] =	dma.local [hbm:s4], s20  }
0x9e: {  	_ =	swait.ge [sflag:s22], s20  }
0x9f: {  	s3 =	ssub.s32 $0x0, s20;
	[sflag:s22] =	ssyncset.done $0x0  }
0xa0: {  	[sflag:s22] =	ssyncadd.s32 s3;
	_ =	sdelay $0x1  }
0xa1: {  	s23 =	simm.s32 $0x1B8B  }
0xa2: {  	_ =	swait.ge [sflag:s23], $0x1  }
0xa3: {  	[sflag:s23] =	ssyncset.done $0x0  }
0xa4: {  	s25 =	simm.s32 $0x1B8E;
	s24 =	sld [smem:$0x3FFE];
	[sflag:s23] =	ssyncadd.s32 $0xFFFFFFFF  }
0xa5: {  	s26 =	simm.s32 $execute0_lowered;
	[smem:$0x3FD2] =	sst s25  }
0xa6: {  	s4 =	sshll.u32 s26, $0x1;
	_ =	strace $0x8000004C;
	[dreg:$0x1] =	wrdreg $0xFFFFFFFF  }
0xa7: {  	s28 =	simm.s32 $_size_execute0_lowered;
	s2 =	sadd.s32 s2, s4;
	[dreg:$0x0] =	wrdreg $0x0  }
0xa8: {  	s4 =	sshll.u32 s28, $0x1;
	[dreg:$0x2] =	wrdreg s2  }
0xa9: {  	[dreg:$0x3] =	wrdreg s4  }
0xaa: {  	[dreg:$0x4] =	wrdreg $0xC0  }
0xab: {  	_ =	task [dreg:s6], $0x5FFFF  }
0xac: {  	[dreg:$0x1] =	wrdreg $0xFFFFFFFF  }
0xad: {  	[dreg:$0x0] =	wrdreg $0x60  }
0xae: {  	[dreg:$0x2] =	wrdreg s24  }
0xaf: {  	[dreg:$0x3] =	wrdreg $0xAA000  }
0xb0: {  	[dreg:$0x4] =	wrdreg $0x9  }
0xb1: {  	_ =	task.clear_ibuf [dreg:s6], $0x5FFFF;
	_ =	strace $0x9000004C  }
0xb2: {  	s29 =	simm.s32 $0x9;
	_ =	strace $0x8000004E  }
0xb3: {  	_ =	swait.ge [sflag:s29], $0x1  }
0xb4: {  	[sflag:s29] =	ssyncadd.s32 $0xFFFFFFFF  }
0xb5: {  	_ =	strace $0x9000004E  }
0xb6: {  	_ =	sfence  }
0xb7: {  	s30 =	sld [smem:$0x0];
	_ =	sdelay $0x2  }
0xb8: {  	s31 =	sshll.u32 s1, $0xD;
	s1 =	sshrl.u32 s1, $0x2  }
0xb9: {  	s3 =	sand.u32 $0x4000, s31;
	s1 =	sadd.s32 s1, s30  }
0xba: {  	s0 =	sor.u32 s3, s0;
	s1 =	sshll.u32 s1, $0x11  }
0xbb: {  	s0 =	sor.u32 s1, s0  }
0xbc: {  	s0 =	sadd.s32 $0x8F2B, s0  }
0xbd: {  	[sflag:s0] =	ssyncadd.remote.s32 $0x1  }
0xbe: {  	_ =	sfence.sel $0xFFFF  }
0xbf: {  	[dreg:$0x0] =	wrdreg $0xFFFFFFFF;
	(pc) =	sbr.abs _section_cstart, $3  }
0xc0: {  	[dreg:$0x1] =	wrdreg $0xFFFFFFFF  }
0xc1: {  	_ =	task.clear_ibuf [dreg:s6], $0x2FFFF;
	_ =	strace $0x9FFFFFFF  }
0xc2: {  	(tm) =	ssettm $0x7FFFFFFF  }
0xc3: {  	_ =	shalt  }
tec
execute0_lowered:
.L_overlay_start_1:
0x0: {  	(tag) =	ssettag $0x1  }
0x1: {  	s1 =	rddreg [dreg:$0x0]  }
0x2: {  	s0 =	srdreg.scid;
	s2 =	rddreg [dreg:$0x1]  }
0x3: {  	s14 =	stileid.u32;
	s3 =	simm.s32 $0x0;
	s16 =	simm.s32 $0x2A00  }
0x4: {  	s17 =	simm.s32 $0x5;
	s18 =	simm.s32 $0x80;
	s19 =	simm.s32 $0x2800  }
0x5: {  	s20 =	simm.s32 $0x1;
	s21 =	simm.s32 $0x2;
	s22 =	simm.s32 $0x6A00  }
0x6: {  	s23 =	simm.s32 $0x2880;
	s25 =	simm.s32 $0x3;
	s5 =	smul.u32 $0x50000, s14  }
0x7: {  	s29 =	simm.s32 $0x4;
	s30 =	simm.s32 $0x0;
	s15 =	smul.u32 $0x500, s14  }
0x8: {  	s0 =	sand.u32 $0x1, s0;
	[smem:$0x7FF] =	sst s3;
	s24 =	smul.u32 $0x2800, s14  }
0x9: {  	s13 =	sadd.s32 $0xCE00, s1;
	s4 =	sshll.u32 s0, $0x4;
	s6 =	smul.u32 $0x28000, s0  }
0xa: {  	_ =	strace $0x8000004D;
	s7 =	ssub.s32 $0x2, s0;
	s0 =	smul.u32 $0x5000, s0  }
0xb: {  	s4 =	sor.u32 s14, s4;
	s8 =	sshrl.u32 s7, $0x1;
	s5 =	sshrl.u32 s5, $0x2  }
0xc: {  	s11 =	smul.u32 $0x500, s4;
	s4 =	sadd.s32 $0x16E00, s1;
	s5 =	sadd.s32 s5, s2  }
0xd: {  	s12 =	ssub.s32 s7, s8;
	s0 =	sadd.s32 s0, s13;
	s7 =	sadd.s32 $0x8000, s5  }
.Ltmp0:
0xe: {  	s8 =	sadd.s32 $0xC000, s5;
	s9 =	sadd.s32 $0x10000, s5;
	(pc) =	sbr.rel .LBB2_1-.Ltmp0, $4  }
0xf: {  	s12 =	smax.u32 s12, $0x1;
	s0 =	sadd.s32 s15, s0;
	s10 =	sadd.s32 s11, s1  }
0x10: {  	s1 =	sadd.s32 s6, s1;
	s6 =	sadd.s32 $0x4000, s5;
	s11 =	sadd.s32 s13, s11  }
0x11: {  	s0 =	sadd.s32 $0x40, s0;
	s10 =	sadd.s32 $0x2E00, s10;
	s1 =	sadd.s32 $0x3EE00, s1  }
0x12: {  	v0 =	vimm.f32 $0.0e+00;
	s13 =	sadd.s32 $0x10, s11;
	s14 =	sadd.s32 $0x20, s11;
	s24 =	sadd.s32 s24, s1  }
.LBB2_6:
0x13: {  	_ =	swait.ge [sflag:s29], $0x4000;
	s1 =	stileid.u32  }
0x14: {  	s15 =	sshrl.u32 s5, $0x3;
	s30 =	sadd.s32 $0x1, s30;
	[sflag:s29] =	ssyncset.done $0x0  }
0x15: {  	s1 =	sshll.u32 s1, $0x6;
	p0 =	sne.s32 s30, s12;
	[sflag:s29] =	ssyncadd.s32 $0xFFFFC000  }
.Ltmp1:
0x16: {  	s1 =	sor.u32 $0x1C05, s1;
	[bflag:$0x0] =	sbarrier.arrive $0xFFFF;
	(pc) =	sbr.rel @!p0 .LBB2_7-.Ltmp1, $4  }
0x17: {  	[hbm:s24], [sflag:s1] =	dma.local [spmem:s15], $0x2800  }
0x18: {  	_ =	swait.ge [sflag:s17], $0x2800  }
0x19: {  	[sflag:s17] =	ssyncset.done $0x0  }
0x1a: {  	[sflag:s17] =	ssyncadd.s32 $0xFFFFD800  }
.LBB2_1:
0x1b: {  	s15 =	simm.s32 $0x0;
	s1 =	simm.s32 $0x200  }
.LBB2_2:
0x1c: {  	p0 =	sne.s32 s1, $0xFE00;
	[tilespmem:s15+$0x2A70] =	vst v0  }
0x1d: {  	[tilespmem:s15+$0x2A00] =	vst v0  }
0x1e: {  	[tilespmem:s15+$0x2A10] =	vst v0  }
.Ltmp2:
0x1f: {  	[tilespmem:s15+$0x2A20] =	vst v0;
	(pc) =	sbr.rel @p0 .LBB2_2-.Ltmp2, $4  }
0x20: {  	[tilespmem:s15+$0x2A30] =	vst v0  }
0x21: {  	[tilespmem:s15+$0x2A40] =	vst v0  }
0x22: {  	[tilespmem:s15+$0x2A50] =	vst v0  }
0x23: {  	[tilespmem:s15+$0x2A60] =	vst v0;
	s15 =	sshra.s32 s1, $0x2;
	s1 =	sadd.s32 $0x200, s1  }
0x24: {  	[tilespmem:s15+$0x2A70] =	vst v0  }
0x25: {  	[tilespmem:s15+$0x2A00] =	vst v0  }
0x26: {  	[tilespmem:s15+$0x2A10] =	vst v0  }
0x27: {  	[tilespmem:s15+$0x2A20] =	vst v0  }
0x28: {  	[tilespmem:s15+$0x2A30] =	vst v0  }
0x29: {  	[tilespmem:s15+$0x2A40] =	vst v0  }
0x2a: {  	[tilespmem:s15+$0x2A50] =	vst v0  }
0x2b: {  	[tilespmem:s15+$0x2A60] =	vst v0  }
0x2c: {  	[spmem:s5] =	stream.linear.scatter [tilespmem:s16], [sflag:$0x5], $0x4000, $0x38;
	[tilespmem:$0x1EA00] =	vst v63  }
0x2d: {  	_ =	swait.ge [sflag:s17], $0x4000  }
0x2e: {  	[sflag:s17] =	ssyncset.done $0x0  }
0x2f: {  	[sflag:s17] =	ssyncadd.s32 $0xFFFFC000  }
0x30: {  	[spmem:s6] =	stream.linear.scatter [tilespmem:s16], [sflag:$0x5], $0x4000, $0x38;
	[tilespmem:$0x1EA00] =	vst v63  }
0x31: {  	_ =	swait.ge [sflag:s17], $0x4000  }
0x32: {  	[sflag:s17] =	ssyncset.done $0x0  }
0x33: {  	[sflag:s17] =	ssyncadd.s32 $0xFFFFC000  }
0x34: {  	[spmem:s7] =	stream.linear.scatter [tilespmem:s16], [sflag:$0x5], $0x4000, $0x38;
	[tilespmem:$0x1EA00] =	vst v63  }
0x35: {  	_ =	swait.ge [sflag:s17], $0x4000  }
0x36: {  	[sflag:s17] =	ssyncset.done $0x0  }
0x37: {  	[sflag:s17] =	ssyncadd.s32 $0xFFFFC000  }
0x38: {  	[spmem:s8] =	stream.linear.scatter [tilespmem:s16], [sflag:$0x5], $0x4000, $0x38;
	[tilespmem:$0x1EA00] =	vst v63  }
0x39: {  	_ =	swait.ge [sflag:s17], $0x4000  }
0x3a: {  	[sflag:s17] =	ssyncset.done $0x0  }
0x3b: {  	[sflag:s17] =	ssyncadd.s32 $0xFFFFC000  }
0x3c: {  	[spmem:s9] =	stream.linear.scatter [tilespmem:s16], [sflag:$0x5], $0x4000, $0x38;
	[tilespmem:$0x1EA00] =	vst v63  }
0x3d: {  	_ =	swait.ge [sflag:s17], $0x4000  }
0x3e: {  	[sflag:s17] =	ssyncset.done $0x0  }
0x3f: {  	[sflag:s17] =	ssyncadd.s32 $0xFFFFC000  }
0x40: {  	[tilespmem:s3], [sflag:$0x5] =	stream.linear.gather [hbm4b:s10+s3], $0x2800, $0x38;
	[tilespmem:$0x1EA00] =	vst v63  }
0x41: {  	_ =	swait.ge [sflag:s17], $0x2800  }
0x42: {  	[sflag:s17] =	ssyncset.done $0x0  }
0x43: {  	[sflag:s17] =	ssyncadd.s32 $0xFFFFD800  }
0x44: {  	[bflag:$0x0] =	sbarrier.arrive $0xFFFF  }
0x45: {  	[tilespmem:s16], [sflag:$0x1] =	stream.indirect.gather [hbm4b:s4+s18], $0x80, s3, s18, $0xb8;
	[tilespmem:$0x1EA00] =	vst v63  }
0x46: {  	_ = 	snop  }
0x47: {  	[tilespmem:s19], [sflag:$0x2] =	stream.linear.gather [hbm4b:s11+s3], $0x80, $0x38;
	[tilespmem:$0x1EA00] =	vst v63  }
0x48: {  	_ =	swait.ge [sflag:s20], $0x4000  }
0x49: {  	[sflag:s20] =	ssyncset.done $0x0  }
0x4a: {  	[sflag:s20] =	ssyncadd.s32 $0xFFFFC000  }
0x4b: {  	_ =	swait.ge [sflag:s21], $0x80  }
0x4c: {  	[sflag:s21] =	ssyncset.done $0x0  }
0x4d: {  	[sflag:s21] =	ssyncadd.s32 $0xFFFFFF80  }
0x4e: {  	[spmem:s2] =	stream.indirect.scatter.add.f32 [tilespmem:s16], [sflag:$0x3], $0x80, s19, s18, $0xb8;
	[tilespmem:$0x1EA00] =	vst v63  }
0x4f: {  	_ = 	snop  }
0x50: {  	[tilespmem:s22], [sflag:$0x1] =	stream.indirect.gather [hbm4b:s4+s18], $0x80, s18, s18, $0xb8;
	[tilespmem:$0x1EA00] =	vst v63  }
0x51: {  	_ = 	snop  }
0x52: {  	[tilespmem:s23], [sflag:$0x2] =	stream.linear.gather [hbm4b:s13+s3], $0x80, $0x38;
	[tilespmem:$0x1EA00] =	vst v63  }
0x53: {  	_ =	swait.ge [sflag:s20], $0x4000  }
0x54: {  	[sflag:s20] =	ssyncset.done $0x0  }
0x55: {  	[sflag:s20] =	ssyncadd.s32 $0xFFFFC000  }
0x56: {  	_ =	swait.ge [sflag:s21], $0x80  }
0x57: {  	[sflag:s21] =	ssyncset.done $0x0  }
0x58: {  	[sflag:s21] =	ssyncadd.s32 $0xFFFFFF80  }
0x59: {  	[spmem:s2] =	stream.indirect.scatter.add.f32 [tilespmem:s22], [sflag:$0x4], $0x80, s23, s18, $0xb8;
	[tilespmem:$0x1EA00] =	vst v63  }
0x5a: {  	_ =	swait.ge [sflag:s25], $0x4000  }
0x5b: {  	[sflag:s25] =	ssyncset.done $0x0  }
0x5c: {  	s1 =	simm.s32 $0x100;
	[sflag:s25] =	ssyncadd.s32 $0xFFFFC000  }
0x5d: {  	[tilespmem:s16], [sflag:$0x1] =	stream.indirect.gather [hbm4b:s4+s18], $0x80, s1, s18, $0xb8;
	[tilespmem:$0x1EA00] =	vst v63  }
0x5e: {  	s28 =	simm.s32 $0x2900;
	s31 =	simm.s32 $0x800;
	s15 =	smov.u32 s0  }
0x5f: {  	[tilespmem:s28], [sflag:$0x2] =	stream.linear.gather [hbm4b:s14+s3], $0x80, $0x38;
	[tilespmem:$0x1EA00] =	vst v63  }
.LBB2_4:
0x60: {  	_ =	swait.ge [sflag:s20], $0x4000  }
0x61: {  	[sflag:s20] =	ssyncset.done $0x0  }
0x62: {  	s1 =	sadd.s32 $0xFFFFFC00, s31;
	[sflag:s20] =	ssyncadd.s32 $0xFFFFC000  }
0x63: {  	s1 =	sand.u32 $0x400, s1;
	_ =	swait.ge [sflag:s21], $0x80  }
0x64: {  	s1 =	sshrl.u32 s1, $0x2;
	[sflag:s21] =	ssyncset.done $0x0  }
0x65: {  	s1 =	sor.u32 $0x2800, s1;
	[sflag:s21] =	ssyncadd.s32 $0xFFFFFF80  }
0x66: {  	[spmem:s2] =	stream.indirect.scatter.add.f32 [tilespmem:s16], [sflag:$0x3], $0x80, s1, s18, $0xb8;
	[tilespmem:$0x1EA00] =	vst v63  }
0x67: {  	s26 =	sadd.s32 $0xFFFFFE00, s31;
	_ =	swait.ge [sflag:s29], $0x4000  }
0x68: {  	s26 =	sand.u32 $0x600, s26;
	s1 =	sshra.s32 s31, $0x2;
	[sflag:s29] =	ssyncset.done $0x0  }
0x69: {  	s26 =	sshrl.u32 s26, $0x2;
	s28 =	sadd.s32 $0xFFFFFF80, s1;
	[sflag:s29] =	ssyncadd.s32 $0xFFFFC000  }
0x6a: {  	[tilespmem:s22], [sflag:$0x1] =	stream.indirect.gather [hbm4b:s4+s18], $0x80, s28, s18, $0xb8;
	[tilespmem:$0x1EA00] =	vst v63  }
0x6b: {  	s26 =	sor.u32 $0x2800, s26;
	s28 =	sadd.s32 $0xFFFFFFF0, s15  }
0x6c: {  	[tilespmem:s26], [sflag:$0x2] =	stream.linear.gather [hbm4b:s28+s3], $0x80, $0x38;
	[tilespmem:$0x1EA00] =	vst v63  }
0x6d: {  	_ =	swait.ge [sflag:s20], $0x4000  }
0x6e: {  	[sflag:s20] =	ssyncset.done $0x0  }
0x6f: {  	[sflag:s20] =	ssyncadd.s32 $0xFFFFC000  }
0x70: {  	_ =	swait.ge [sflag:s21], $0x80  }
0x71: {  	p0 =	seq.s32 s31, $0xA000;
	[sflag:s21] =	ssyncset.done $0x0  }
.Ltmp3:
0x72: {  	[sflag:s21] =	ssyncadd.s32 $0xFFFFFF80;
	(pc) =	sbr.rel @p0 .LBB2_6-.Ltmp3, $4  }
0x73: {  	[spmem:s2] =	stream.indirect.scatter.add.f32 [tilespmem:s22], [sflag:$0x4], $0x80, s26, s18, $0xb8;
	[tilespmem:$0x1EA00] =	vst v63  }
0x74: {  	_ =	swait.ge [sflag:s25], $0x4000  }
0x75: {  	[sflag:s25] =	ssyncset.done $0x0  }
0x76: {  	[sflag:s25] =	ssyncadd.s32 $0xFFFFC000  }
0x77: {  	[tilespmem:s16], [sflag:$0x1] =	stream.indirect.gather [hbm4b:s4+s18], $0x80, s1, s18, $0xb8;
	[tilespmem:$0x1EA00] =	vst v63  }
.Ltmp4:
0x78: {  	s28 =	sand.u32 $0x400, s31;
	(pc) =	sbr.rel .LBB2_4-.Ltmp4, $4  }
0x79: {  	s1 =	sshrl.u32 s28, $0x2  }
0x7a: {  	s1 =	sor.u32 $0x2800, s1  }
0x7b: {  	[tilespmem:s1], [sflag:$0x2] =	stream.linear.gather [hbm4b:s15+s3], $0x80, $0x38;
	[tilespmem:$0x1EA00] =	vst v63  }
0x7c: {  	s31 =	sadd.s32 $0x400, s31;
	s15 =	sadd.s32 $0x20, s15  }
.LBB2_7:
0x7d: {  	_ =	sfence.sel $0x180000  }
0x7e: {  	[bflag:$0x0] =	sbarrier.arrive $0xFFFF  }
0x7f: {  	_ =	strace $0x9000004D  }
0x80: {  	s0 =	stileid.u32;
	[bflag:$0x2] =	sbarrier.arrive $0xFFFF  }
0x81: {  	p0 =	sne.s32 s0, $0x0;
	s0 =	rddreg [dreg:$0x2]  }
0x82: {  	s0 =	sadd.s32 @!p0 $0x100000, s0  }
0x83: {  	[sflag:s0] =	ssyncadd.tile.s32 @!p0 $0x1;
	_ =	shalt  }
.Lfunc_end2:
_tile_overlayer_lowered:
.L_overlay_start_2:
0x84: {  	(tag) =	ssettag $0x2  }
0x85: {  	s0 =	rddreg [dreg:$0x0];
	s2 =	stileid.u32  }
0x86: {  	s1 =	rddreg [dreg:$0x1];
	p0 =	sne.s32 s2, $0x0  }
0x87: {  	s3 =	rddreg [dreg:$0x2];
	[bflag:$0x3] =	sbarrier.arrive $0xFFFF;
	s2 =	simm.s32 @!p0 $0x1C05  }
0x88: {  	[timem:s3], [sflag:s2] =	dma.local @!p0 [hbm:s0], s1  }
0x89: {  	s0 =	simm.s32 @!p0 $0x5  }
0x8a: {  	_ =	swait.ge @!p0 [sflag:s0], s1  }
0x8b: {  	s1 =	ssub.s32 @!p0 $0x0, s1;
	[sflag:s0] =	ssyncset.done @!p0 $0x0  }
0x8c: {  	[sflag:s0] =	ssyncadd.s32 @!p0 s1  }
0x8d: {  	[bflag:$0x3] =	sbarrier.arrive $0xFFFF  }
0x8e: {  	_ =	shalt  }

// kernel: kernel.19.cloned.1.call-start
scs
__scs_entry_jumppad:
0x0: {  	(pc) =	sbr.rel $0x88, $3  }
0x1: {  	(tag) =	ssettag $0x0;
	lr =	simm.s32 $0x1  }
0x2: {  	[smem:$0x3F99] =	sst lr;
	_ =	strace $0xD0000000  }
0x3: {  	_ = 	snop  }
0x4: {  	_ = 	snop  }
0x5: {  	_ = 	snop  }
0x6: {  	_ = 	snop  }
0x7: {  	_ = 	snop  }
__scs_overlays_trampoline_lowered:
0x8: {  	[smem:$0x3FA8] =	sst s0  }
0x9: {  	[smem:$0x3FA9] =	sst s1  }
0xa: {  	[smem:$0x3FAA] =	sst s2  }
0xb: {  	[smem:$0x3FAB] =	sst s3  }
0xc: {  	[smem:$0x3FAC] =	sst s4  }
0xd: {  	[smem:$0x3FAD] =	sst s5  }
0xe: {  	[smem:$0x3FAE] =	sst s6  }
0xf: {  	[smem:$0x3FAF] =	sst s7  }
0x10: {  	[smem:$0x3FB0] =	sst s8  }
0x11: {  	[smem:$0x3FB1] =	sst s9;
	s0 =	simm.s32 @!p0 $0x0  }
0x12: {  	s1 =	sld [smem:$0x3F97];
	s0 =	simm.s32 @p0 $0x1  }
0x13: {  	[smem:$0x3FB2] =	sst s0;
	s0 =	simm.s32 @!p1 $0x0  }
0x14: {  	s2 =	sld [smem:$0x3F96];
	s0 =	simm.s32 @p1 $0x1  }
0x15: {  	[smem:$0x3FB3] =	sst s0;
	s0 =	simm.s32 @!p2 $0x0  }
0x16: {  	s3 =	sld [smem:$0x3FDB];
	s0 =	simm.s32 @p2 $0x1  }
0x17: {  	s4 =	simm.s32 $0x1BF5;
	[smem:$0x3FB5] =	sst s0  }
0x18: {  	s0 =	sld [smem:$0x3F98];
	_ =	swait.ge [sflag:s4], $0x0  }
0x19: {  	s7 =	sld [smem:$0x3F99]  }
0x1a: {  	s8 =	sadd.s32 $0xFFFFE003, lr  }
0x1b: {  	s9 =	sadd.s32 $0xFFFFFEF7, lr;
	s5 =	simm.s32 $0xFFFFFFFF;
	p2 =	slt.u32 s8, $0xFFFFF086  }
0x1c: {  	p1 =	slt.u32 s9, $0xF7A;
	s5 =	simm.s32 @!p2 $0x0  }
0x1d: {  	s5 =	simm.s32 @p1 $0x1;
	p0 =	seq.s32 s7, s2  }
0x1e: {  	s7 =	smul.u32 @!p0 $0xF7A, s2;
	p2 =	seq.s32 @!p0 s5, $0x0  }
0x1f: {  	s9 =	smul.u32 $0xF7A, s1;
	s8 =	simm.s32 @!p0 $0x1BF5;
	p2 =	por !p2, p0  }
0x20: {  	[sflag:s8] =	ssyncset.s32 @!p0 $0xFFFFF086;
	s6 =	sadd.s32 @!p0 s3, s7;
	s7 =	simm.s32 @!p0 $0x108  }
0x21: {  	s3 =	sadd.s32 s3, s9;
	s6 =	sadd.s32 @!p0 $0x88, s6;
	s7 =	simm.s32 @p2 $0x1082  }
0x22: {  	[simem:s7], [sflag:s8] =	dma.local @!p0 [hbm:s6], $0xF7A  }
0x23: {  	s9 =	sor.u32 $0xD0000000, s2;
	s6 =	simm.s32 $0x108;
	_ =	swait.ge @!p0 [sflag:s8], $0x0  }
0x24: {  	s3 =	sadd.s32 $0x88, s3;
	s6 =	simm.s32 @!p1 $0x1082;
	[sflag:s4] =	ssyncset.s32 $0xFFFFF086  }
0x25: {  	[simem:s6], [sflag:s4] =	dma.local [hbm:s3], $0xF7A  }
0x26: {  	[smem:$0x3F99] =	sst s1;
	(tag) =	ssettag s2;
	_ =	strace s9  }
0x27: {  	s1 =	sld [smem:$0x3FA9]  }
0x28: {  	s2 =	sld [smem:$0x3FAA]  }
0x29: {  	s4 =	sld [smem:$0x3FAC]  }
0x2a: {  	p0 =	seq.s32 s5, $0x0;
	s5 =	sld [smem:$0x3FAD]  }
0x2b: {  	s6 =	sld [smem:$0x3FAE]  }
0x2c: {  	s7 =	sld [smem:$0x3FAF]  }
0x2d: {  	s3 =	simm.s32 $0x108;
	s8 =	sld [smem:$0x3FB0]  }
0x2e: {  	s3 =	simm.s32 @!p0 $0x1082;
	s9 =	sld [smem:$0x3FB1]  }
0x2f: {  	lr =	sadd.s32 s0, s3;
	s0 =	sld [smem:$0x3FA8]  }
0x30: {  	s3 =	sld [smem:$0x3FAB]  }
0x31: {  	[smem:$0x3FB4] =	sst s10  }
0x32: {  	s10 =	sld [smem:$0x3FB2];
	_ =	sdelay $0x3  }
0x33: {  	p0 =	seq.s32 s10, $0x1;
	s10 =	sld [smem:$0x3FB4];
	_ =	sdelay $0x3  }
0x34: {  	[smem:$0x3FB4] =	sst s10  }
0x35: {  	s10 =	sld [smem:$0x3FB3];
	_ =	sdelay $0x3  }
0x36: {  	p1 =	seq.s32 s10, $0x1;
	s10 =	sld [smem:$0x3FB4];
	_ =	sdelay $0x3  }
0x37: {  	[smem:$0x3FB4] =	sst s10  }
0x38: {  	s10 =	sld [smem:$0x3FB5]  }
0x39: {  	_ = 	snop;
	(pc) =	sbr.ind lr, $3  }
0x3a: {  	_ = 	snop  }
0x3b: {  	_ = 	snop  }
0x3c: {  	p2 =	seq.s32 s10, $0x1;
	s10 =	sld [smem:$0x3FB4]  }
0x3d: {  	_ =	shalt  }
0x3e: {  	_ =	shalt  }
0x3f: {  	_ =	shalt  }
0x40: {  	_ =	shalt  }
0x41: {  	_ =	shalt  }
0x42: {  	_ =	shalt  }
0x43: {  	_ =	shalt  }
0x44: {  	_ =	shalt  }
0x45: {  	_ =	shalt  }
0x46: {  	_ =	shalt  }
0x47: {  	_ =	shalt  }
0x48: {  	_ =	shalt  }
0x49: {  	_ =	shalt  }
0x4a: {  	_ =	shalt  }
0x4b: {  	_ =	shalt  }
0x4c: {  	_ =	shalt  }
0x4d: {  	_ =	shalt  }
0x4e: {  	_ =	shalt  }
0x4f: {  	_ =	shalt  }
0x50: {  	_ =	shalt  }
0x51: {  	_ =	shalt  }
0x52: {  	_ =	shalt  }
0x53: {  	_ =	shalt  }
0x54: {  	_ =	shalt  }
0x55: {  	_ =	shalt  }
0x56: {  	_ =	shalt  }
0x57: {  	_ =	shalt  }
0x58: {  	_ =	shalt  }
0x59: {  	_ =	shalt  }
0x5a: {  	_ =	shalt  }
0x5b: {  	_ =	shalt  }
0x5c: {  	_ =	shalt  }
0x5d: {  	_ =	shalt  }
0x5e: {  	_ =	shalt  }
0x5f: {  	_ =	shalt  }
0x60: {  	_ =	shalt  }
0x61: {  	_ =	shalt  }
0x62: {  	_ =	shalt  }
0x63: {  	_ =	shalt  }
0x64: {  	_ =	shalt  }
0x65: {  	_ =	shalt  }
0x66: {  	_ =	shalt  }
0x67: {  	_ =	shalt  }
0x68: {  	_ =	shalt  }
0x69: {  	_ =	shalt  }
0x6a: {  	_ =	shalt  }
0x6b: {  	_ =	shalt  }
0x6c: {  	_ =	shalt  }
0x6d: {  	_ =	shalt  }
0x6e: {  	_ =	shalt  }
0x6f: {  	_ =	shalt  }
0x70: {  	_ =	shalt  }
0x71: {  	_ =	shalt  }
0x72: {  	_ =	shalt  }
0x73: {  	_ =	shalt  }
0x74: {  	_ =	shalt  }
0x75: {  	_ =	shalt  }
0x76: {  	_ =	shalt  }
0x77: {  	_ =	shalt  }
0x78: {  	_ =	shalt  }
0x79: {  	_ =	shalt  }
0x7a: {  	_ =	shalt  }
0x7b: {  	_ =	shalt  }
0x7c: {  	_ =	shalt  }
0x7d: {  	_ =	shalt  }
0x7e: {  	_ =	shalt  }
0x7f: {  	_ =	shalt  }
0x80: {  	_ =	shalt  }
0x81: {  	_ =	shalt  }
0x82: {  	_ =	shalt  }
0x83: {  	_ =	shalt  }
0x84: {  	_ =	shalt  }
0x85: {  	_ =	shalt  }
0x86: {  	_ =	shalt  }
0x87: {  	_ =	shalt  }
.Lfunc_end0:
.L_simem_size_0:
called_computation.3_lowered:
.L_overlay_start_0:
0x88: {  	s2 =	sld [smem:$0x3FD9]  }
0x89: {  	s3 =	sld [smem:$0x3FFE];
	_ =	sdelay $0x1  }
0x8a: {  	s1 =	srdreg.scid  }
0x8b: {  	s0 =	sand.u32 $0x1, s1  }
0x8c: {  	s16 =	sshll.u32 s0, $0xA;
	s2 =	sadd.s32 s3, s2  }
0x8d: {  	s2 =	sadd.s32 s2, s16  }
0x8e: {  	[smem:$0x3FC0] =	sst s2  }
0x8f: {  	_ = 	snop  }
0x90: {  	(tm) =	ssettm $0x1  }
0x91: {  	s17 =	sld [smem:$0x3FFB];
	_ =	sdelay $0x3  }
0x92: {  	_ =	strace s17  }
0x93: {  	s2 =	sld [smem:$0x3FFC];
	_ =	sdelay $0x3  }
0x94: {  	_ =	strace s2  }
0x95: {  	s2 =	sld [smem:$0x3FFD];
	_ =	sdelay $0x3  }
0x96: {  	_ =	strace s2  }
0x97: {  	_ =	strace $0x8FFFFFFF  }
0x98: {  	s18 =	sld [smem:$0x3FDB];
	_ =	sdelay $0x1  }
0x99: {  	s19 =	simm.s32 $_scs_section_size  }
0x9a: {  	s4 =	simm.s32 $_size__tile_overlayer_lowered;
	s5 =	simm.s32 $_tile_overlayer_lowered  }
0x9b: {  	s22 =	simm.s32 $0x1BFF;
	s21 =	sshll.u32 s5, $0x1;
	s2 =	sadd.s32 s19, s18  }
0x9c: {  	s6 =	simm.s32 $0x0;
	s20 =	sshll.u32 s4, $0x1;
	s4 =	sadd.s32 s21, s2  }
0x9d: {  	[timem:s6], [sflag:s22] =	dma.local [hbm:s4], s20  }
0x9e: {  	_ =	swait.ge [sflag:s22], s20  }
0x9f: {  	s3 =	ssub.s32 $0x0, s20;
	[sflag:s22] =	ssyncset.done $0x0  }
0xa0: {  	[sflag:s22] =	ssyncadd.s32 s3;
	_ =	sdelay $0x1  }
0xa1: {  	s23 =	simm.s32 $0x1B8B  }
0xa2: {  	_ =	swait.ge [sflag:s23], $0x1  }
0xa3: {  	[sflag:s23] =	ssyncset.done $0x0  }
0xa4: {  	s25 =	simm.s32 $0x1B8E;
	s24 =	sld [smem:$0x3FFE];
	[sflag:s23] =	ssyncadd.s32 $0xFFFFFFFF  }
0xa5: {  	s26 =	simm.s32 $execute0_lowered;
	[smem:$0x3FD2] =	sst s25  }
0xa6: {  	s4 =	sshll.u32 s26, $0x1;
	_ =	strace $0x8000004F;
	[dreg:$0x1] =	wrdreg $0xFFFFFFFF  }
0xa7: {  	s28 =	simm.s32 $_size_execute0_lowered;
	s2 =	sadd.s32 s2, s4;
	[dreg:$0x0] =	wrdreg $0x0  }
0xa8: {  	s4 =	sshll.u32 s28, $0x1;
	[dreg:$0x2] =	wrdreg s2  }
0xa9: {  	[dreg:$0x3] =	wrdreg s4  }
0xaa: {  	[dreg:$0x4] =	wrdreg $0xC0  }
0xab: {  	_ =	task [dreg:s6], $0x5FFFF  }
0xac: {  	[dreg:$0x1] =	wrdreg $0xFFFFFFFF  }
0xad: {  	[dreg:$0x0] =	wrdreg $0x60  }
0xae: {  	[dreg:$0x2] =	wrdreg s24  }
0xaf: {  	[dreg:$0x3] =	wrdreg $0xAA000  }
0xb0: {  	[dreg:$0x4] =	wrdreg $0x9  }
0xb1: {  	_ =	task.clear_ibuf [dreg:s6], $0x5FFFF;
	_ =	strace $0x9000004F  }
0xb2: {  	s29 =	simm.s32 $0x9;
	_ =	strace $0x80000051  }
0xb3: {  	_ =	swait.ge [sflag:s29], $0x1  }
0xb4: {  	[sflag:s29] =	ssyncadd.s32 $0xFFFFFFFF  }
0xb5: {  	_ =	strace $0x90000051  }
0xb6: {  	_ =	sfence  }
0xb7: {  	s30 =	sld [smem:$0x0];
	_ =	sdelay $0x2  }
0xb8: {  	s31 =	sshll.u32 s1, $0xD;
	s1 =	sshrl.u32 s1, $0x2  }
0xb9: {  	s3 =	sand.u32 $0x4000, s31;
	s1 =	sadd.s32 s1, s30  }
0xba: {  	s0 =	sor.u32 s3, s0;
	s1 =	sshll.u32 s1, $0x11  }
0xbb: {  	s0 =	sor.u32 s1, s0  }
0xbc: {  	s0 =	sadd.s32 $0x8F2B, s0  }
0xbd: {  	[sflag:s0] =	ssyncadd.remote.s32 $0x1  }
0xbe: {  	_ =	sfence.sel $0xFFFF  }
0xbf: {  	[dreg:$0x0] =	wrdreg $0xFFFFFFFF;
	(pc) =	sbr.abs _section_cstart, $3  }
0xc0: {  	[dreg:$0x1] =	wrdreg $0xFFFFFFFF  }
0xc1: {  	_ =	task.clear_ibuf [dreg:s6], $0x2FFFF;
	_ =	strace $0x9FFFFFFF  }
0xc2: {  	(tm) =	ssettm $0x7FFFFFFF  }
0xc3: {  	_ =	shalt  }
tec
execute0_lowered:
.L_overlay_start_1:
0x0: {  	(tag) =	ssettag $0x1  }
0x1: {  	s1 =	rddreg [dreg:$0x0]  }
0x2: {  	s0 =	srdreg.scid;
	s2 =	rddreg [dreg:$0x1]  }
0x3: {  	s14 =	stileid.u32;
	s3 =	simm.s32 $0x0;
	s16 =	simm.s32 $0x2A00  }
0x4: {  	s17 =	simm.s32 $0x5;
	s18 =	simm.s32 $0x80;
	s19 =	simm.s32 $0x2800  }
0x5: {  	s20 =	simm.s32 $0x1;
	s21 =	simm.s32 $0x2;
	s22 =	simm.s32 $0x6A00  }
0x6: {  	s23 =	simm.s32 $0x2880;
	s25 =	simm.s32 $0x3;
	s5 =	smul.u32 $0x50000, s14  }
0x7: {  	s29 =	simm.s32 $0x4;
	s30 =	simm.s32 $0x0;
	s15 =	smul.u32 $0x500, s14  }
0x8: {  	s0 =	sand.u32 $0x1, s0;
	[smem:$0x7FF] =	sst s3;
	s24 =	smul.u32 $0x2800, s14  }
0x9: {  	s13 =	sadd.s32 $0xCE00, s1;
	s4 =	sshll.u32 s0, $0x4;
	s6 =	smul.u32 $0x28000, s0  }
0xa: {  	_ =	strace $0x80000050;
	s7 =	ssub.s32 $0x2, s0;
	s0 =	smul.u32 $0x5000, s0  }
0xb: {  	s4 =	sor.u32 s14, s4;
	s8 =	sshrl.u32 s7, $0x1;
	s5 =	sshrl.u32 s5, $0x2  }
0xc: {  	s11 =	smul.u32 $0x500, s4;
	s4 =	sadd.s32 $0x16E00, s1;
	s5 =	sadd.s32 s5, s2  }
0xd: {  	s12 =	ssub.s32 s7, s8;
	s0 =	sadd.s32 s0, s13;
	s7 =	sadd.s32 $0x8000, s5  }
.Ltmp0:
0xe: {  	s8 =	sadd.s32 $0xC000, s5;
	s9 =	sadd.s32 $0x10000, s5;
	(pc) =	sbr.rel .LBB2_1-.Ltmp0, $4  }
0xf: {  	s12 =	smax.u32 s12, $0x1;
	s0 =	sadd.s32 s15, s0;
	s10 =	sadd.s32 s11, s1  }
0x10: {  	s1 =	sadd.s32 s6, s1;
	s6 =	sadd.s32 $0x4000, s5;
	s11 =	sadd.s32 s13, s11  }
0x11: {  	s0 =	sadd.s32 $0x40, s0;
	s10 =	sadd.s32 $0x2E00, s10;
	s1 =	sadd.s32 $0x3EE00, s1  }
0x12: {  	v0 =	vimm.f32 $0.0e+00;
	s13 =	sadd.s32 $0x10, s11;
	s14 =	sadd.s32 $0x20, s11;
	s24 =	sadd.s32 s24, s1  }
.LBB2_6:
0x13: {  	_ =	swait.ge [sflag:s29], $0x4000;
	s1 =	stileid.u32  }
0x14: {  	s15 =	sshrl.u32 s5, $0x3;
	s30 =	sadd.s32 $0x1, s30;
	[sflag:s29] =	ssyncset.done $0x0  }
0x15: {  	s1 =	sshll.u32 s1, $0x6;
	p0 =	sne.s32 s30, s12;
	[sflag:s29] =	ssyncadd.s32 $0xFFFFC000  }
.Ltmp1:
0x16: {  	s1 =	sor.u32 $0x1C05, s1;
	[bflag:$0x0] =	sbarrier.arrive $0xFFFF;
	(pc) =	sbr.rel @!p0 .LBB2_7-.Ltmp1, $4  }
0x17: {  	[hbm:s24], [sflag:s1] =	dma.local [spmem:s15], $0x2800  }
0x18: {  	_ =	swait.ge [sflag:s17], $0x2800  }
0x19: {  	[sflag:s17] =	ssyncset.done $0x0  }
0x1a: {  	[sflag:s17] =	ssyncadd.s32 $0xFFFFD800  }
.LBB2_1:
0x1b: {  	s15 =	simm.s32 $0x0;
	s1 =	simm.s32 $0x200  }
.LBB2_2:
0x1c: {  	p0 =	sne.s32 s1, $0xFE00;
	[tilespmem:s15+$0x2A70] =	vst v0  }
0x1d: {  	[tilespmem:s15+$0x2A00] =	vst v0  }
0x1e: {  	[tilespmem:s15+$0x2A10] =	vst v0  }
.Ltmp2:
0x1f: {  	[tilespmem:s15+$0x2A20] =	vst v0;
	(pc) =	sbr.rel @p0 .LBB2_2-.Ltmp2, $4  }
0x20: {  	[tilespmem:s15+$0x2A30] =	vst v0  }
0x21: {  	[tilespmem:s15+$0x2A40] =	vst v0  }
0x22: {  	[tilespmem:s15+$0x2A50] =	vst v0  }
0x23: {  	[tilespmem:s15+$0x2A60] =	vst v0;
	s15 =	sshra.s32 s1, $0x2;
	s1 =	sadd.s32 $0x200, s1  }
0x24: {  	[tilespmem:s15+$0x2A70] =	vst v0  }
0x25: {  	[tilespmem:s15+$0x2A00] =	vst v0  }
0x26: {  	[tilespmem:s15+$0x2A10] =	vst v0  }
0x27: {  	[tilespmem:s15+$0x2A20] =	vst v0  }
0x28: {  	[tilespmem:s15+$0x2A30] =	vst v0  }
0x29: {  	[tilespmem:s15+$0x2A40] =	vst v0  }
0x2a: {  	[tilespmem:s15+$0x2A50] =	vst v0  }
0x2b: {  	[tilespmem:s15+$0x2A60] =	vst v0  }
0x2c: {  	[spmem:s5] =	stream.linear.scatter [tilespmem:s16], [sflag:$0x5], $0x4000, $0x38;
	[tilespmem:$0x1EA00] =	vst v63  }
0x2d: {  	_ =	swait.ge [sflag:s17], $0x4000  }
0x2e: {  	[sflag:s17] =	ssyncset.done $0x0  }
0x2f: {  	[sflag:s17] =	ssyncadd.s32 $0xFFFFC000  }
0x30: {  	[spmem:s6] =	stream.linear.scatter [tilespmem:s16], [sflag:$0x5], $0x4000, $0x38;
	[tilespmem:$0x1EA00] =	vst v63  }
0x31: {  	_ =	swait.ge [sflag:s17], $0x4000  }
0x32: {  	[sflag:s17] =	ssyncset.done $0x0  }
0x33: {  	[sflag:s17] =	ssyncadd.s32 $0xFFFFC000  }
0x34: {  	[spmem:s7] =	stream.linear.scatter [tilespmem:s16], [sflag:$0x5], $0x4000, $0x38;
	[tilespmem:$0x1EA00] =	vst v63  }
0x35: {  	_ =	swait.ge [sflag:s17], $0x4000  }
0x36: {  	[sflag:s17] =	ssyncset.done $0x0  }
0x37: {  	[sflag:s17] =	ssyncadd.s32 $0xFFFFC000  }
0x38: {  	[spmem:s8] =	stream.linear.scatter [tilespmem:s16], [sflag:$0x5], $0x4000, $0x38;
	[tilespmem:$0x1EA00] =	vst v63  }
0x39: {  	_ =	swait.ge [sflag:s17], $0x4000  }
0x3a: {  	[sflag:s17] =	ssyncset.done $0x0  }
0x3b: {  	[sflag:s17] =	ssyncadd.s32 $0xFFFFC000  }
0x3c: {  	[spmem:s9] =	stream.linear.scatter [tilespmem:s16], [sflag:$0x5], $0x4000, $0x38;
	[tilespmem:$0x1EA00] =	vst v63  }
0x3d: {  	_ =	swait.ge [sflag:s17], $0x4000  }
0x3e: {  	[sflag:s17] =	ssyncset.done $0x0  }
0x3f: {  	[sflag:s17] =	ssyncadd.s32 $0xFFFFC000  }
0x40: {  	[tilespmem:s3], [sflag:$0x5] =	stream.linear.gather [hbm4b:s10+s3], $0x2800, $0x38;
	[tilespmem:$0x1EA00] =	vst v63  }
0x41: {  	_ =	swait.ge [sflag:s17], $0x2800  }
0x42: {  	[sflag:s17] =	ssyncset.done $0x0  }
0x43: {  	[sflag:s17] =	ssyncadd.s32 $0xFFFFD800  }
0x44: {  	[bflag:$0x0] =	sbarrier.arrive $0xFFFF  }
0x45: {  	[tilespmem:s16], [sflag:$0x1] =	stream.indirect.gather [hbm4b:s4+s18], $0x80, s3, s18, $0xb8;
	[tilespmem:$0x1EA00] =	vst v63  }
0x46: {  	_ = 	snop  }
0x47: {  	[tilespmem:s19], [sflag:$0x2] =	stream.linear.gather [hbm4b:s11+s3], $0x80, $0x38;
	[tilespmem:$0x1EA00] =	vst v63  }
0x48: {  	_ =	swait.ge [sflag:s20], $0x4000  }
0x49: {  	[sflag:s20] =	ssyncset.done $0x0  }
0x4a: {  	[sflag:s20] =	ssyncadd.s32 $0xFFFFC000  }
0x4b: {  	_ =	swait.ge [sflag:s21], $0x80  }
0x4c: {  	[sflag:s21] =	ssyncset.done $0x0  }
0x4d: {  	[sflag:s21] =	ssyncadd.s32 $0xFFFFFF80  }
0x4e: {  	[spmem:s2] =	stream.indirect.scatter.add.f32 [tilespmem:s16], [sflag:$0x3], $0x80, s19, s18, $0xb8;
	[tilespmem:$0x1EA00] =	vst v63  }
0x4f: {  	_ = 	snop  }
0x50: {  	[tilespmem:s22], [sflag:$0x1] =	stream.indirect.gather [hbm4b:s4+s18], $0x80, s18, s18, $0xb8;
	[tilespmem:$0x1EA00] =	vst v63  }
0x51: {  	_ = 	snop  }
0x52: {  	[tilespmem:s23], [sflag:$0x2] =	stream.linear.gather [hbm4b:s13+s3], $0x80, $0x38;
	[tilespmem:$0x1EA00] =	vst v63  }
0x53: {  	_ =	swait.ge [sflag:s20], $0x4000  }
0x54: {  	[sflag:s20] =	ssyncset.done $0x0  }
0x55: {  	[sflag:s20] =	ssyncadd.s32 $0xFFFFC000  }
0x56: {  	_ =	swait.ge [sflag:s21], $0x80  }
0x57: {  	[sflag:s21] =	ssyncset.done $0x0  }
0x58: {  	[sflag:s21] =	ssyncadd.s32 $0xFFFFFF80  }
0x59: {  	[spmem:s2] =	stream.indirect.scatter.add.f32 [tilespmem:s22], [sflag:$0x4], $0x80, s23, s18, $0xb8;
	[tilespmem:$0x1EA00] =	vst v63  }
0x5a: {  	_ =	swait.ge [sflag:s25], $0x4000  }
0x5b: {  	[sflag:s25] =	ssyncset.done $0x0  }
0x5c: {  	s1 =	simm.s32 $0x100;
	[sflag:s25] =	ssyncadd.s32 $0xFFFFC000  }
0x5d: {  	[tilespmem:s16], [sflag:$0x1] =	stream.indirect.gather [hbm4b:s4+s18], $0x80, s1, s18, $0xb8;
	[tilespmem:$0x1EA00] =	vst v63  }
0x5e: {  	s28 =	simm.s32 $0x2900;
	s31 =	simm.s32 $0x800;
	s15 =	smov.u32 s0  }
0x5f: {  	[tilespmem:s28], [sflag:$0x2] =	stream.linear.gather [hbm4b:s14+s3], $0x80, $0x38;
	[tilespmem:$0x1EA00] =	vst v63  }
.LBB2_4:
0x60: {  	_ =	swait.ge [sflag:s20], $0x4000  }
0x61: {  	[sflag:s20] =	ssyncset.done $0x0  }
0x62: {  	s1 =	sadd.s32 $0xFFFFFC00, s31;
	[sflag:s20] =	ssyncadd.s32 $0xFFFFC000  }
0x63: {  	s1 =	sand.u32 $0x400, s1;
	_ =	swait.ge [sflag:s21], $0x80  }
0x64: {  	s1 =	sshrl.u32 s1, $0x2;
	[sflag:s21] =	ssyncset.done $0x0  }
0x65: {  	s1 =	sor.u32 $0x2800, s1;
	[sflag:s21] =	ssyncadd.s32 $0xFFFFFF80  }
0x66: {  	[spmem:s2] =	stream.indirect.scatter.add.f32 [tilespmem:s16], [sflag:$0x3], $0x80, s1, s18, $0xb8;
	[tilespmem:$0x1EA00] =	vst v63  }
0x67: {  	s26 =	sadd.s32 $0xFFFFFE00, s31;
	_ =	swait.ge [sflag:s29], $0x4000  }
0x68: {  	s26 =	sand.u32 $0x600, s26;
	s1 =	sshra.s32 s31, $0x2;
	[sflag:s29] =	ssyncset.done $0x0  }
0x69: {  	s26 =	sshrl.u32 s26, $0x2;
	s28 =	sadd.s32 $0xFFFFFF80, s1;
	[sflag:s29] =	ssyncadd.s32 $0xFFFFC000  }
0x6a: {  	[tilespmem:s22], [sflag:$0x1] =	stream.indirect.gather [hbm4b:s4+s18], $0x80, s28, s18, $0xb8;
	[tilespmem:$0x1EA00] =	vst v63  }
0x6b: {  	s26 =	sor.u32 $0x2800, s26;
	s28 =	sadd.s32 $0xFFFFFFF0, s15  }
0x6c: {  	[tilespmem:s26], [sflag:$0x2] =	stream.linear.gather [hbm4b:s28+s3], $0x80, $0x38;
	[tilespmem:$0x1EA00] =	vst v63  }
0x6d: {  	_ =	swait.ge [sflag:s20], $0x4000  }
0x6e: {  	[sflag:s20] =	ssyncset.done $0x0  }
0x6f: {  	[sflag:s20] =	ssyncadd.s32 $0xFFFFC000  }
0x70: {  	_ =	swait.ge [sflag:s21], $0x80  }
0x71: {  	p0 =	seq.s32 s31, $0xA000;
	[sflag:s21] =	ssyncset.done $0x0  }
.Ltmp3:
0x72: {  	[sflag:s21] =	ssyncadd.s32 $0xFFFFFF80;
	(pc) =	sbr.rel @p0 .LBB2_6-.Ltmp3, $4  }
0x73: {  	[spmem:s2] =	stream.indirect.scatter.add.f32 [tilespmem:s22], [sflag:$0x4], $0x80, s26, s18, $0xb8;
	[tilespmem:$0x1EA00] =	vst v63  }
0x74: {  	_ =	swait.ge [sflag:s25], $0x4000  }
0x75: {  	[sflag:s25] =	ssyncset.done $0x0  }
0x76: {  	[sflag:s25] =	ssyncadd.s32 $0xFFFFC000  }
0x77: {  	[tilespmem:s16], [sflag:$0x1] =	stream.indirect.gather [hbm4b:s4+s18], $0x80, s1, s18, $0xb8;
	[tilespmem:$0x1EA00] =	vst v63  }
.Ltmp4:
0x78: {  	s28 =	sand.u32 $0x400, s31;
	(pc) =	sbr.rel .LBB2_4-.Ltmp4, $4  }
0x79: {  	s1 =	sshrl.u32 s28, $0x2  }
0x7a: {  	s1 =	sor.u32 $0x2800, s1  }
0x7b: {  	[tilespmem:s1], [sflag:$0x2] =	stream.linear.gather [hbm4b:s15+s3], $0x80, $0x38;
	[tilespmem:$0x1EA00] =	vst v63  }
0x7c: {  	s31 =	sadd.s32 $0x400, s31;
	s15 =	sadd.s32 $0x20, s15  }
.LBB2_7:
0x7d: {  	_ =	sfence.sel $0x180000  }
0x7e: {  	[bflag:$0x0] =	sbarrier.arrive $0xFFFF  }
0x7f: {  	_ =	strace $0x90000050  }
0x80: {  	s0 =	stileid.u32;
	[bflag:$0x2] =	sbarrier.arrive $0xFFFF  }
0x81: {  	p0 =	sne.s32 s0, $0x0;
	s0 =	rddreg [dreg:$0x2]  }
0x82: {  	s0 =	sadd.s32 @!p0 $0x100000, s0  }
0x83: {  	[sflag:s0] =	ssyncadd.tile.s32 @!p0 $0x1;
	_ =	shalt  }
.Lfunc_end2:
_tile_overlayer_lowered:
.L_overlay_start_2:
0x84: {  	(tag) =	ssettag $0x2  }
0x85: {  	s0 =	rddreg [dreg:$0x0];
	s2 =	stileid.u32  }
0x86: {  	s1 =	rddreg [dreg:$0x1];
	p0 =	sne.s32 s2, $0x0  }
0x87: {  	s3 =	rddreg [dreg:$0x2];
	[bflag:$0x3] =	sbarrier.arrive $0xFFFF;
	s2 =	simm.s32 @!p0 $0x1C05  }
0x88: {  	[timem:s3], [sflag:s2] =	dma.local @!p0 [hbm:s0], s1  }
0x89: {  	s0 =	simm.s32 @!p0 $0x5  }
0x8a: {  	_ =	swait.ge @!p0 [sflag:s0], s1  }
0x8b: {  	s1 =	ssub.s32 @!p0 $0x0, s1;
	[sflag:s0] =	ssyncset.done @!p0 $0x0  }
0x8c: {  	[sflag:s0] =	ssyncadd.s32 @!p0 s1  }
0x8d: {  	[bflag:$0x3] =	sbarrier.arrive $0xFFFF  }
0x8e: {  	_ =	shalt  }

</sc_bundles>
